<compile_context>
chip_gen: v7x
topology: tpu7x:2x2x1
jax: 0.10.2.dev20260603
libtpu: 0.0.44.dev20260713+nightly
codegen_flags: <defaults>
</compile_context>

<pallas_src>
import functools

import jax
import jax.numpy as jnp
from jax import lax
from jax.experimental import pallas as pl
from jax.experimental.pallas import tpu as pltpu
from jax.experimental.pallas import tpu_sc as plsc

N = 10000
E = 320000
IN_C = 128
OUT_C = 64
HID = 128

NC = 2
NS = 16
NW = NC * NS

B = 128
NBLK_E = 80
EW = NBLK_E * B
EP = NW * EW
NBLK_N = 79
NP = NBLK_N * 128
ROWS_PER_TILE = NP // NS
DUMMY = N + 8

_CHUNKS = ((0, 128), (128, 128), (256, 128), (384, 128), (512, 120))

_mesh = plsc.VectorSubcoreMesh(core_axis_name="c", subcore_axis_name="s")


@functools.partial(
    pl.kernel,
    out_type=jax.ShapeDtypeStruct((NC * NP,), jnp.float32),
    mesh=_mesh,
    scratch_types=[
        pltpu.VMEM((NBLK_E, B), jnp.int32),
        pltpu.VMEM((B,), jnp.float32),
        pltpu.VMEM((ROWS_PER_TILE + 8,), jnp.float32),
        pltpu.VMEM_SHARED((NP,), jnp.float32),
        pltpu.SemaphoreType.DMA,
        pltpu.SemaphoreType.DMA,
    ],
)
def _deg_kernel(dst_hbm, out_hbm, didx2, ones_v, zeros_v, acc, sem, ssem):
    cc = lax.axis_index("c")
    ss = lax.axis_index("s")
    wid = cc * NS + ss

    pltpu.async_copy(dst_hbm.at[wid], didx2, sem)
    for k in range(B // 16):
        ones_v[pl.ds(16 * k, 16)] = jnp.ones((16,), jnp.float32)
    for k in range((ROWS_PER_TILE + 8) // 16):
        zeros_v[pl.ds(16 * k, 16)] = jnp.zeros((16,), jnp.float32)
    pltpu.sync_copy(zeros_v.at[pl.ds(0, ROWS_PER_TILE)],
                    acc.at[pl.ds(ss * ROWS_PER_TILE, ROWS_PER_TILE)])
    pltpu.make_async_copy(dst_hbm.at[wid], didx2, sem).wait()
    plsc.subcore_barrier()

    def body(i, carry):
        pltpu.async_copy(ones_v, acc.at[didx2.at[i]], ssem, add=True)
        return carry

    lax.fori_loop(0, NBLK_E, body, 0)

    def drain(i, carry):
        pltpu.make_async_copy(ones_v, acc.at[didx2.at[i]], ssem).wait()
        return carry

    lax.fori_loop(0, NBLK_E, drain, 0)
    plsc.subcore_barrier()
    pltpu.sync_copy(acc.at[pl.ds(ss * ROWS_PER_TILE, ROWS_PER_TILE)],
                    zeros_v.at[pl.ds(0, ROWS_PER_TILE)])
    pltpu.sync_copy(zeros_v.at[pl.ds(0, ROWS_PER_TILE)],
                    out_hbm.at[pl.ds(cc * NP + ss * ROWS_PER_TILE, ROWS_PER_TILE)])


@functools.partial(
    pl.kernel,
    out_type=jax.ShapeDtypeStruct((NC, NP, HID), jnp.float32),
    mesh=_mesh,
    scratch_types=[
        pltpu.VMEM((B,), jnp.int32),
        pltpu.VMEM((B,), jnp.int32),
        pltpu.VMEM((B, HID), jnp.float32),
        pltpu.VMEM_SHARED((NP, HID), jnp.float32),
        pltpu.SemaphoreType.DMA,
    ],
)
def _edge_kernel(src_hbm, dst_hbm, hs_hbm, out_hbm, sidx, didx, rows, acc, sem):
    cc = lax.axis_index("c")
    ss = lax.axis_index("s")
    wid = cc * NS + ss
    r0 = ss * ROWS_PER_TILE

    for off, sz in _CHUNKS:
        pltpu.sync_copy(hs_hbm.at[pl.ds(r0 + off, sz)], rows.at[pl.ds(0, sz)])
        pltpu.sync_copy(rows.at[pl.ds(0, sz)], acc.at[pl.ds(r0 + off, sz)])
    plsc.subcore_barrier()

    def body(i, carry):
        base = wid * EW + i * B
        pltpu.sync_copy(src_hbm.at[pl.ds(base, B)], sidx)
        pltpu.sync_copy(dst_hbm.at[pl.ds(base, B)], didx)
        pltpu.async_copy(hs_hbm.at[sidx], rows, sem).wait()
        pltpu.sync_copy(rows, acc.at[didx], add=True)
        return carry

    lax.fori_loop(0, NBLK_E, body, 0)
    plsc.subcore_barrier()
    for off, sz in _CHUNKS:
        pltpu.sync_copy(acc.at[pl.ds(r0 + off, sz)], rows.at[pl.ds(0, sz)])
        pltpu.sync_copy(rows.at[pl.ds(0, sz)],
                        out_hbm.at[cc, pl.ds(r0 + off, sz)])


def _rowscale(dinv_row):
    m = jnp.broadcast_to(dinv_row, (128, 128))
    ii = lax.broadcasted_iota(jnp.int32, (128, 128), 0)
    jj = lax.broadcasted_iota(jnp.int32, (128, 128), 1)
    d = jnp.where(ii == jj, m, 0.0)
    return jnp.dot(d, jnp.ones((128, 128), jnp.float32),
                   preferred_element_type=jnp.float32)


def _ka_body(deg_ref, x_ref, w_ref, dinvb_ref, hs_ref):
    deg = deg_ref[:, 0, :] + deg_ref[:, 1, :] + 1.0
    dinvb = _rowscale(lax.rsqrt(deg))
    dinvb_ref[...] = dinvb
    xw = jnp.dot(x_ref[...], w_ref[...], preferred_element_type=jnp.float32)
    hs_ref[...] = dinvb * xw


def _kb_body(p_ref, hs1_ref, dinvb_ref, w_ref, b_ref, hs2_ref):
    agg = p_ref[0] + p_ref[1] - hs1_ref[...]
    h = jax.nn.relu(dinvb_ref[...] * agg + b_ref[...])
    hs2_ref[...] = dinvb_ref[...] * jnp.dot(
        h, w_ref[...], preferred_element_type=jnp.float32)


def _kc_body(q_ref, hs2_ref, dinvb_ref, b_ref, out_ref):
    agg = q_ref[0] + q_ref[1] - hs2_ref[...]
    out_ref[...] = dinvb_ref[...] * agg + b_ref[...]


_ka = pl.pallas_call(
    _ka_body,
    grid=(NBLK_N,),
    in_specs=[
        pl.BlockSpec((1, 2, 128), lambda i: (i, 0, 0)),
        pl.BlockSpec((128, IN_C), lambda i: (i, 0)),
        pl.BlockSpec((IN_C, HID), lambda i: (0, 0)),
    ],
    out_specs=[
        pl.BlockSpec((128, 128), lambda i: (i, 0)),
        pl.BlockSpec((128, HID), lambda i: (i, 0)),
    ],
    out_shape=[
        jax.ShapeDtypeStruct((NP, 128), jnp.float32),
        jax.ShapeDtypeStruct((NP, HID), jnp.float32),
    ],
)

_kb = pl.pallas_call(
    _kb_body,
    grid=(NBLK_N,),
    in_specs=[
        pl.BlockSpec((2, 128, HID), lambda i: (0, i, 0)),
        pl.BlockSpec((128, HID), lambda i: (i, 0)),
        pl.BlockSpec((128, 128), lambda i: (i, 0)),
        pl.BlockSpec((HID, 128), lambda i: (0, 0)),
        pl.BlockSpec((1, HID), lambda i: (0, 0)),
    ],
    out_specs=pl.BlockSpec((128, 128), lambda i: (i, 0)),
    out_shape=jax.ShapeDtypeStruct((NP, 128), jnp.float32),
)

_kc = pl.pallas_call(
    _kc_body,
    grid=(NBLK_N,),
    in_specs=[
        pl.BlockSpec((2, 128, 128), lambda i: (0, i, 0)),
        pl.BlockSpec((128, 128), lambda i: (i, 0)),
        pl.BlockSpec((128, 128), lambda i: (i, 0)),
        pl.BlockSpec((1, 128), lambda i: (0, 0)),
    ],
    out_specs=pl.BlockSpec((128, 128), lambda i: (i, 0)),
    out_shape=jax.ShapeDtypeStruct((NP, 128), jnp.float32),
)


def kernel(x, edge_index, W1, b1, W_mu, b_mu, W_ls, b_ls):
    src = edge_index[0]
    dst = edge_index[1]
    pad = EP - E
    srcp = jnp.concatenate([src, jnp.zeros((pad,), src.dtype)])
    dstp = jnp.concatenate([dst, jnp.full((pad,), DUMMY, dst.dtype)])

    degp = _deg_kernel(dstp.reshape(NW, NBLK_E, B))
    degt = jnp.transpose(degp.reshape(NC, NBLK_N, 128), (1, 0, 2))

    xpad = jnp.pad(x, ((0, NP - N), (0, 0)))
    dinvb, hs1 = _ka(degt, xpad, W1)

    p = _edge_kernel(srcp, dstp, hs1)

    wcat = jnp.concatenate([W_mu, W_ls], axis=1)
    hs2 = _kb(p, hs1, dinvb, wcat, b1.reshape(1, HID))

    q = _edge_kernel(srcp, dstp, hs2)

    bcat = jnp.concatenate([b_mu, b_ls]).reshape(1, 128)
    outc = _kc(q, hs2, dinvb, bcat)

    return outc[:N, :OUT_C], outc[:N, OUT_C:]

# --- scband reference (transcript-rebuilt; emitter-appended) ---
"""Pipeline reference for scband-variational-gcnencoder-12472585028061 (READ-ONLY COPY).

The authoritative reference and input builder live on the scoring server;
editing this copy changes nothing except your own understanding.
"""

import jax, jax.numpy as jnp
import numpy as np

N = 10000
E = 320000
IN_C = 128
OUT_C = 64
HID = 2 * OUT_C  # 128


def _gcn_conv(x, W, b, src, dst, num_nodes):
    # PyG GCNConv with add_self_loops already applied to (src, dst):
    # out = D^{-1/2} (A + I) D^{-1/2} X W + b
    h = x @ W
    deg = jnp.zeros((num_nodes,), dtype=x.dtype).at[dst].add(1.0)
    dinv = jnp.where(deg > 0, 1.0 / jnp.sqrt(deg), 0.0)
    norm = dinv[src] * dinv[dst]
    msg = h[src] * norm[:, None]
    out = jnp.zeros((num_nodes, h.shape[1]), dtype=x.dtype).at[dst].add(msg)
    return out + b


def setup_inputs(seed: int = 0) -> dict:
    key = jax.random.key(seed)
    ks = jax.random.split(key, 9)
    x = jax.random.normal(ks[0], (N, IN_C), dtype=jnp.float32)
    edge_index = jax.random.randint(ks[1], (2, E), 0, N, dtype=jnp.int32)
    # Glorot-style init for GCN weights, zeros for bias (matches PyG defaults)
    W1 = jax.random.normal(ks[2], (IN_C, HID), dtype=jnp.float32) * (1.0 / np.sqrt(IN_C))
    b1 = jnp.zeros((HID,), dtype=jnp.float32)
    W_mu = jax.random.normal(ks[3], (HID, OUT_C), dtype=jnp.float32) * (1.0 / np.sqrt(HID))
    b_mu = jnp.zeros((OUT_C,), dtype=jnp.float32)
    W_ls = jax.random.normal(ks[4], (HID, OUT_C), dtype=jnp.float32) * (1.0 / np.sqrt(HID))
    b_ls = jnp.zeros((OUT_C,), dtype=jnp.float32)
    return {
        'x': x,
        'edge_index': edge_index,
        'W1': W1, 'b1': b1,
        'W_mu': W_mu, 'b_mu': b_mu,
        'W_ls': W_ls, 'b_ls': b_ls,
    }


def reference(x, edge_index, W1, b1, W_mu, b_mu, W_ls, b_ls):
    # Eval mode: F.dropout with training=False is identity.
    loop = jnp.arange(N, dtype=edge_index.dtype)
    src = jnp.concatenate([edge_index[0], loop])
    dst = jnp.concatenate([edge_index[1], loop])
    h = jax.nn.relu(_gcn_conv(x, W1, b1, src, dst, N))
    mu = _gcn_conv(h, W_mu, b_mu, src, dst, N)
    logstd = _gcn_conv(h, W_ls, b_ls, src, dst, N)
    return (mu, logstd)

if __name__ == "__main__":
    import jax
    _d = setup_inputs()
    print(jax.jit(kernel)(*tuple(_d.values())))

</pallas_src>

<mosaic_0001>
#map = affine_map<(d0, d1) -> (0)>
#map1 = affine_map<(d0, d1) -> (0, 0)>
#map2 = affine_map<(d0, d1) -> (0, 0, 0)>
module attributes {stable_mosaic.version = 14 : i64} {
  func.func @_edge_kernel(%arg0: i32, %arg1: i32, %arg2: memref<327680xi32, #tpu.memory_space<hbm>>, %arg3: memref<327680xi32, #tpu.memory_space<hbm>>, %arg4: memref<10112x128xf32, #tpu.memory_space<hbm>>, %arg5: memref<2x10112x128xf32, #tpu.memory_space<hbm>>, %arg6: memref<128xi32, #tpu.memory_space<vmem>>, %arg7: memref<128xi32, #tpu.memory_space<vmem>>, %arg8: memref<128x128xf32, #tpu.memory_space<vmem>>, %arg9: memref<10112x128xf32, #tpu.memory_space<vmem_shared>>, %arg10: memref<!tpu.dma_semaphore, #tpu.memory_space<semaphore_mem>>) attributes {dimension_semantics = [#tpu.dimension_semantics<core_parallel>, #tpu.dimension_semantics<subcore_parallel>], iteration_bounds = array<i64: 2, 16>, scalar_prefetch = 0 : i64, scratch_operands = 5 : i64, tpu.core_type = #tpu.core_type<sc_vector_subcore>, window_params = [{transform_indices = #map}, {transform_indices = #map}, {transform_indices = #map1}, {transform_indices = #map2}]} {
    %mul3A = arith.constant 16 : i32
    %mul3A_0 = arith.muli %arg0, %mul3A : i32
    %add3A = arith.addi %mul3A_0, %arg1 : i32
    %mul3A_1 = arith.constant 632 : i32
    %mul3A_2 = arith.muli %arg1, %mul3A_1 : i32
    %add3A_3 = arith.constant 0 : i32
    %add3A_4 = arith.addi %mul3A_2, %add3A_3 : i32
    "tpu.region"() ({
      %run_scoped3A = tpu.sem_alloc : memref<!tpu.dma_semaphore, #tpu.memory_space<semaphore_mem>>
      %dma_start3A = arith.constant 0 : i32
      %dma_start3A_49 = arith.constant 0 : i32
      %dma_start3A_50 = tpu.memref_slice %arg8[%dma_start3A, %dma_start3A_49] : memref<128x128xf32, #tpu.memory_space<vmem>> -> memref<128x128xf32, #tpu.memory_space<vmem>>
      %dma_start3A_51 = arith.constant 0 : i32
      %dma_start3A_52 = tpu.memref_slice %arg4[%add3A_4, %dma_start3A_51] : memref<10112x128xf32, #tpu.memory_space<hbm>> -> memref<128x128xf32, #tpu.memory_space<hbm>>
      %dma_start3A_53 = arith.constant 0 : i32
      %dma_start3A_54 = arith.constant 0 : i32
      %dma_start3A_55 = tpu.memref_slice %arg8[%dma_start3A_53, %dma_start3A_54] : memref<128x128xf32, #tpu.memory_space<vmem>> -> memref<128x128xf32, #tpu.memory_space<vmem>>
      %dma_start3A_56 = arith.constant 0 : i32
      %dma_start3A_57 = tpu.memref_slice %arg4[%add3A_4, %dma_start3A_56] : memref<10112x128xf32, #tpu.memory_space<hbm>> -> memref<128x128xf32, #tpu.memory_space<hbm>>
      tpu.enqueue_dma source(%dma_start3A_57 : memref<128x128xf32, #tpu.memory_space<hbm>>) target(%dma_start3A_55 : memref<128x128xf32, #tpu.memory_space<vmem>>) target_semaphore(%run_scoped3A : memref<!tpu.dma_semaphore, #tpu.memory_space<semaphore_mem>>)
      %dma_wait3A = arith.constant 0 : i32
      %dma_wait3A_58 = arith.constant 0 : i32
      %dma_wait3A_59 = tpu.memref_slice %arg8[%dma_wait3A, %dma_wait3A_58] : memref<128x128xf32, #tpu.memory_space<vmem>> -> memref<128x128xf32, #tpu.memory_space<vmem>>
      %dma_wait3A_60 = arith.constant 0 : i32
      %dma_wait3A_61 = tpu.memref_slice %arg4[%add3A_4, %dma_wait3A_60] : memref<10112x128xf32, #tpu.memory_space<hbm>> -> memref<128x128xf32, #tpu.memory_space<hbm>>
      %dma_wait3A_62 = arith.constant 0 : i32
      %dma_wait3A_63 = arith.constant 0 : i32
      %dma_wait3A_64 = tpu.memref_slice %arg8[%dma_wait3A_62, %dma_wait3A_63] : memref<128x128xf32, #tpu.memory_space<vmem>> -> memref<128x128xf32, #tpu.memory_space<vmem>>
      %dma_wait3A_65 = arith.constant 0 : i32
      %dma_wait3A_66 = tpu.memref_slice %arg4[%add3A_4, %dma_wait3A_65] : memref<10112x128xf32, #tpu.memory_space<hbm>> -> memref<128x128xf32, #tpu.memory_space<hbm>>
      tpu.wait_dma2 semaphore(%run_scoped3A : memref<!tpu.dma_semaphore, #tpu.memory_space<semaphore_mem>>) src(%dma_wait3A_66 : memref<128x128xf32, #tpu.memory_space<hbm>>) dst(%dma_wait3A_64 : memref<128x128xf32, #tpu.memory_space<vmem>>)
      tpu.yield
    }) : () -> ()
    %add3A_5 = arith.constant 0 : i32
    %add3A_6 = arith.addi %mul3A_2, %add3A_5 : i32
    "tpu.region"() ({
      %run_scoped3A = tpu.sem_alloc : memref<!tpu.dma_semaphore, #tpu.memory_space<semaphore_mem>>
      %dma_start3A = arith.constant 0 : i32
      %dma_start3A_49 = arith.constant 0 : i32
      %dma_start3A_50 = tpu.memref_slice %arg8[%dma_start3A, %dma_start3A_49] : memref<128x128xf32, #tpu.memory_space<vmem>> -> memref<128x128xf32, #tpu.memory_space<vmem>>
      %dma_start3A_51 = arith.constant 0 : i32
      %dma_start3A_52 = tpu.memref_slice %arg9[%add3A_6, %dma_start3A_51] : memref<10112x128xf32, #tpu.memory_space<vmem_shared>> -> memref<128x128xf32, #tpu.memory_space<vmem_shared>>
      %dma_start3A_53 = arith.constant 0 : i32
      %dma_start3A_54 = tpu.memref_slice %arg9[%add3A_6, %dma_start3A_53] : memref<10112x128xf32, #tpu.memory_space<vmem_shared>> -> memref<128x128xf32, #tpu.memory_space<vmem_shared>>
      %dma_start3A_55 = arith.constant 0 : i32
      %dma_start3A_56 = arith.constant 0 : i32
      %dma_start3A_57 = tpu.memref_slice %arg8[%dma_start3A_55, %dma_start3A_56] : memref<128x128xf32, #tpu.memory_space<vmem>> -> memref<128x128xf32, #tpu.memory_space<vmem>>
      tpu.enqueue_dma source(%dma_start3A_57 : memref<128x128xf32, #tpu.memory_space<vmem>>) target(%dma_start3A_54 : memref<128x128xf32, #tpu.memory_space<vmem_shared>>) target_semaphore(%run_scoped3A : memref<!tpu.dma_semaphore, #tpu.memory_space<semaphore_mem>>)
      %dma_wait3A = arith.constant 0 : i32
      %dma_wait3A_58 = arith.constant 0 : i32
      %dma_wait3A_59 = tpu.memref_slice %arg8[%dma_wait3A, %dma_wait3A_58] : memref<128x128xf32, #tpu.memory_space<vmem>> -> memref<128x128xf32, #tpu.memory_space<vmem>>
      %dma_wait3A_60 = arith.constant 0 : i32
      %dma_wait3A_61 = tpu.memref_slice %arg9[%add3A_6, %dma_wait3A_60] : memref<10112x128xf32, #tpu.memory_space<vmem_shared>> -> memref<128x128xf32, #tpu.memory_space<vmem_shared>>
      %dma_wait3A_62 = arith.constant 0 : i32
      %dma_wait3A_63 = tpu.memref_slice %arg9[%add3A_6, %dma_wait3A_62] : memref<10112x128xf32, #tpu.memory_space<vmem_shared>> -> memref<128x128xf32, #tpu.memory_space<vmem_shared>>
      %dma_wait3A_64 = arith.constant 0 : i32
      %dma_wait3A_65 = arith.constant 0 : i32
      %dma_wait3A_66 = tpu.memref_slice %arg8[%dma_wait3A_64, %dma_wait3A_65] : memref<128x128xf32, #tpu.memory_space<vmem>> -> memref<128x128xf32, #tpu.memory_space<vmem>>
      tpu.wait_dma2 semaphore(%run_scoped3A : memref<!tpu.dma_semaphore, #tpu.memory_space<semaphore_mem>>) src(%dma_wait3A_66 : memref<128x128xf32, #tpu.memory_space<vmem>>) dst(%dma_wait3A_63 : memref<128x128xf32, #tpu.memory_space<vmem_shared>>)
      tpu.yield
    }) : () -> ()
    %add3A_7 = arith.constant 128 : i32
    %add3A_8 = arith.addi %mul3A_2, %add3A_7 : i32
    "tpu.region"() ({
      %run_scoped3A = tpu.sem_alloc : memref<!tpu.dma_semaphore, #tpu.memory_space<semaphore_mem>>
      %dma_start3A = arith.constant 0 : i32
      %dma_start3A_49 = arith.constant 0 : i32
      %dma_start3A_50 = tpu.memref_slice %arg8[%dma_start3A, %dma_start3A_49] : memref<128x128xf32, #tpu.memory_space<vmem>> -> memref<128x128xf32, #tpu.memory_space<vmem>>
      %dma_start3A_51 = arith.constant 0 : i32
      %dma_start3A_52 = tpu.memref_slice %arg4[%add3A_8, %dma_start3A_51] : memref<10112x128xf32, #tpu.memory_space<hbm>> -> memref<128x128xf32, #tpu.memory_space<hbm>>
      %dma_start3A_53 = arith.constant 0 : i32
      %dma_start3A_54 = arith.constant 0 : i32
      %dma_start3A_55 = tpu.memref_slice %arg8[%dma_start3A_53, %dma_start3A_54] : memref<128x128xf32, #tpu.memory_space<vmem>> -> memref<128x128xf32, #tpu.memory_space<vmem>>
      %dma_start3A_56 = arith.constant 0 : i32
      %dma_start3A_57 = tpu.memref_slice %arg4[%add3A_8, %dma_start3A_56] : memref<10112x128xf32, #tpu.memory_space<hbm>> -> memref<128x128xf32, #tpu.memory_space<hbm>>
      tpu.enqueue_dma source(%dma_start3A_57 : memref<128x128xf32, #tpu.memory_space<hbm>>) target(%dma_start3A_55 : memref<128x128xf32, #tpu.memory_space<vmem>>) target_semaphore(%run_scoped3A : memref<!tpu.dma_semaphore, #tpu.memory_space<semaphore_mem>>)
      %dma_wait3A = arith.constant 0 : i32
      %dma_wait3A_58 = arith.constant 0 : i32
      %dma_wait3A_59 = tpu.memref_slice %arg8[%dma_wait3A, %dma_wait3A_58] : memref<128x128xf32, #tpu.memory_space<vmem>> -> memref<128x128xf32, #tpu.memory_space<vmem>>
      %dma_wait3A_60 = arith.constant 0 : i32
      %dma_wait3A_61 = tpu.memref_slice %arg4[%add3A_8, %dma_wait3A_60] : memref<10112x128xf32, #tpu.memory_space<hbm>> -> memref<128x128xf32, #tpu.memory_space<hbm>>
      %dma_wait3A_62 = arith.constant 0 : i32
      %dma_wait3A_63 = arith.constant 0 : i32
      %dma_wait3A_64 = tpu.memref_slice %arg8[%dma_wait3A_62, %dma_wait3A_63] : memref<128x128xf32, #tpu.memory_space<vmem>> -> memref<128x128xf32, #tpu.memory_space<vmem>>
      %dma_wait3A_65 = arith.constant 0 : i32
      %dma_wait3A_66 = tpu.memref_slice %arg4[%add3A_8, %dma_wait3A_65] : memref<10112x128xf32, #tpu.memory_space<hbm>> -> memref<128x128xf32, #tpu.memory_space<hbm>>
      tpu.wait_dma2 semaphore(%run_scoped3A : memref<!tpu.dma_semaphore, #tpu.memory_space<semaphore_mem>>) src(%dma_wait3A_66 : memref<128x128xf32, #tpu.memory_space<hbm>>) dst(%dma_wait3A_64 : memref<128x128xf32, #tpu.memory_space<vmem>>)
      tpu.yield
    }) : () -> ()
    %add3A_9 = arith.constant 128 : i32
    %add3A_10 = arith.addi %mul3A_2, %add3A_9 : i32
    "tpu.region"() ({
      %run_scoped3A = tpu.sem_alloc : memref<!tpu.dma_semaphore, #tpu.memory_space<semaphore_mem>>
      %dma_start3A = arith.constant 0 : i32
      %dma_start3A_49 = arith.constant 0 : i32
      %dma_start3A_50 = tpu.memref_slice %arg8[%dma_start3A, %dma_start3A_49] : memref<128x128xf32, #tpu.memory_space<vmem>> -> memref<128x128xf32, #tpu.memory_space<vmem>>
      %dma_start3A_51 = arith.constant 0 : i32
      %dma_start3A_52 = tpu.memref_slice %arg9[%add3A_10, %dma_start3A_51] : memref<10112x128xf32, #tpu.memory_space<vmem_shared>> -> memref<128x128xf32, #tpu.memory_space<vmem_shared>>
      %dma_start3A_53 = arith.constant 0 : i32
      %dma_start3A_54 = tpu.memref_slice %arg9[%add3A_10, %dma_start3A_53] : memref<10112x128xf32, #tpu.memory_space<vmem_shared>> -> memref<128x128xf32, #tpu.memory_space<vmem_shared>>
      %dma_start3A_55 = arith.constant 0 : i32
      %dma_start3A_56 = arith.constant 0 : i32
      %dma_start3A_57 = tpu.memref_slice %arg8[%dma_start3A_55, %dma_start3A_56] : memref<128x128xf32, #tpu.memory_space<vmem>> -> memref<128x128xf32, #tpu.memory_space<vmem>>
      tpu.enqueue_dma source(%dma_start3A_57 : memref<128x128xf32, #tpu.memory_space<vmem>>) target(%dma_start3A_54 : memref<128x128xf32, #tpu.memory_space<vmem_shared>>) target_semaphore(%run_scoped3A : memref<!tpu.dma_semaphore, #tpu.memory_space<semaphore_mem>>)
      %dma_wait3A = arith.constant 0 : i32
      %dma_wait3A_58 = arith.constant 0 : i32
      %dma_wait3A_59 = tpu.memref_slice %arg8[%dma_wait3A, %dma_wait3A_58] : memref<128x128xf32, #tpu.memory_space<vmem>> -> memref<128x128xf32, #tpu.memory_space<vmem>>
      %dma_wait3A_60 = arith.constant 0 : i32
      %dma_wait3A_61 = tpu.memref_slice %arg9[%add3A_10, %dma_wait3A_60] : memref<10112x128xf32, #tpu.memory_space<vmem_shared>> -> memref<128x128xf32, #tpu.memory_space<vmem_shared>>
      %dma_wait3A_62 = arith.constant 0 : i32
      %dma_wait3A_63 = tpu.memref_slice %arg9[%add3A_10, %dma_wait3A_62] : memref<10112x128xf32, #tpu.memory_space<vmem_shared>> -> memref<128x128xf32, #tpu.memory_space<vmem_shared>>
      %dma_wait3A_64 = arith.constant 0 : i32
      %dma_wait3A_65 = arith.constant 0 : i32
      %dma_wait3A_66 = tpu.memref_slice %arg8[%dma_wait3A_64, %dma_wait3A_65] : memref<128x128xf32, #tpu.memory_space<vmem>> -> memref<128x128xf32, #tpu.memory_space<vmem>>
      tpu.wait_dma2 semaphore(%run_scoped3A : memref<!tpu.dma_semaphore, #tpu.memory_space<semaphore_mem>>) src(%dma_wait3A_66 : memref<128x128xf32, #tpu.memory_space<vmem>>) dst(%dma_wait3A_63 : memref<128x128xf32, #tpu.memory_space<vmem_shared>>)
      tpu.yield
    }) : () -> ()
    %add3A_11 = arith.constant 256 : i32
    %add3A_12 = arith.addi %mul3A_2, %add3A_11 : i32
    "tpu.region"() ({
      %run_scoped3A = tpu.sem_alloc : memref<!tpu.dma_semaphore, #tpu.memory_space<semaphore_mem>>
      %dma_start3A = arith.constant 0 : i32
      %dma_start3A_49 = arith.constant 0 : i32
      %dma_start3A_50 = tpu.memref_slice %arg8[%dma_start3A, %dma_start3A_49] : memref<128x128xf32, #tpu.memory_space<vmem>> -> memref<128x128xf32, #tpu.memory_space<vmem>>
      %dma_start3A_51 = arith.constant 0 : i32
      %dma_start3A_52 = tpu.memref_slice %arg4[%add3A_12, %dma_start3A_51] : memref<10112x128xf32, #tpu.memory_space<hbm>> -> memref<128x128xf32, #tpu.memory_space<hbm>>
      %dma_start3A_53 = arith.constant 0 : i32
      %dma_start3A_54 = arith.constant 0 : i32
      %dma_start3A_55 = tpu.memref_slice %arg8[%dma_start3A_53, %dma_start3A_54] : memref<128x128xf32, #tpu.memory_space<vmem>> -> memref<128x128xf32, #tpu.memory_space<vmem>>
      %dma_start3A_56 = arith.constant 0 : i32
      %dma_start3A_57 = tpu.memref_slice %arg4[%add3A_12, %dma_start3A_56] : memref<10112x128xf32, #tpu.memory_space<hbm>> -> memref<128x128xf32, #tpu.memory_space<hbm>>
      tpu.enqueue_dma source(%dma_start3A_57 : memref<128x128xf32, #tpu.memory_space<hbm>>) target(%dma_start3A_55 : memref<128x128xf32, #tpu.memory_space<vmem>>) target_semaphore(%run_scoped3A : memref<!tpu.dma_semaphore, #tpu.memory_space<semaphore_mem>>)
      %dma_wait3A = arith.constant 0 : i32
      %dma_wait3A_58 = arith.constant 0 : i32
      %dma_wait3A_59 = tpu.memref_slice %arg8[%dma_wait3A, %dma_wait3A_58] : memref<128x128xf32, #tpu.memory_space<vmem>> -> memref<128x128xf32, #tpu.memory_space<vmem>>
      %dma_wait3A_60 = arith.constant 0 : i32
      %dma_wait3A_61 = tpu.memref_slice %arg4[%add3A_12, %dma_wait3A_60] : memref<10112x128xf32, #tpu.memory_space<hbm>> -> memref<128x128xf32, #tpu.memory_space<hbm>>
      %dma_wait3A_62 = arith.constant 0 : i32
      %dma_wait3A_63 = arith.constant 0 : i32
      %dma_wait3A_64 = tpu.memref_slice %arg8[%dma_wait3A_62, %dma_wait3A_63] : memref<128x128xf32, #tpu.memory_space<vmem>> -> memref<128x128xf32, #tpu.memory_space<vmem>>
      %dma_wait3A_65 = arith.constant 0 : i32
      %dma_wait3A_66 = tpu.memref_slice %arg4[%add3A_12, %dma_wait3A_65] : memref<10112x128xf32, #tpu.memory_space<hbm>> -> memref<128x128xf32, #tpu.memory_space<hbm>>
      tpu.wait_dma2 semaphore(%run_scoped3A : memref<!tpu.dma_semaphore, #tpu.memory_space<semaphore_mem>>) src(%dma_wait3A_66 : memref<128x128xf32, #tpu.memory_space<hbm>>) dst(%dma_wait3A_64 : memref<128x128xf32, #tpu.memory_space<vmem>>)
      tpu.yield
    }) : () -> ()
    %add3A_13 = arith.constant 256 : i32
    %add3A_14 = arith.addi %mul3A_2, %add3A_13 : i32
    "tpu.region"() ({
      %run_scoped3A = tpu.sem_alloc : memref<!tpu.dma_semaphore, #tpu.memory_space<semaphore_mem>>
      %dma_start3A = arith.constant 0 : i32
      %dma_start3A_49 = arith.constant 0 : i32
      %dma_start3A_50 = tpu.memref_slice %arg8[%dma_start3A, %dma_start3A_49] : memref<128x128xf32, #tpu.memory_space<vmem>> -> memref<128x128xf32, #tpu.memory_space<vmem>>
      %dma_start3A_51 = arith.constant 0 : i32
      %dma_start3A_52 = tpu.memref_slice %arg9[%add3A_14, %dma_start3A_51] : memref<10112x128xf32, #tpu.memory_space<vmem_shared>> -> memref<128x128xf32, #tpu.memory_space<vmem_shared>>
      %dma_start3A_53 = arith.constant 0 : i32
      %dma_start3A_54 = tpu.memref_slice %arg9[%add3A_14, %dma_start3A_53] : memref<10112x128xf32, #tpu.memory_space<vmem_shared>> -> memref<128x128xf32, #tpu.memory_space<vmem_shared>>
      %dma_start3A_55 = arith.constant 0 : i32
      %dma_start3A_56 = arith.constant 0 : i32
      %dma_start3A_57 = tpu.memref_slice %arg8[%dma_start3A_55, %dma_start3A_56] : memref<128x128xf32, #tpu.memory_space<vmem>> -> memref<128x128xf32, #tpu.memory_space<vmem>>
      tpu.enqueue_dma source(%dma_start3A_57 : memref<128x128xf32, #tpu.memory_space<vmem>>) target(%dma_start3A_54 : memref<128x128xf32, #tpu.memory_space<vmem_shared>>) target_semaphore(%run_scoped3A : memref<!tpu.dma_semaphore, #tpu.memory_space<semaphore_mem>>)
      %dma_wait3A = arith.constant 0 : i32
      %dma_wait3A_58 = arith.constant 0 : i32
      %dma_wait3A_59 = tpu.memref_slice %arg8[%dma_wait3A, %dma_wait3A_58] : memref<128x128xf32, #tpu.memory_space<vmem>> -> memref<128x128xf32, #tpu.memory_space<vmem>>
      %dma_wait3A_60 = arith.constant 0 : i32
      %dma_wait3A_61 = tpu.memref_slice %arg9[%add3A_14, %dma_wait3A_60] : memref<10112x128xf32, #tpu.memory_space<vmem_shared>> -> memref<128x128xf32, #tpu.memory_space<vmem_shared>>
      %dma_wait3A_62 = arith.constant 0 : i32
      %dma_wait3A_63 = tpu.memref_slice %arg9[%add3A_14, %dma_wait3A_62] : memref<10112x128xf32, #tpu.memory_space<vmem_shared>> -> memref<128x128xf32, #tpu.memory_space<vmem_shared>>
      %dma_wait3A_64 = arith.constant 0 : i32
      %dma_wait3A_65 = arith.constant 0 : i32
      %dma_wait3A_66 = tpu.memref_slice %arg8[%dma_wait3A_64, %dma_wait3A_65] : memref<128x128xf32, #tpu.memory_space<vmem>> -> memref<128x128xf32, #tpu.memory_space<vmem>>
      tpu.wait_dma2 semaphore(%run_scoped3A : memref<!tpu.dma_semaphore, #tpu.memory_space<semaphore_mem>>) src(%dma_wait3A_66 : memref<128x128xf32, #tpu.memory_space<vmem>>) dst(%dma_wait3A_63 : memref<128x128xf32, #tpu.memory_space<vmem_shared>>)
      tpu.yield
    }) : () -> ()
    %add3A_15 = arith.constant 384 : i32
    %add3A_16 = arith.addi %mul3A_2, %add3A_15 : i32
    "tpu.region"() ({
      %run_scoped3A = tpu.sem_alloc : memref<!tpu.dma_semaphore, #tpu.memory_space<semaphore_mem>>
      %dma_start3A = arith.constant 0 : i32
      %dma_start3A_49 = arith.constant 0 : i32
      %dma_start3A_50 = tpu.memref_slice %arg8[%dma_start3A, %dma_start3A_49] : memref<128x128xf32, #tpu.memory_space<vmem>> -> memref<128x128xf32, #tpu.memory_space<vmem>>
      %dma_start3A_51 = arith.constant 0 : i32
      %dma_start3A_52 = tpu.memref_slice %arg4[%add3A_16, %dma_start3A_51] : memref<10112x128xf32, #tpu.memory_space<hbm>> -> memref<128x128xf32, #tpu.memory_space<hbm>>
      %dma_start3A_53 = arith.constant 0 : i32
      %dma_start3A_54 = arith.constant 0 : i32
      %dma_start3A_55 = tpu.memref_slice %arg8[%dma_start3A_53, %dma_start3A_54] : memref<128x128xf32, #tpu.memory_space<vmem>> -> memref<128x128xf32, #tpu.memory_space<vmem>>
      %dma_start3A_56 = arith.constant 0 : i32
      %dma_start3A_57 = tpu.memref_slice %arg4[%add3A_16, %dma_start3A_56] : memref<10112x128xf32, #tpu.memory_space<hbm>> -> memref<128x128xf32, #tpu.memory_space<hbm>>
      tpu.enqueue_dma source(%dma_start3A_57 : memref<128x128xf32, #tpu.memory_space<hbm>>) target(%dma_start3A_55 : memref<128x128xf32, #tpu.memory_space<vmem>>) target_semaphore(%run_scoped3A : memref<!tpu.dma_semaphore, #tpu.memory_space<semaphore_mem>>)
      %dma_wait3A = arith.constant 0 : i32
      %dma_wait3A_58 = arith.constant 0 : i32
      %dma_wait3A_59 = tpu.memref_slice %arg8[%dma_wait3A, %dma_wait3A_58] : memref<128x128xf32, #tpu.memory_space<vmem>> -> memref<128x128xf32, #tpu.memory_space<vmem>>
      %dma_wait3A_60 = arith.constant 0 : i32
      %dma_wait3A_61 = tpu.memref_slice %arg4[%add3A_16, %dma_wait3A_60] : memref<10112x128xf32, #tpu.memory_space<hbm>> -> memref<128x128xf32, #tpu.memory_space<hbm>>
      %dma_wait3A_62 = arith.constant 0 : i32
      %dma_wait3A_63 = arith.constant 0 : i32
      %dma_wait3A_64 = tpu.memref_slice %arg8[%dma_wait3A_62, %dma_wait3A_63] : memref<128x128xf32, #tpu.memory_space<vmem>> -> memref<128x128xf32, #tpu.memory_space<vmem>>
      %dma_wait3A_65 = arith.constant 0 : i32
      %dma_wait3A_66 = tpu.memref_slice %arg4[%add3A_16, %dma_wait3A_65] : memref<10112x128xf32, #tpu.memory_space<hbm>> -> memref<128x128xf32, #tpu.memory_space<hbm>>
      tpu.wait_dma2 semaphore(%run_scoped3A : memref<!tpu.dma_semaphore, #tpu.memory_space<semaphore_mem>>) src(%dma_wait3A_66 : memref<128x128xf32, #tpu.memory_space<hbm>>) dst(%dma_wait3A_64 : memref<128x128xf32, #tpu.memory_space<vmem>>)
      tpu.yield
    }) : () -> ()
    %add3A_17 = arith.constant 384 : i32
    %add3A_18 = arith.addi %mul3A_2, %add3A_17 : i32
    "tpu.region"() ({
      %run_scoped3A = tpu.sem_alloc : memref<!tpu.dma_semaphore, #tpu.memory_space<semaphore_mem>>
      %dma_start3A = arith.constant 0 : i32
      %dma_start3A_49 = arith.constant 0 : i32
      %dma_start3A_50 = tpu.memref_slice %arg8[%dma_start3A, %dma_start3A_49] : memref<128x128xf32, #tpu.memory_space<vmem>> -> memref<128x128xf32, #tpu.memory_space<vmem>>
      %dma_start3A_51 = arith.constant 0 : i32
      %dma_start3A_52 = tpu.memref_slice %arg9[%add3A_18, %dma_start3A_51] : memref<10112x128xf32, #tpu.memory_space<vmem_shared>> -> memref<128x128xf32, #tpu.memory_space<vmem_shared>>
      %dma_start3A_53 = arith.constant 0 : i32
      %dma_start3A_54 = tpu.memref_slice %arg9[%add3A_18, %dma_start3A_53] : memref<10112x128xf32, #tpu.memory_space<vmem_shared>> -> memref<128x128xf32, #tpu.memory_space<vmem_shared>>
      %dma_start3A_55 = arith.constant 0 : i32
      %dma_start3A_56 = arith.constant 0 : i32
      %dma_start3A_57 = tpu.memref_slice %arg8[%dma_start3A_55, %dma_start3A_56] : memref<128x128xf32, #tpu.memory_space<vmem>> -> memref<128x128xf32, #tpu.memory_space<vmem>>
      tpu.enqueue_dma source(%dma_start3A_57 : memref<128x128xf32, #tpu.memory_space<vmem>>) target(%dma_start3A_54 : memref<128x128xf32, #tpu.memory_space<vmem_shared>>) target_semaphore(%run_scoped3A : memref<!tpu.dma_semaphore, #tpu.memory_space<semaphore_mem>>)
      %dma_wait3A = arith.constant 0 : i32
      %dma_wait3A_58 = arith.constant 0 : i32
      %dma_wait3A_59 = tpu.memref_slice %arg8[%dma_wait3A, %dma_wait3A_58] : memref<128x128xf32, #tpu.memory_space<vmem>> -> memref<128x128xf32, #tpu.memory_space<vmem>>
      %dma_wait3A_60 = arith.constant 0 : i32
      %dma_wait3A_61 = tpu.memref_slice %arg9[%add3A_18, %dma_wait3A_60] : memref<10112x128xf32, #tpu.memory_space<vmem_shared>> -> memref<128x128xf32, #tpu.memory_space<vmem_shared>>
      %dma_wait3A_62 = arith.constant 0 : i32
      %dma_wait3A_63 = tpu.memref_slice %arg9[%add3A_18, %dma_wait3A_62] : memref<10112x128xf32, #tpu.memory_space<vmem_shared>> -> memref<128x128xf32, #tpu.memory_space<vmem_shared>>
      %dma_wait3A_64 = arith.constant 0 : i32
      %dma_wait3A_65 = arith.constant 0 : i32
      %dma_wait3A_66 = tpu.memref_slice %arg8[%dma_wait3A_64, %dma_wait3A_65] : memref<128x128xf32, #tpu.memory_space<vmem>> -> memref<128x128xf32, #tpu.memory_space<vmem>>
      tpu.wait_dma2 semaphore(%run_scoped3A : memref<!tpu.dma_semaphore, #tpu.memory_space<semaphore_mem>>) src(%dma_wait3A_66 : memref<128x128xf32, #tpu.memory_space<vmem>>) dst(%dma_wait3A_63 : memref<128x128xf32, #tpu.memory_space<vmem_shared>>)
      tpu.yield
    }) : () -> ()
    %add3A_19 = arith.constant 512 : i32
    %add3A_20 = arith.addi %mul3A_2, %add3A_19 : i32
    "tpu.region"() ({
      %run_scoped3A = tpu.sem_alloc : memref<!tpu.dma_semaphore, #tpu.memory_space<semaphore_mem>>
      %dma_start3A = arith.constant 0 : i32
      %dma_start3A_49 = arith.constant 0 : i32
      %dma_start3A_50 = tpu.memref_slice %arg8[%dma_start3A, %dma_start3A_49] : memref<128x128xf32, #tpu.memory_space<vmem>> -> memref<120x128xf32, #tpu.memory_space<vmem>>
      %dma_start3A_51 = arith.constant 0 : i32
      %dma_start3A_52 = tpu.memref_slice %arg4[%add3A_20, %dma_start3A_51] : memref<10112x128xf32, #tpu.memory_space<hbm>> -> memref<120x128xf32, #tpu.memory_space<hbm>>
      %dma_start3A_53 = arith.constant 0 : i32
      %dma_start3A_54 = arith.constant 0 : i32
      %dma_start3A_55 = tpu.memref_slice %arg8[%dma_start3A_53, %dma_start3A_54] : memref<128x128xf32, #tpu.memory_space<vmem>> -> memref<120x128xf32, #tpu.memory_space<vmem>>
      %dma_start3A_56 = arith.constant 0 : i32
      %dma_start3A_57 = tpu.memref_slice %arg4[%add3A_20, %dma_start3A_56] : memref<10112x128xf32, #tpu.memory_space<hbm>> -> memref<120x128xf32, #tpu.memory_space<hbm>>
      tpu.enqueue_dma source(%dma_start3A_57 : memref<120x128xf32, #tpu.memory_space<hbm>>) target(%dma_start3A_55 : memref<120x128xf32, #tpu.memory_space<vmem>>) target_semaphore(%run_scoped3A : memref<!tpu.dma_semaphore, #tpu.memory_space<semaphore_mem>>)
      %dma_wait3A = arith.constant 0 : i32
      %dma_wait3A_58 = arith.constant 0 : i32
      %dma_wait3A_59 = tpu.memref_slice %arg8[%dma_wait3A, %dma_wait3A_58] : memref<128x128xf32, #tpu.memory_space<vmem>> -> memref<120x128xf32, #tpu.memory_space<vmem>>
      %dma_wait3A_60 = arith.constant 0 : i32
      %dma_wait3A_61 = tpu.memref_slice %arg4[%add3A_20, %dma_wait3A_60] : memref<10112x128xf32, #tpu.memory_space<hbm>> -> memref<120x128xf32, #tpu.memory_space<hbm>>
      %dma_wait3A_62 = arith.constant 0 : i32
      %dma_wait3A_63 = arith.constant 0 : i32
      %dma_wait3A_64 = tpu.memref_slice %arg8[%dma_wait3A_62, %dma_wait3A_63] : memref<128x128xf32, #tpu.memory_space<vmem>> -> memref<120x128xf32, #tpu.memory_space<vmem>>
      %dma_wait3A_65 = arith.constant 0 : i32
      %dma_wait3A_66 = tpu.memref_slice %arg4[%add3A_20, %dma_wait3A_65] : memref<10112x128xf32, #tpu.memory_space<hbm>> -> memref<120x128xf32, #tpu.memory_space<hbm>>
      tpu.wait_dma2 semaphore(%run_scoped3A : memref<!tpu.dma_semaphore, #tpu.memory_space<semaphore_mem>>) src(%dma_wait3A_66 : memref<120x128xf32, #tpu.memory_space<hbm>>) dst(%dma_wait3A_64 : memref<120x128xf32, #tpu.memory_space<vmem>>)
      tpu.yield
    }) : () -> ()
    %add3A_21 = arith.constant 512 : i32
    %add3A_22 = arith.addi %mul3A_2, %add3A_21 : i32
    "tpu.region"() ({
      %run_scoped3A = tpu.sem_alloc : memref<!tpu.dma_semaphore, #tpu.memory_space<semaphore_mem>>
      %dma_start3A = arith.constant 0 : i32
      %dma_start3A_49 = arith.constant 0 : i32
      %dma_start3A_50 = tpu.memref_slice %arg8[%dma_start3A, %dma_start3A_49] : memref<128x128xf32, #tpu.memory_space<vmem>> -> memref<120x128xf32, #tpu.memory_space<vmem>>
      %dma_start3A_51 = arith.constant 0 : i32
      %dma_start3A_52 = tpu.memref_slice %arg9[%add3A_22, %dma_start3A_51] : memref<10112x128xf32, #tpu.memory_space<vmem_shared>> -> memref<120x128xf32, #tpu.memory_space<vmem_shared>>
      %dma_start3A_53 = arith.constant 0 : i32
      %dma_start3A_54 = tpu.memref_slice %arg9[%add3A_22, %dma_start3A_53] : memref<10112x128xf32, #tpu.memory_space<vmem_shared>> -> memref<120x128xf32, #tpu.memory_space<vmem_shared>>
      %dma_start3A_55 = arith.constant 0 : i32
      %dma_start3A_56 = arith.constant 0 : i32
      %dma_start3A_57 = tpu.memref_slice %arg8[%dma_start3A_55, %dma_start3A_56] : memref<128x128xf32, #tpu.memory_space<vmem>> -> memref<120x128xf32, #tpu.memory_space<vmem>>
      tpu.enqueue_dma source(%dma_start3A_57 : memref<120x128xf32, #tpu.memory_space<vmem>>) target(%dma_start3A_54 : memref<120x128xf32, #tpu.memory_space<vmem_shared>>) target_semaphore(%run_scoped3A : memref<!tpu.dma_semaphore, #tpu.memory_space<semaphore_mem>>)
      %dma_wait3A = arith.constant 0 : i32
      %dma_wait3A_58 = arith.constant 0 : i32
      %dma_wait3A_59 = tpu.memref_slice %arg8[%dma_wait3A, %dma_wait3A_58] : memref<128x128xf32, #tpu.memory_space<vmem>> -> memref<120x128xf32, #tpu.memory_space<vmem>>
      %dma_wait3A_60 = arith.constant 0 : i32
      %dma_wait3A_61 = tpu.memref_slice %arg9[%add3A_22, %dma_wait3A_60] : memref<10112x128xf32, #tpu.memory_space<vmem_shared>> -> memref<120x128xf32, #tpu.memory_space<vmem_shared>>
      %dma_wait3A_62 = arith.constant 0 : i32
      %dma_wait3A_63 = tpu.memref_slice %arg9[%add3A_22, %dma_wait3A_62] : memref<10112x128xf32, #tpu.memory_space<vmem_shared>> -> memref<120x128xf32, #tpu.memory_space<vmem_shared>>
      %dma_wait3A_64 = arith.constant 0 : i32
      %dma_wait3A_65 = arith.constant 0 : i32
      %dma_wait3A_66 = tpu.memref_slice %arg8[%dma_wait3A_64, %dma_wait3A_65] : memref<128x128xf32, #tpu.memory_space<vmem>> -> memref<120x128xf32, #tpu.memory_space<vmem>>
      tpu.wait_dma2 semaphore(%run_scoped3A : memref<!tpu.dma_semaphore, #tpu.memory_space<semaphore_mem>>) src(%dma_wait3A_66 : memref<120x128xf32, #tpu.memory_space<vmem>>) dst(%dma_wait3A_63 : memref<120x128xf32, #tpu.memory_space<vmem_shared>>)
      tpu.yield
    }) : () -> ()
    %barrier3A = arith.constant 0 : index
    tpu.barrier barrier_id(%barrier3A)
    %scan3A = arith.constant 0 : i32
    %scan3A_23 = arith.constant 0 : i32
    %scan3A_24 = arith.constant 80 : i32
    %scan3A_25 = arith.addi %scan3A_23, %scan3A_24 : i32
    %scan3A_26 = arith.constant 1 : i32
    scf.for %scan3A_49 = %scan3A_23 to %scan3A_25 step %scan3A_26  : i32 {
      %mul3A_50 = arith.constant 10240 : i32
      %mul3A_51 = arith.muli %add3A, %mul3A_50 : i32
      %mul3A_52 = arith.constant 128 : i32
      %mul3A_53 = arith.muli %scan3A_49, %mul3A_52 : i32
      %add3A_54 = arith.addi %mul3A_51, %mul3A_53 : i32
      "tpu.region"() ({
        %run_scoped3A = tpu.sem_alloc : memref<!tpu.dma_semaphore, #tpu.memory_space<semaphore_mem>>
        %dma_start3A_59 = tpu.memref_slice %arg2[%add3A_54] : memref<327680xi32, #tpu.memory_space<hbm>> -> memref<128xi32, #tpu.memory_space<hbm>>
        %dma_start3A_60 = tpu.memref_slice %arg2[%add3A_54] : memref<327680xi32, #tpu.memory_space<hbm>> -> memref<128xi32, #tpu.memory_space<hbm>>
        tpu.enqueue_dma source(%dma_start3A_60 : memref<128xi32, #tpu.memory_space<hbm>>) target(%arg6 : memref<128xi32, #tpu.memory_space<vmem>>) target_semaphore(%run_scoped3A : memref<!tpu.dma_semaphore, #tpu.memory_space<semaphore_mem>>)
        %dma_wait3A_61 = tpu.memref_slice %arg2[%add3A_54] : memref<327680xi32, #tpu.memory_space<hbm>> -> memref<128xi32, #tpu.memory_space<hbm>>
        %dma_wait3A_62 = tpu.memref_slice %arg2[%add3A_54] : memref<327680xi32, #tpu.memory_space<hbm>> -> memref<128xi32, #tpu.memory_space<hbm>>
        tpu.wait_dma2 semaphore(%run_scoped3A : memref<!tpu.dma_semaphore, #tpu.memory_space<semaphore_mem>>) src(%dma_wait3A_62 : memref<128xi32, #tpu.memory_space<hbm>>) dst(%arg6 : memref<128xi32, #tpu.memory_space<vmem>>)
        tpu.yield
      }) : () -> ()
      "tpu.region"() ({
        %run_scoped3A = tpu.sem_alloc : memref<!tpu.dma_semaphore, #tpu.memory_space<semaphore_mem>>
        %dma_start3A_59 = tpu.memref_slice %arg3[%add3A_54] : memref<327680xi32, #tpu.memory_space<hbm>> -> memref<128xi32, #tpu.memory_space<hbm>>
        %dma_start3A_60 = tpu.memref_slice %arg3[%add3A_54] : memref<327680xi32, #tpu.memory_space<hbm>> -> memref<128xi32, #tpu.memory_space<hbm>>
        tpu.enqueue_dma source(%dma_start3A_60 : memref<128xi32, #tpu.memory_space<hbm>>) target(%arg7 : memref<128xi32, #tpu.memory_space<vmem>>) target_semaphore(%run_scoped3A : memref<!tpu.dma_semaphore, #tpu.memory_space<semaphore_mem>>)
        %dma_wait3A_61 = tpu.memref_slice %arg3[%add3A_54] : memref<327680xi32, #tpu.memory_space<hbm>> -> memref<128xi32, #tpu.memory_space<hbm>>
        %dma_wait3A_62 = tpu.memref_slice %arg3[%add3A_54] : memref<327680xi32, #tpu.memory_space<hbm>> -> memref<128xi32, #tpu.memory_space<hbm>>
        tpu.wait_dma2 semaphore(%run_scoped3A : memref<!tpu.dma_semaphore, #tpu.memory_space<semaphore_mem>>) src(%dma_wait3A_62 : memref<128xi32, #tpu.memory_space<hbm>>) dst(%arg7 : memref<128xi32, #tpu.memory_space<vmem>>)
        tpu.yield
      }) : () -> ()
      %dma_start3A = arith.constant 0 : i32
      %dma_start3A_55 = arith.constant 0 : i32
      %dma_start3A_56 = tpu.memref_slice %arg4[%dma_start3A, %dma_start3A_55] : memref<10112x128xf32, #tpu.memory_space<hbm>> -> memref<10112x128xf32, #tpu.memory_space<hbm>>
      tpu.enqueue_indirect_dma source(%dma_start3A_56 : memref<10112x128xf32, #tpu.memory_space<hbm>>) target(%arg8 : memref<128x128xf32, #tpu.memory_space<vmem>>) offsets(%arg6 : memref<128xi32, #tpu.memory_space<vmem>>) semaphore(%arg10 : memref<!tpu.dma_semaphore, #tpu.memory_space<semaphore_mem>>)
      %dma_wait3A = arith.constant 0 : i32
      %dma_wait3A_57 = arith.constant 0 : i32
      %dma_wait3A_58 = tpu.memref_slice %arg4[%dma_wait3A, %dma_wait3A_57] : memref<10112x128xf32, #tpu.memory_space<hbm>> -> memref<10112x128xf32, #tpu.memory_space<hbm>>
      tpu.wait_indirect_dma semaphore(%arg10 : memref<!tpu.dma_semaphore, #tpu.memory_space<semaphore_mem>>) src(%dma_wait3A_58 : memref<10112x128xf32, #tpu.memory_space<hbm>>) dst(%arg8 : memref<128x128xf32, #tpu.memory_space<vmem>>)
      "tpu.region"() ({
        %run_scoped3A = tpu.sem_alloc : memref<!tpu.dma_semaphore, #tpu.memory_space<semaphore_mem>>
        %dma_start3A_59 = arith.constant 0 : i32
        %dma_start3A_60 = arith.constant 0 : i32
        %dma_start3A_61 = tpu.memref_slice %arg9[%dma_start3A_59, %dma_start3A_60] : memref<10112x128xf32, #tpu.memory_space<vmem_shared>> -> memref<10112x128xf32, #tpu.memory_space<vmem_shared>>
        tpu.enqueue_indirect_dma source(%arg8 : memref<128x128xf32, #tpu.memory_space<vmem>>) target(%dma_start3A_61 : memref<10112x128xf32, #tpu.memory_space<vmem_shared>>) offsets(%arg7 : memref<128xi32, #tpu.memory_space<vmem>>) semaphore(%run_scoped3A : memref<!tpu.dma_semaphore, #tpu.memory_space<semaphore_mem>>) {add = true}
        %dma_wait3A_62 = arith.constant 0 : i32
        %dma_wait3A_63 = arith.constant 0 : i32
        %dma_wait3A_64 = tpu.memref_slice %arg9[%dma_wait3A_62, %dma_wait3A_63] : memref<10112x128xf32, #tpu.memory_space<vmem_shared>> -> memref<10112x128xf32, #tpu.memory_space<vmem_shared>>
        tpu.wait_indirect_dma semaphore(%run_scoped3A : memref<!tpu.dma_semaphore, #tpu.memory_space<semaphore_mem>>) src(%arg8 : memref<128x128xf32, #tpu.memory_space<vmem>>) dst(%dma_wait3A_64 : memref<10112x128xf32, #tpu.memory_space<vmem_shared>>)
        tpu.yield
      }) : () -> ()
    }
    %scan3A_27 = arith.constant 80 : i32
    %barrier3A_28 = arith.constant 0 : index
    tpu.barrier barrier_id(%barrier3A_28)
    %add3A_29 = arith.constant 0 : i32
    %add3A_30 = arith.addi %mul3A_2, %add3A_29 : i32
    "tpu.region"() ({
      %run_scoped3A = tpu.sem_alloc : memref<!tpu.dma_semaphore, #tpu.memory_space<semaphore_mem>>
      %dma_start3A = arith.constant 0 : i32
      %dma_start3A_49 = arith.constant 0 : i32
      %dma_start3A_50 = tpu.memref_slice %arg8[%dma_start3A, %dma_start3A_49] : memref<128x128xf32, #tpu.memory_space<vmem>> -> memref<128x128xf32, #tpu.memory_space<vmem>>
      %dma_start3A_51 = arith.constant 0 : i32
      %dma_start3A_52 = tpu.memref_slice %arg9[%add3A_30, %dma_start3A_51] : memref<10112x128xf32, #tpu.memory_space<vmem_shared>> -> memref<128x128xf32, #tpu.memory_space<vmem_shared>>
      %dma_start3A_53 = arith.constant 0 : i32
      %dma_start3A_54 = arith.constant 0 : i32
      %dma_start3A_55 = tpu.memref_slice %arg8[%dma_start3A_53, %dma_start3A_54] : memref<128x128xf32, #tpu.memory_space<vmem>> -> memref<128x128xf32, #tpu.memory_space<vmem>>
      %dma_start3A_56 = arith.constant 0 : i32
      %dma_start3A_57 = tpu.memref_slice %arg9[%add3A_30, %dma_start3A_56] : memref<10112x128xf32, #tpu.memory_space<vmem_shared>> -> memref<128x128xf32, #tpu.memory_space<vmem_shared>>
      tpu.enqueue_dma source(%dma_start3A_57 : memref<128x128xf32, #tpu.memory_space<vmem_shared>>) target(%dma_start3A_55 : memref<128x128xf32, #tpu.memory_space<vmem>>) target_semaphore(%run_scoped3A : memref<!tpu.dma_semaphore, #tpu.memory_space<semaphore_mem>>)
      %dma_wait3A = arith.constant 0 : i32
      %dma_wait3A_58 = arith.constant 0 : i32
      %dma_wait3A_59 = tpu.memref_slice %arg8[%dma_wait3A, %dma_wait3A_58] : memref<128x128xf32, #tpu.memory_space<vmem>> -> memref<128x128xf32, #tpu.memory_space<vmem>>
      %dma_wait3A_60 = arith.constant 0 : i32
      %dma_wait3A_61 = tpu.memref_slice %arg9[%add3A_30, %dma_wait3A_60] : memref<10112x128xf32, #tpu.memory_space<vmem_shared>> -> memref<128x128xf32, #tpu.memory_space<vmem_shared>>
      %dma_wait3A_62 = arith.constant 0 : i32
      %dma_wait3A_63 = arith.constant 0 : i32
      %dma_wait3A_64 = tpu.memref_slice %arg8[%dma_wait3A_62, %dma_wait3A_63] : memref<128x128xf32, #tpu.memory_space<vmem>> -> memref<128x128xf32, #tpu.memory_space<vmem>>
      %dma_wait3A_65 = arith.constant 0 : i32
      %dma_wait3A_66 = tpu.memref_slice %arg9[%add3A_30, %dma_wait3A_65] : memref<10112x128xf32, #tpu.memory_space<vmem_shared>> -> memref<128x128xf32, #tpu.memory_space<vmem_shared>>
      tpu.wait_dma2 semaphore(%run_scoped3A : memref<!tpu.dma_semaphore, #tpu.memory_space<semaphore_mem>>) src(%dma_wait3A_66 : memref<128x128xf32, #tpu.memory_space<vmem_shared>>) dst(%dma_wait3A_64 : memref<128x128xf32, #tpu.memory_space<vmem>>)
      tpu.yield
    }) : () -> ()
    %add3A_31 = arith.constant 0 : i32
    %add3A_32 = arith.addi %mul3A_2, %add3A_31 : i32
    "tpu.region"() ({
      %run_scoped3A = tpu.sem_alloc : memref<!tpu.dma_semaphore, #tpu.memory_space<semaphore_mem>>
      %dma_start3A = arith.constant 0 : i32
      %dma_start3A_49 = arith.constant 0 : i32
      %dma_start3A_50 = tpu.memref_slice %arg8[%dma_start3A, %dma_start3A_49] : memref<128x128xf32, #tpu.memory_space<vmem>> -> memref<128x128xf32, #tpu.memory_space<vmem>>
      %dma_start3A_51 = arith.constant 0 : i32
      %dma_start3A_52 = tpu.memref_slice %arg5[%arg0, %add3A_32, %dma_start3A_51] : memref<2x10112x128xf32, #tpu.memory_space<hbm>> -> memref<1x128x128xf32, #tpu.memory_space<hbm>>
      %dma_start3A_53 = tpu.memref_squeeze %dma_start3A_52 : memref<1x128x128xf32, #tpu.memory_space<hbm>> -> memref<128x128xf32, #tpu.memory_space<hbm>>
      %dma_start3A_54 = arith.constant 0 : i32
      %dma_start3A_55 = tpu.memref_slice %arg5[%arg0, %add3A_32, %dma_start3A_54] : memref<2x10112x128xf32, #tpu.memory_space<hbm>> -> memref<1x128x128xf32, #tpu.memory_space<hbm>>
      %dma_start3A_56 = tpu.memref_squeeze %dma_start3A_55 : memref<1x128x128xf32, #tpu.memory_space<hbm>> -> memref<128x128xf32, #tpu.memory_space<hbm>>
      %dma_start3A_57 = arith.constant 0 : i32
      %dma_start3A_58 = arith.constant 0 : i32
      %dma_start3A_59 = tpu.memref_slice %arg8[%dma_start3A_57, %dma_start3A_58] : memref<128x128xf32, #tpu.memory_space<vmem>> -> memref<128x128xf32, #tpu.memory_space<vmem>>
      tpu.enqueue_dma source(%dma_start3A_59 : memref<128x128xf32, #tpu.memory_space<vmem>>) target(%dma_start3A_56 : memref<128x128xf32, #tpu.memory_space<hbm>>) target_semaphore(%run_scoped3A : memref<!tpu.dma_semaphore, #tpu.memory_space<semaphore_mem>>)
      %dma_wait3A = arith.constant 0 : i32
      %dma_wait3A_60 = arith.constant 0 : i32
      %dma_wait3A_61 = tpu.memref_slice %arg8[%dma_wait3A, %dma_wait3A_60] : memref<128x128xf32, #tpu.memory_space<vmem>> -> memref<128x128xf32, #tpu.memory_space<vmem>>
      %dma_wait3A_62 = arith.constant 0 : i32
      %dma_wait3A_63 = tpu.memref_slice %arg5[%arg0, %add3A_32, %dma_wait3A_62] : memref<2x10112x128xf32, #tpu.memory_space<hbm>> -> memref<1x128x128xf32, #tpu.memory_space<hbm>>
      %dma_wait3A_64 = tpu.memref_squeeze %dma_wait3A_63 : memref<1x128x128xf32, #tpu.memory_space<hbm>> -> memref<128x128xf32, #tpu.memory_space<hbm>>
      %dma_wait3A_65 = arith.constant 0 : i32
      %dma_wait3A_66 = tpu.memref_slice %arg5[%arg0, %add3A_32, %dma_wait3A_65] : memref<2x10112x128xf32, #tpu.memory_space<hbm>> -> memref<1x128x128xf32, #tpu.memory_space<hbm>>
      %dma_wait3A_67 = tpu.memref_squeeze %dma_wait3A_66 : memref<1x128x128xf32, #tpu.memory_space<hbm>> -> memref<128x128xf32, #tpu.memory_space<hbm>>
      %dma_wait3A_68 = arith.constant 0 : i32
      %dma_wait3A_69 = arith.constant 0 : i32
      %dma_wait3A_70 = tpu.memref_slice %arg8[%dma_wait3A_68, %dma_wait3A_69] : memref<128x128xf32, #tpu.memory_space<vmem>> -> memref<128x128xf32, #tpu.memory_space<vmem>>
      tpu.wait_dma2 semaphore(%run_scoped3A : memref<!tpu.dma_semaphore, #tpu.memory_space<semaphore_mem>>) src(%dma_wait3A_70 : memref<128x128xf32, #tpu.memory_space<vmem>>) dst(%dma_wait3A_67 : memref<128x128xf32, #tpu.memory_space<hbm>>)
      tpu.yield
    }) : () -> ()
    %add3A_33 = arith.constant 128 : i32
    %add3A_34 = arith.addi %mul3A_2, %add3A_33 : i32
    "tpu.region"() ({
      %run_scoped3A = tpu.sem_alloc : memref<!tpu.dma_semaphore, #tpu.memory_space<semaphore_mem>>
      %dma_start3A = arith.constant 0 : i32
      %dma_start3A_49 = arith.constant 0 : i32
      %dma_start3A_50 = tpu.memref_slice %arg8[%dma_start3A, %dma_start3A_49] : memref<128x128xf32, #tpu.memory_space<vmem>> -> memref<128x128xf32, #tpu.memory_space<vmem>>
      %dma_start3A_51 = arith.constant 0 : i32
      %dma_start3A_52 = tpu.memref_slice %arg9[%add3A_34, %dma_start3A_51] : memref<10112x128xf32, #tpu.memory_space<vmem_shared>> -> memref<128x128xf32, #tpu.memory_space<vmem_shared>>
      %dma_start3A_53 = arith.constant 0 : i32
      %dma_start3A_54 = arith.constant 0 : i32
      %dma_start3A_55 = tpu.memref_slice %arg8[%dma_start3A_53, %dma_start3A_54] : memref<128x128xf32, #tpu.memory_space<vmem>> -> memref<128x128xf32, #tpu.memory_space<vmem>>
      %dma_start3A_56 = arith.constant 0 : i32
      %dma_start3A_57 = tpu.memref_slice %arg9[%add3A_34, %dma_start3A_56] : memref<10112x128xf32, #tpu.memory_space<vmem_shared>> -> memref<128x128xf32, #tpu.memory_space<vmem_shared>>
      tpu.enqueue_dma source(%dma_start3A_57 : memref<128x128xf32, #tpu.memory_space<vmem_shared>>) target(%dma_start3A_55 : memref<128x128xf32, #tpu.memory_space<vmem>>) target_semaphore(%run_scoped3A : memref<!tpu.dma_semaphore, #tpu.memory_space<semaphore_mem>>)
      %dma_wait3A = arith.constant 0 : i32
      %dma_wait3A_58 = arith.constant 0 : i32
      %dma_wait3A_59 = tpu.memref_slice %arg8[%dma_wait3A, %dma_wait3A_58] : memref<128x128xf32, #tpu.memory_space<vmem>> -> memref<128x128xf32, #tpu.memory_space<vmem>>
      %dma_wait3A_60 = arith.constant 0 : i32
      %dma_wait3A_61 = tpu.memref_slice %arg9[%add3A_34, %dma_wait3A_60] : memref<10112x128xf32, #tpu.memory_space<vmem_shared>> -> memref<128x128xf32, #tpu.memory_space<vmem_shared>>
      %dma_wait3A_62 = arith.constant 0 : i32
      %dma_wait3A_63 = arith.constant 0 : i32
      %dma_wait3A_64 = tpu.memref_slice %arg8[%dma_wait3A_62, %dma_wait3A_63] : memref<128x128xf32, #tpu.memory_space<vmem>> -> memref<128x128xf32, #tpu.memory_space<vmem>>
      %dma_wait3A_65 = arith.constant 0 : i32
      %dma_wait3A_66 = tpu.memref_slice %arg9[%add3A_34, %dma_wait3A_65] : memref<10112x128xf32, #tpu.memory_space<vmem_shared>> -> memref<128x128xf32, #tpu.memory_space<vmem_shared>>
      tpu.wait_dma2 semaphore(%run_scoped3A : memref<!tpu.dma_semaphore, #tpu.memory_space<semaphore_mem>>) src(%dma_wait3A_66 : memref<128x128xf32, #tpu.memory_space<vmem_shared>>) dst(%dma_wait3A_64 : memref<128x128xf32, #tpu.memory_space<vmem>>)
      tpu.yield
    }) : () -> ()
    %add3A_35 = arith.constant 128 : i32
    %add3A_36 = arith.addi %mul3A_2, %add3A_35 : i32
    "tpu.region"() ({
      %run_scoped3A = tpu.sem_alloc : memref<!tpu.dma_semaphore, #tpu.memory_space<semaphore_mem>>
      %dma_start3A = arith.constant 0 : i32
      %dma_start3A_49 = arith.constant 0 : i32
      %dma_start3A_50 = tpu.memref_slice %arg8[%dma_start3A, %dma_start3A_49] : memref<128x128xf32, #tpu.memory_space<vmem>> -> memref<128x128xf32, #tpu.memory_space<vmem>>
      %dma_start3A_51 = arith.constant 0 : i32
      %dma_start3A_52 = tpu.memref_slice %arg5[%arg0, %add3A_36, %dma_start3A_51] : memref<2x10112x128xf32, #tpu.memory_space<hbm>> -> memref<1x128x128xf32, #tpu.memory_space<hbm>>
      %dma_start3A_53 = tpu.memref_squeeze %dma_start3A_52 : memref<1x128x128xf32, #tpu.memory_space<hbm>> -> memref<128x128xf32, #tpu.memory_space<hbm>>
      %dma_start3A_54 = arith.constant 0 : i32
      %dma_start3A_55 = tpu.memref_slice %arg5[%arg0, %add3A_36, %dma_start3A_54] : memref<2x10112x128xf32, #tpu.memory_space<hbm>> -> memref<1x128x128xf32, #tpu.memory_space<hbm>>
      %dma_start3A_56 = tpu.memref_squeeze %dma_start3A_55 : memref<1x128x128xf32, #tpu.memory_space<hbm>> -> memref<128x128xf32, #tpu.memory_space<hbm>>
      %dma_start3A_57 = arith.constant 0 : i32
      %dma_start3A_58 = arith.constant 0 : i32
      %dma_start3A_59 = tpu.memref_slice %arg8[%dma_start3A_57, %dma_start3A_58] : memref<128x128xf32, #tpu.memory_space<vmem>> -> memref<128x128xf32, #tpu.memory_space<vmem>>
      tpu.enqueue_dma source(%dma_start3A_59 : memref<128x128xf32, #tpu.memory_space<vmem>>) target(%dma_start3A_56 : memref<128x128xf32, #tpu.memory_space<hbm>>) target_semaphore(%run_scoped3A : memref<!tpu.dma_semaphore, #tpu.memory_space<semaphore_mem>>)
      %dma_wait3A = arith.constant 0 : i32
      %dma_wait3A_60 = arith.constant 0 : i32
      %dma_wait3A_61 = tpu.memref_slice %arg8[%dma_wait3A, %dma_wait3A_60] : memref<128x128xf32, #tpu.memory_space<vmem>> -> memref<128x128xf32, #tpu.memory_space<vmem>>
      %dma_wait3A_62 = arith.constant 0 : i32
      %dma_wait3A_63 = tpu.memref_slice %arg5[%arg0, %add3A_36, %dma_wait3A_62] : memref<2x10112x128xf32, #tpu.memory_space<hbm>> -> memref<1x128x128xf32, #tpu.memory_space<hbm>>
      %dma_wait3A_64 = tpu.memref_squeeze %dma_wait3A_63 : memref<1x128x128xf32, #tpu.memory_space<hbm>> -> memref<128x128xf32, #tpu.memory_space<hbm>>
      %dma_wait3A_65 = arith.constant 0 : i32
      %dma_wait3A_66 = tpu.memref_slice %arg5[%arg0, %add3A_36, %dma_wait3A_65] : memref<2x10112x128xf32, #tpu.memory_space<hbm>> -> memref<1x128x128xf32, #tpu.memory_space<hbm>>
      %dma_wait3A_67 = tpu.memref_squeeze %dma_wait3A_66 : memref<1x128x128xf32, #tpu.memory_space<hbm>> -> memref<128x128xf32, #tpu.memory_space<hbm>>
      %dma_wait3A_68 = arith.constant 0 : i32
      %dma_wait3A_69 = arith.constant 0 : i32
      %dma_wait3A_70 = tpu.memref_slice %arg8[%dma_wait3A_68, %dma_wait3A_69] : memref<128x128xf32, #tpu.memory_space<vmem>> -> memref<128x128xf32, #tpu.memory_space<vmem>>
      tpu.wait_dma2 semaphore(%run_scoped3A : memref<!tpu.dma_semaphore, #tpu.memory_space<semaphore_mem>>) src(%dma_wait3A_70 : memref<128x128xf32, #tpu.memory_space<vmem>>) dst(%dma_wait3A_67 : memref<128x128xf32, #tpu.memory_space<hbm>>)
      tpu.yield
    }) : () -> ()
    %add3A_37 = arith.constant 256 : i32
    %add3A_38 = arith.addi %mul3A_2, %add3A_37 : i32
    "tpu.region"() ({
      %run_scoped3A = tpu.sem_alloc : memref<!tpu.dma_semaphore, #tpu.memory_space<semaphore_mem>>
      %dma_start3A = arith.constant 0 : i32
      %dma_start3A_49 = arith.constant 0 : i32
      %dma_start3A_50 = tpu.memref_slice %arg8[%dma_start3A, %dma_start3A_49] : memref<128x128xf32, #tpu.memory_space<vmem>> -> memref<128x128xf32, #tpu.memory_space<vmem>>
      %dma_start3A_51 = arith.constant 0 : i32
      %dma_start3A_52 = tpu.memref_slice %arg9[%add3A_38, %dma_start3A_51] : memref<10112x128xf32, #tpu.memory_space<vmem_shared>> -> memref<128x128xf32, #tpu.memory_space<vmem_shared>>
      %dma_start3A_53 = arith.constant 0 : i32
      %dma_start3A_54 = arith.constant 0 : i32
      %dma_start3A_55 = tpu.memref_slice %arg8[%dma_start3A_53, %dma_start3A_54] : memref<128x128xf32, #tpu.memory_space<vmem>> -> memref<128x128xf32, #tpu.memory_space<vmem>>
      %dma_start3A_56 = arith.constant 0 : i32
      %dma_start3A_57 = tpu.memref_slice %arg9[%add3A_38, %dma_start3A_56] : memref<10112x128xf32, #tpu.memory_space<vmem_shared>> -> memref<128x128xf32, #tpu.memory_space<vmem_shared>>
      tpu.enqueue_dma source(%dma_start3A_57 : memref<128x128xf32, #tpu.memory_space<vmem_shared>>) target(%dma_start3A_55 : memref<128x128xf32, #tpu.memory_space<vmem>>) target_semaphore(%run_scoped3A : memref<!tpu.dma_semaphore, #tpu.memory_space<semaphore_mem>>)
      %dma_wait3A = arith.constant 0 : i32
      %dma_wait3A_58 = arith.constant 0 : i32
      %dma_wait3A_59 = tpu.memref_slice %arg8[%dma_wait3A, %dma_wait3A_58] : memref<128x128xf32, #tpu.memory_space<vmem>> -> memref<128x128xf32, #tpu.memory_space<vmem>>
      %dma_wait3A_60 = arith.constant 0 : i32
      %dma_wait3A_61 = tpu.memref_slice %arg9[%add3A_38, %dma_wait3A_60] : memref<10112x128xf32, #tpu.memory_space<vmem_shared>> -> memref<128x128xf32, #tpu.memory_space<vmem_shared>>
      %dma_wait3A_62 = arith.constant 0 : i32
      %dma_wait3A_63 = arith.constant 0 : i32
      %dma_wait3A_64 = tpu.memref_slice %arg8[%dma_wait3A_62, %dma_wait3A_63] : memref<128x128xf32, #tpu.memory_space<vmem>> -> memref<128x128xf32, #tpu.memory_space<vmem>>
      %dma_wait3A_65 = arith.constant 0 : i32
      %dma_wait3A_66 = tpu.memref_slice %arg9[%add3A_38, %dma_wait3A_65] : memref<10112x128xf32, #tpu.memory_space<vmem_shared>> -> memref<128x128xf32, #tpu.memory_space<vmem_shared>>
      tpu.wait_dma2 semaphore(%run_scoped3A : memref<!tpu.dma_semaphore, #tpu.memory_space<semaphore_mem>>) src(%dma_wait3A_66 : memref<128x128xf32, #tpu.memory_space<vmem_shared>>) dst(%dma_wait3A_64 : memref<128x128xf32, #tpu.memory_space<vmem>>)
      tpu.yield
    }) : () -> ()
    %add3A_39 = arith.constant 256 : i32
    %add3A_40 = arith.addi %mul3A_2, %add3A_39 : i32
    "tpu.region"() ({
      %run_scoped3A = tpu.sem_alloc : memref<!tpu.dma_semaphore, #tpu.memory_space<semaphore_mem>>
      %dma_start3A = arith.constant 0 : i32
      %dma_start3A_49 = arith.constant 0 : i32
      %dma_start3A_50 = tpu.memref_slice %arg8[%dma_start3A, %dma_start3A_49] : memref<128x128xf32, #tpu.memory_space<vmem>> -> memref<128x128xf32, #tpu.memory_space<vmem>>
      %dma_start3A_51 = arith.constant 0 : i32
      %dma_start3A_52 = tpu.memref_slice %arg5[%arg0, %add3A_40, %dma_start3A_51] : memref<2x10112x128xf32, #tpu.memory_space<hbm>> -> memref<1x128x128xf32, #tpu.memory_space<hbm>>
      %dma_start3A_53 = tpu.memref_squeeze %dma_start3A_52 : memref<1x128x128xf32, #tpu.memory_space<hbm>> -> memref<128x128xf32, #tpu.memory_space<hbm>>
      %dma_start3A_54 = arith.constant 0 : i32
      %dma_start3A_55 = tpu.memref_slice %arg5[%arg0, %add3A_40, %dma_start3A_54] : memref<2x10112x128xf32, #tpu.memory_space<hbm>> -> memref<1x128x128xf32, #tpu.memory_space<hbm>>
      %dma_start3A_56 = tpu.memref_squeeze %dma_start3A_55 : memref<1x128x128xf32, #tpu.memory_space<hbm>> -> memref<128x128xf32, #tpu.memory_space<hbm>>
      %dma_start3A_57 = arith.constant 0 : i32
      %dma_start3A_58 = arith.constant 0 : i32
      %dma_start3A_59 = tpu.memref_slice %arg8[%dma_start3A_57, %dma_start3A_58] : memref<128x128xf32, #tpu.memory_space<vmem>> -> memref<128x128xf32, #tpu.memory_space<vmem>>
      tpu.enqueue_dma source(%dma_start3A_59 : memref<128x128xf32, #tpu.memory_space<vmem>>) target(%dma_start3A_56 : memref<128x128xf32, #tpu.memory_space<hbm>>) target_semaphore(%run_scoped3A : memref<!tpu.dma_semaphore, #tpu.memory_space<semaphore_mem>>)
      %dma_wait3A = arith.constant 0 : i32
      %dma_wait3A_60 = arith.constant 0 : i32
      %dma_wait3A_61 = tpu.memref_slice %arg8[%dma_wait3A, %dma_wait3A_60] : memref<128x128xf32, #tpu.memory_space<vmem>> -> memref<128x128xf32, #tpu.memory_space<vmem>>
      %dma_wait3A_62 = arith.constant 0 : i32
      %dma_wait3A_63 = tpu.memref_slice %arg5[%arg0, %add3A_40, %dma_wait3A_62] : memref<2x10112x128xf32, #tpu.memory_space<hbm>> -> memref<1x128x128xf32, #tpu.memory_space<hbm>>
      %dma_wait3A_64 = tpu.memref_squeeze %dma_wait3A_63 : memref<1x128x128xf32, #tpu.memory_space<hbm>> -> memref<128x128xf32, #tpu.memory_space<hbm>>
      %dma_wait3A_65 = arith.constant 0 : i32
      %dma_wait3A_66 = tpu.memref_slice %arg5[%arg0, %add3A_40, %dma_wait3A_65] : memref<2x10112x128xf32, #tpu.memory_space<hbm>> -> memref<1x128x128xf32, #tpu.memory_space<hbm>>
      %dma_wait3A_67 = tpu.memref_squeeze %dma_wait3A_66 : memref<1x128x128xf32, #tpu.memory_space<hbm>> -> memref<128x128xf32, #tpu.memory_space<hbm>>
      %dma_wait3A_68 = arith.constant 0 : i32
      %dma_wait3A_69 = arith.constant 0 : i32
      %dma_wait3A_70 = tpu.memref_slice %arg8[%dma_wait3A_68, %dma_wait3A_69] : memref<128x128xf32, #tpu.memory_space<vmem>> -> memref<128x128xf32, #tpu.memory_space<vmem>>
      tpu.wait_dma2 semaphore(%run_scoped3A : memref<!tpu.dma_semaphore, #tpu.memory_space<semaphore_mem>>) src(%dma_wait3A_70 : memref<128x128xf32, #tpu.memory_space<vmem>>) dst(%dma_wait3A_67 : memref<128x128xf32, #tpu.memory_space<hbm>>)
      tpu.yield
    }) : () -> ()
    %add3A_41 = arith.constant 384 : i32
    %add3A_42 = arith.addi %mul3A_2, %add3A_41 : i32
    "tpu.region"() ({
      %run_scoped3A = tpu.sem_alloc : memref<!tpu.dma_semaphore, #tpu.memory_space<semaphore_mem>>
      %dma_start3A = arith.constant 0 : i32
      %dma_start3A_49 = arith.constant 0 : i32
      %dma_start3A_50 = tpu.memref_slice %arg8[%dma_start3A, %dma_start3A_49] : memref<128x128xf32, #tpu.memory_space<vmem>> -> memref<128x128xf32, #tpu.memory_space<vmem>>
      %dma_start3A_51 = arith.constant 0 : i32
      %dma_start3A_52 = tpu.memref_slice %arg9[%add3A_42, %dma_start3A_51] : memref<10112x128xf32, #tpu.memory_space<vmem_shared>> -> memref<128x128xf32, #tpu.memory_space<vmem_shared>>
      %dma_start3A_53 = arith.constant 0 : i32
      %dma_start3A_54 = arith.constant 0 : i32
      %dma_start3A_55 = tpu.memref_slice %arg8[%dma_start3A_53, %dma_start3A_54] : memref<128x128xf32, #tpu.memory_space<vmem>> -> memref<128x128xf32, #tpu.memory_space<vmem>>
      %dma_start3A_56 = arith.constant 0 : i32
      %dma_start3A_57 = tpu.memref_slice %arg9[%add3A_42, %dma_start3A_56] : memref<10112x128xf32, #tpu.memory_space<vmem_shared>> -> memref<128x128xf32, #tpu.memory_space<vmem_shared>>
      tpu.enqueue_dma source(%dma_start3A_57 : memref<128x128xf32, #tpu.memory_space<vmem_shared>>) target(%dma_start3A_55 : memref<128x128xf32, #tpu.memory_space<vmem>>) target_semaphore(%run_scoped3A : memref<!tpu.dma_semaphore, #tpu.memory_space<semaphore_mem>>)
      %dma_wait3A = arith.constant 0 : i32
      %dma_wait3A_58 = arith.constant 0 : i32
      %dma_wait3A_59 = tpu.memref_slice %arg8[%dma_wait3A, %dma_wait3A_58] : memref<128x128xf32, #tpu.memory_space<vmem>> -> memref<128x128xf32, #tpu.memory_space<vmem>>
      %dma_wait3A_60 = arith.constant 0 : i32
      %dma_wait3A_61 = tpu.memref_slice %arg9[%add3A_42, %dma_wait3A_60] : memref<10112x128xf32, #tpu.memory_space<vmem_shared>> -> memref<128x128xf32, #tpu.memory_space<vmem_shared>>
      %dma_wait3A_62 = arith.constant 0 : i32
      %dma_wait3A_63 = arith.constant 0 : i32
      %dma_wait3A_64 = tpu.memref_slice %arg8[%dma_wait3A_62, %dma_wait3A_63] : memref<128x128xf32, #tpu.memory_space<vmem>> -> memref<128x128xf32, #tpu.memory_space<vmem>>
      %dma_wait3A_65 = arith.constant 0 : i32
      %dma_wait3A_66 = tpu.memref_slice %arg9[%add3A_42, %dma_wait3A_65] : memref<10112x128xf32, #tpu.memory_space<vmem_shared>> -> memref<128x128xf32, #tpu.memory_space<vmem_shared>>
      tpu.wait_dma2 semaphore(%run_scoped3A : memref<!tpu.dma_semaphore, #tpu.memory_space<semaphore_mem>>) src(%dma_wait3A_66 : memref<128x128xf32, #tpu.memory_space<vmem_shared>>) dst(%dma_wait3A_64 : memref<128x128xf32, #tpu.memory_space<vmem>>)
      tpu.yield
    }) : () -> ()
    %add3A_43 = arith.constant 384 : i32
    %add3A_44 = arith.addi %mul3A_2, %add3A_43 : i32
    "tpu.region"() ({
      %run_scoped3A = tpu.sem_alloc : memref<!tpu.dma_semaphore, #tpu.memory_space<semaphore_mem>>
      %dma_start3A = arith.constant 0 : i32
      %dma_start3A_49 = arith.constant 0 : i32
      %dma_start3A_50 = tpu.memref_slice %arg8[%dma_start3A, %dma_start3A_49] : memref<128x128xf32, #tpu.memory_space<vmem>> -> memref<128x128xf32, #tpu.memory_space<vmem>>
      %dma_start3A_51 = arith.constant 0 : i32
      %dma_start3A_52 = tpu.memref_slice %arg5[%arg0, %add3A_44, %dma_start3A_51] : memref<2x10112x128xf32, #tpu.memory_space<hbm>> -> memref<1x128x128xf32, #tpu.memory_space<hbm>>
      %dma_start3A_53 = tpu.memref_squeeze %dma_start3A_52 : memref<1x128x128xf32, #tpu.memory_space<hbm>> -> memref<128x128xf32, #tpu.memory_space<hbm>>
      %dma_start3A_54 = arith.constant 0 : i32
      %dma_start3A_55 = tpu.memref_slice %arg5[%arg0, %add3A_44, %dma_start3A_54] : memref<2x10112x128xf32, #tpu.memory_space<hbm>> -> memref<1x128x128xf32, #tpu.memory_space<hbm>>
      %dma_start3A_56 = tpu.memref_squeeze %dma_start3A_55 : memref<1x128x128xf32, #tpu.memory_space<hbm>> -> memref<128x128xf32, #tpu.memory_space<hbm>>
      %dma_start3A_57 = arith.constant 0 : i32
      %dma_start3A_58 = arith.constant 0 : i32
      %dma_start3A_59 = tpu.memref_slice %arg8[%dma_start3A_57, %dma_start3A_58] : memref<128x128xf32, #tpu.memory_space<vmem>> -> memref<128x128xf32, #tpu.memory_space<vmem>>
      tpu.enqueue_dma source(%dma_start3A_59 : memref<128x128xf32, #tpu.memory_space<vmem>>) target(%dma_start3A_56 : memref<128x128xf32, #tpu.memory_space<hbm>>) target_semaphore(%run_scoped3A : memref<!tpu.dma_semaphore, #tpu.memory_space<semaphore_mem>>)
      %dma_wait3A = arith.constant 0 : i32
      %dma_wait3A_60 = arith.constant 0 : i32
      %dma_wait3A_61 = tpu.memref_slice %arg8[%dma_wait3A, %dma_wait3A_60] : memref<128x128xf32, #tpu.memory_space<vmem>> -> memref<128x128xf32, #tpu.memory_space<vmem>>
      %dma_wait3A_62 = arith.constant 0 : i32
      %dma_wait3A_63 = tpu.memref_slice %arg5[%arg0, %add3A_44, %dma_wait3A_62] : memref<2x10112x128xf32, #tpu.memory_space<hbm>> -> memref<1x128x128xf32, #tpu.memory_space<hbm>>
      %dma_wait3A_64 = tpu.memref_squeeze %dma_wait3A_63 : memref<1x128x128xf32, #tpu.memory_space<hbm>> -> memref<128x128xf32, #tpu.memory_space<hbm>>
      %dma_wait3A_65 = arith.constant 0 : i32
      %dma_wait3A_66 = tpu.memref_slice %arg5[%arg0, %add3A_44, %dma_wait3A_65] : memref<2x10112x128xf32, #tpu.memory_space<hbm>> -> memref<1x128x128xf32, #tpu.memory_space<hbm>>
      %dma_wait3A_67 = tpu.memref_squeeze %dma_wait3A_66 : memref<1x128x128xf32, #tpu.memory_space<hbm>> -> memref<128x128xf32, #tpu.memory_space<hbm>>
      %dma_wait3A_68 = arith.constant 0 : i32
      %dma_wait3A_69 = arith.constant 0 : i32
      %dma_wait3A_70 = tpu.memref_slice %arg8[%dma_wait3A_68, %dma_wait3A_69] : memref<128x128xf32, #tpu.memory_space<vmem>> -> memref<128x128xf32, #tpu.memory_space<vmem>>
      tpu.wait_dma2 semaphore(%run_scoped3A : memref<!tpu.dma_semaphore, #tpu.memory_space<semaphore_mem>>) src(%dma_wait3A_70 : memref<128x128xf32, #tpu.memory_space<vmem>>) dst(%dma_wait3A_67 : memref<128x128xf32, #tpu.memory_space<hbm>>)
      tpu.yield
    }) : () -> ()
    %add3A_45 = arith.constant 512 : i32
    %add3A_46 = arith.addi %mul3A_2, %add3A_45 : i32
    "tpu.region"() ({
      %run_scoped3A = tpu.sem_alloc : memref<!tpu.dma_semaphore, #tpu.memory_space<semaphore_mem>>
      %dma_start3A = arith.constant 0 : i32
      %dma_start3A_49 = arith.constant 0 : i32
      %dma_start3A_50 = tpu.memref_slice %arg8[%dma_start3A, %dma_start3A_49] : memref<128x128xf32, #tpu.memory_space<vmem>> -> memref<120x128xf32, #tpu.memory_space<vmem>>
      %dma_start3A_51 = arith.constant 0 : i32
      %dma_start3A_52 = tpu.memref_slice %arg9[%add3A_46, %dma_start3A_51] : memref<10112x128xf32, #tpu.memory_space<vmem_shared>> -> memref<120x128xf32, #tpu.memory_space<vmem_shared>>
      %dma_start3A_53 = arith.constant 0 : i32
      %dma_start3A_54 = arith.constant 0 : i32
      %dma_start3A_55 = tpu.memref_slice %arg8[%dma_start3A_53, %dma_start3A_54] : memref<128x128xf32, #tpu.memory_space<vmem>> -> memref<120x128xf32, #tpu.memory_space<vmem>>
      %dma_start3A_56 = arith.constant 0 : i32
      %dma_start3A_57 = tpu.memref_slice %arg9[%add3A_46, %dma_start3A_56] : memref<10112x128xf32, #tpu.memory_space<vmem_shared>> -> memref<120x128xf32, #tpu.memory_space<vmem_shared>>
      tpu.enqueue_dma source(%dma_start3A_57 : memref<120x128xf32, #tpu.memory_space<vmem_shared>>) target(%dma_start3A_55 : memref<120x128xf32, #tpu.memory_space<vmem>>) target_semaphore(%run_scoped3A : memref<!tpu.dma_semaphore, #tpu.memory_space<semaphore_mem>>)
      %dma_wait3A = arith.constant 0 : i32
      %dma_wait3A_58 = arith.constant 0 : i32
      %dma_wait3A_59 = tpu.memref_slice %arg8[%dma_wait3A, %dma_wait3A_58] : memref<128x128xf32, #tpu.memory_space<vmem>> -> memref<120x128xf32, #tpu.memory_space<vmem>>
      %dma_wait3A_60 = arith.constant 0 : i32
      %dma_wait3A_61 = tpu.memref_slice %arg9[%add3A_46, %dma_wait3A_60] : memref<10112x128xf32, #tpu.memory_space<vmem_shared>> -> memref<120x128xf32, #tpu.memory_space<vmem_shared>>
      %dma_wait3A_62 = arith.constant 0 : i32
      %dma_wait3A_63 = arith.constant 0 : i32
      %dma_wait3A_64 = tpu.memref_slice %arg8[%dma_wait3A_62, %dma_wait3A_63] : memref<128x128xf32, #tpu.memory_space<vmem>> -> memref<120x128xf32, #tpu.memory_space<vmem>>
      %dma_wait3A_65 = arith.constant 0 : i32
      %dma_wait3A_66 = tpu.memref_slice %arg9[%add3A_46, %dma_wait3A_65] : memref<10112x128xf32, #tpu.memory_space<vmem_shared>> -> memref<120x128xf32, #tpu.memory_space<vmem_shared>>
      tpu.wait_dma2 semaphore(%run_scoped3A : memref<!tpu.dma_semaphore, #tpu.memory_space<semaphore_mem>>) src(%dma_wait3A_66 : memref<120x128xf32, #tpu.memory_space<vmem_shared>>) dst(%dma_wait3A_64 : memref<120x128xf32, #tpu.memory_space<vmem>>)
      tpu.yield
    }) : () -> ()
    %add3A_47 = arith.constant 512 : i32
    %add3A_48 = arith.addi %mul3A_2, %add3A_47 : i32
    "tpu.region"() ({
      %run_scoped3A = tpu.sem_alloc : memref<!tpu.dma_semaphore, #tpu.memory_space<semaphore_mem>>
      %dma_start3A = arith.constant 0 : i32
      %dma_start3A_49 = arith.constant 0 : i32
      %dma_start3A_50 = tpu.memref_slice %arg8[%dma_start3A, %dma_start3A_49] : memref<128x128xf32, #tpu.memory_space<vmem>> -> memref<120x128xf32, #tpu.memory_space<vmem>>
      %dma_start3A_51 = arith.constant 0 : i32
      %dma_start3A_52 = tpu.memref_slice %arg5[%arg0, %add3A_48, %dma_start3A_51] : memref<2x10112x128xf32, #tpu.memory_space<hbm>> -> memref<1x120x128xf32, #tpu.memory_space<hbm>>
      %dma_start3A_53 = tpu.memref_squeeze %dma_start3A_52 : memref<1x120x128xf32, #tpu.memory_space<hbm>> -> memref<120x128xf32, #tpu.memory_space<hbm>>
      %dma_start3A_54 = arith.constant 0 : i32
      %dma_start3A_55 = tpu.memref_slice %arg5[%arg0, %add3A_48, %dma_start3A_54] : memref<2x10112x128xf32, #tpu.memory_space<hbm>> -> memref<1x120x128xf32, #tpu.memory_space<hbm>>
      %dma_start3A_56 = tpu.memref_squeeze %dma_start3A_55 : memref<1x120x128xf32, #tpu.memory_space<hbm>> -> memref<120x128xf32, #tpu.memory_space<hbm>>
      %dma_start3A_57 = arith.constant 0 : i32
      %dma_start3A_58 = arith.constant 0 : i32
      %dma_start3A_59 = tpu.memref_slice %arg8[%dma_start3A_57, %dma_start3A_58] : memref<128x128xf32, #tpu.memory_space<vmem>> -> memref<120x128xf32, #tpu.memory_space<vmem>>
      tpu.enqueue_dma source(%dma_start3A_59 : memref<120x128xf32, #tpu.memory_space<vmem>>) target(%dma_start3A_56 : memref<120x128xf32, #tpu.memory_space<hbm>>) target_semaphore(%run_scoped3A : memref<!tpu.dma_semaphore, #tpu.memory_space<semaphore_mem>>)
      %dma_wait3A = arith.constant 0 : i32
      %dma_wait3A_60 = arith.constant 0 : i32
      %dma_wait3A_61 = tpu.memref_slice %arg8[%dma_wait3A, %dma_wait3A_60] : memref<128x128xf32, #tpu.memory_space<vmem>> -> memref<120x128xf32, #tpu.memory_space<vmem>>
      %dma_wait3A_62 = arith.constant 0 : i32
      %dma_wait3A_63 = tpu.memref_slice %arg5[%arg0, %add3A_48, %dma_wait3A_62] : memref<2x10112x128xf32, #tpu.memory_space<hbm>> -> memref<1x120x128xf32, #tpu.memory_space<hbm>>
      %dma_wait3A_64 = tpu.memref_squeeze %dma_wait3A_63 : memref<1x120x128xf32, #tpu.memory_space<hbm>> -> memref<120x128xf32, #tpu.memory_space<hbm>>
      %dma_wait3A_65 = arith.constant 0 : i32
      %dma_wait3A_66 = tpu.memref_slice %arg5[%arg0, %add3A_48, %dma_wait3A_65] : memref<2x10112x128xf32, #tpu.memory_space<hbm>> -> memref<1x120x128xf32, #tpu.memory_space<hbm>>
      %dma_wait3A_67 = tpu.memref_squeeze %dma_wait3A_66 : memref<1x120x128xf32, #tpu.memory_space<hbm>> -> memref<120x128xf32, #tpu.memory_space<hbm>>
      %dma_wait3A_68 = arith.constant 0 : i32
      %dma_wait3A_69 = arith.constant 0 : i32
      %dma_wait3A_70 = tpu.memref_slice %arg8[%dma_wait3A_68, %dma_wait3A_69] : memref<128x128xf32, #tpu.memory_space<vmem>> -> memref<120x128xf32, #tpu.memory_space<vmem>>
      tpu.wait_dma2 semaphore(%run_scoped3A : memref<!tpu.dma_semaphore, #tpu.memory_space<semaphore_mem>>) src(%dma_wait3A_70 : memref<120x128xf32, #tpu.memory_space<vmem>>) dst(%dma_wait3A_67 : memref<120x128xf32, #tpu.memory_space<hbm>>)
      tpu.yield
    }) : () -> ()
    return
  }
}

#map = affine_map<(d0, d1) -> (0, 0, 0)>
#map1 = affine_map<(d0, d1) -> (0)>
module attributes {stable_mosaic.version = 14 : i64} {
  func.func @_deg_kernel(%arg0: i32, %arg1: i32, %arg2: memref<32x80x128xi32, #tpu.memory_space<hbm>>, %arg3: memref<20224xf32, #tpu.memory_space<hbm>>, %arg4: memref<80x128xi32, #tpu.memory_space<vmem>>, %arg5: memref<128xf32, #tpu.memory_space<vmem>>, %arg6: memref<640xf32, #tpu.memory_space<vmem>>, %arg7: memref<10112xf32, #tpu.memory_space<vmem_shared>>, %arg8: memref<!tpu.dma_semaphore, #tpu.memory_space<semaphore_mem>>, %arg9: memref<!tpu.dma_semaphore, #tpu.memory_space<semaphore_mem>>) attributes {dimension_semantics = [#tpu.dimension_semantics<core_parallel>, #tpu.dimension_semantics<subcore_parallel>], iteration_bounds = array<i64: 2, 16>, scalar_prefetch = 0 : i64, scratch_operands = 6 : i64, tpu.core_type = #tpu.core_type<sc_vector_subcore>, window_params = [{transform_indices = #map}, {transform_indices = #map1}]} {
    %mul3A = arith.constant 16 : i32
    %mul3A_0 = arith.muli %arg0, %mul3A : i32
    %add3A = arith.addi %mul3A_0, %arg1 : i32
    %dma_start3A = arith.constant 0 : i32
    %dma_start3A_1 = arith.constant 0 : i32
    %dma_start3A_2 = tpu.memref_slice %arg2[%add3A, %dma_start3A, %dma_start3A_1] : memref<32x80x128xi32, #tpu.memory_space<hbm>> -> memref<1x80x128xi32, #tpu.memory_space<hbm>>
    %dma_start3A_3 = tpu.memref_squeeze %dma_start3A_2 : memref<1x80x128xi32, #tpu.memory_space<hbm>> -> memref<80x128xi32, #tpu.memory_space<hbm>>
    %dma_start3A_4 = arith.constant 0 : i32
    %dma_start3A_5 = arith.constant 0 : i32
    %dma_start3A_6 = tpu.memref_slice %arg2[%add3A, %dma_start3A_4, %dma_start3A_5] : memref<32x80x128xi32, #tpu.memory_space<hbm>> -> memref<1x80x128xi32, #tpu.memory_space<hbm>>
    %dma_start3A_7 = tpu.memref_squeeze %dma_start3A_6 : memref<1x80x128xi32, #tpu.memory_space<hbm>> -> memref<80x128xi32, #tpu.memory_space<hbm>>
    tpu.enqueue_dma source(%dma_start3A_7 : memref<80x128xi32, #tpu.memory_space<hbm>>) target(%arg4 : memref<80x128xi32, #tpu.memory_space<vmem>>) target_semaphore(%arg8 : memref<!tpu.dma_semaphore, #tpu.memory_space<semaphore_mem>>)
    %broadcast_in_dim3A = arith.constant 1.000000e+00 : f32
    %broadcast_in_dim3A_8 = vector.broadcast %broadcast_in_dim3A : f32 to vector<16xf32>
    %swap3A = arith.constant 0 : index
    %swap3A_9 = tpu.vector_load %arg5[%swap3A] {strides = array<i32>} : memref<128xf32, #tpu.memory_space<vmem>>, vector<16xf32>,
    %swap3A_10 = vector.shape_cast %swap3A_9 : vector<16xf32> to vector<16xf32>
    %swap3A_11 = vector.shape_cast %broadcast_in_dim3A_8 : vector<16xf32> to vector<16xf32>
    tpu.vector_store %arg5[%swap3A], %swap3A_11 {strides = array<i32>} : memref<128xf32, #tpu.memory_space<vmem>>, vector<16xf32>,
    %broadcast_in_dim3A_12 = arith.constant 1.000000e+00 : f32
    %broadcast_in_dim3A_13 = vector.broadcast %broadcast_in_dim3A_12 : f32 to vector<16xf32>
    %swap3A_14 = arith.constant 16 : index
    %swap3A_15 = tpu.vector_load %arg5[%swap3A_14] {strides = array<i32>} : memref<128xf32, #tpu.memory_space<vmem>>, vector<16xf32>,
    %swap3A_16 = vector.shape_cast %swap3A_15 : vector<16xf32> to vector<16xf32>
    %swap3A_17 = vector.shape_cast %broadcast_in_dim3A_13 : vector<16xf32> to vector<16xf32>
    tpu.vector_store %arg5[%swap3A_14], %swap3A_17 {strides = array<i32>} : memref<128xf32, #tpu.memory_space<vmem>>, vector<16xf32>,
    %broadcast_in_dim3A_18 = arith.constant 1.000000e+00 : f32
    %broadcast_in_dim3A_19 = vector.broadcast %broadcast_in_dim3A_18 : f32 to vector<16xf32>
    %swap3A_20 = arith.constant 32 : index
    %swap3A_21 = tpu.vector_load %arg5[%swap3A_20] {strides = array<i32>} : memref<128xf32, #tpu.memory_space<vmem>>, vector<16xf32>,
    %swap3A_22 = vector.shape_cast %swap3A_21 : vector<16xf32> to vector<16xf32>
    %swap3A_23 = vector.shape_cast %broadcast_in_dim3A_19 : vector<16xf32> to vector<16xf32>
    tpu.vector_store %arg5[%swap3A_20], %swap3A_23 {strides = array<i32>} : memref<128xf32, #tpu.memory_space<vmem>>, vector<16xf32>,
    %broadcast_in_dim3A_24 = arith.constant 1.000000e+00 : f32
    %broadcast_in_dim3A_25 = vector.broadcast %broadcast_in_dim3A_24 : f32 to vector<16xf32>
    %swap3A_26 = arith.constant 48 : index
    %swap3A_27 = tpu.vector_load %arg5[%swap3A_26] {strides = array<i32>} : memref<128xf32, #tpu.memory_space<vmem>>, vector<16xf32>,
    %swap3A_28 = vector.shape_cast %swap3A_27 : vector<16xf32> to vector<16xf32>
    %swap3A_29 = vector.shape_cast %broadcast_in_dim3A_25 : vector<16xf32> to vector<16xf32>
    tpu.vector_store %arg5[%swap3A_26], %swap3A_29 {strides = array<i32>} : memref<128xf32, #tpu.memory_space<vmem>>, vector<16xf32>,
    %broadcast_in_dim3A_30 = arith.constant 1.000000e+00 : f32
    %broadcast_in_dim3A_31 = vector.broadcast %broadcast_in_dim3A_30 : f32 to vector<16xf32>
    %swap3A_32 = arith.constant 64 : index
    %swap3A_33 = tpu.vector_load %arg5[%swap3A_32] {strides = array<i32>} : memref<128xf32, #tpu.memory_space<vmem>>, vector<16xf32>,
    %swap3A_34 = vector.shape_cast %swap3A_33 : vector<16xf32> to vector<16xf32>
    %swap3A_35 = vector.shape_cast %broadcast_in_dim3A_31 : vector<16xf32> to vector<16xf32>
    tpu.vector_store %arg5[%swap3A_32], %swap3A_35 {strides = array<i32>} : memref<128xf32, #tpu.memory_space<vmem>>, vector<16xf32>,
    %broadcast_in_dim3A_36 = arith.constant 1.000000e+00 : f32
    %broadcast_in_dim3A_37 = vector.broadcast %broadcast_in_dim3A_36 : f32 to vector<16xf32>
    %swap3A_38 = arith.constant 80 : index
    %swap3A_39 = tpu.vector_load %arg5[%swap3A_38] {strides = array<i32>} : memref<128xf32, #tpu.memory_space<vmem>>, vector<16xf32>,
    %swap3A_40 = vector.shape_cast %swap3A_39 : vector<16xf32> to vector<16xf32>
    %swap3A_41 = vector.shape_cast %broadcast_in_dim3A_37 : vector<16xf32> to vector<16xf32>
    tpu.vector_store %arg5[%swap3A_38], %swap3A_41 {strides = array<i32>} : memref<128xf32, #tpu.memory_space<vmem>>, vector<16xf32>,
    %broadcast_in_dim3A_42 = arith.constant 1.000000e+00 : f32
    %broadcast_in_dim3A_43 = vector.broadcast %broadcast_in_dim3A_42 : f32 to vector<16xf32>
    %swap3A_44 = arith.constant 96 : index
    %swap3A_45 = tpu.vector_load %arg5[%swap3A_44] {strides = array<i32>} : memref<128xf32, #tpu.memory_space<vmem>>, vector<16xf32>,
    %swap3A_46 = vector.shape_cast %swap3A_45 : vector<16xf32> to vector<16xf32>
    %swap3A_47 = vector.shape_cast %broadcast_in_dim3A_43 : vector<16xf32> to vector<16xf32>
    tpu.vector_store %arg5[%swap3A_44], %swap3A_47 {strides = array<i32>} : memref<128xf32, #tpu.memory_space<vmem>>, vector<16xf32>,
    %broadcast_in_dim3A_48 = arith.constant 1.000000e+00 : f32
    %broadcast_in_dim3A_49 = vector.broadcast %broadcast_in_dim3A_48 : f32 to vector<16xf32>
    %swap3A_50 = arith.constant 112 : index
    %swap3A_51 = tpu.vector_load %arg5[%swap3A_50] {strides = array<i32>} : memref<128xf32, #tpu.memory_space<vmem>>, vector<16xf32>,
    %swap3A_52 = vector.shape_cast %swap3A_51 : vector<16xf32> to vector<16xf32>
    %swap3A_53 = vector.shape_cast %broadcast_in_dim3A_49 : vector<16xf32> to vector<16xf32>
    tpu.vector_store %arg5[%swap3A_50], %swap3A_53 {strides = array<i32>} : memref<128xf32, #tpu.memory_space<vmem>>, vector<16xf32>,
    %broadcast_in_dim3A_54 = arith.constant 0.000000e+00 : f32
    %broadcast_in_dim3A_55 = vector.broadcast %broadcast_in_dim3A_54 : f32 to vector<16xf32>
    %swap3A_56 = arith.constant 0 : index
    %swap3A_57 = tpu.vector_load %arg6[%swap3A_56] {strides = array<i32>} : memref<640xf32, #tpu.memory_space<vmem>>, vector<16xf32>,
    %swap3A_58 = vector.shape_cast %swap3A_57 : vector<16xf32> to vector<16xf32>
    %swap3A_59 = vector.shape_cast %broadcast_in_dim3A_55 : vector<16xf32> to vector<16xf32>
    tpu.vector_store %arg6[%swap3A_56], %swap3A_59 {strides = array<i32>} : memref<640xf32, #tpu.memory_space<vmem>>, vector<16xf32>,
    %broadcast_in_dim3A_60 = arith.constant 0.000000e+00 : f32
    %broadcast_in_dim3A_61 = vector.broadcast %broadcast_in_dim3A_60 : f32 to vector<16xf32>
    %swap3A_62 = arith.constant 16 : index
    %swap3A_63 = tpu.vector_load %arg6[%swap3A_62] {strides = array<i32>} : memref<640xf32, #tpu.memory_space<vmem>>, vector<16xf32>,
    %swap3A_64 = vector.shape_cast %swap3A_63 : vector<16xf32> to vector<16xf32>
    %swap3A_65 = vector.shape_cast %broadcast_in_dim3A_61 : vector<16xf32> to vector<16xf32>
    tpu.vector_store %arg6[%swap3A_62], %swap3A_65 {strides = array<i32>} : memref<640xf32, #tpu.memory_space<vmem>>, vector<16xf32>,
    %broadcast_in_dim3A_66 = arith.constant 0.000000e+00 : f32
    %broadcast_in_dim3A_67 = vector.broadcast %broadcast_in_dim3A_66 : f32 to vector<16xf32>
    %swap3A_68 = arith.constant 32 : index
    %swap3A_69 = tpu.vector_load %arg6[%swap3A_68] {strides = array<i32>} : memref<640xf32, #tpu.memory_space<vmem>>, vector<16xf32>,
    %swap3A_70 = vector.shape_cast %swap3A_69 : vector<16xf32> to vector<16xf32>
    %swap3A_71 = vector.shape_cast %broadcast_in_dim3A_67 : vector<16xf32> to vector<16xf32>
    tpu.vector_store %arg6[%swap3A_68], %swap3A_71 {strides = array<i32>} : memref<640xf32, #tpu.memory_space<vmem>>, vector<16xf32>,
    %broadcast_in_dim3A_72 = arith.constant 0.000000e+00 : f32
    %broadcast_in_dim3A_73 = vector.broadcast %broadcast_in_dim3A_72 : f32 to vector<16xf32>
    %swap3A_74 = arith.constant 48 : index
    %swap3A_75 = tpu.vector_load %arg6[%swap3A_74] {strides = array<i32>} : memref<640xf32, #tpu.memory_space<vmem>>, vector<16xf32>,
    %swap3A_76 = vector.shape_cast %swap3A_75 : vector<16xf32> to vector<16xf32>
    %swap3A_77 = vector.shape_cast %broadcast_in_dim3A_73 : vector<16xf32> to vector<16xf32>
    tpu.vector_store %arg6[%swap3A_74], %swap3A_77 {strides = array<i32>} : memref<640xf32, #tpu.memory_space<vmem>>, vector<16xf32>,
    %broadcast_in_dim3A_78 = arith.constant 0.000000e+00 : f32
    %broadcast_in_dim3A_79 = vector.broadcast %broadcast_in_dim3A_78 : f32 to vector<16xf32>
    %swap3A_80 = arith.constant 64 : index
    %swap3A_81 = tpu.vector_load %arg6[%swap3A_80] {strides = array<i32>} : memref<640xf32, #tpu.memory_space<vmem>>, vector<16xf32>,
    %swap3A_82 = vector.shape_cast %swap3A_81 : vector<16xf32> to vector<16xf32>
    %swap3A_83 = vector.shape_cast %broadcast_in_dim3A_79 : vector<16xf32> to vector<16xf32>
    tpu.vector_store %arg6[%swap3A_80], %swap3A_83 {strides = array<i32>} : memref<640xf32, #tpu.memory_space<vmem>>, vector<16xf32>,
    %broadcast_in_dim3A_84 = arith.constant 0.000000e+00 : f32
    %broadcast_in_dim3A_85 = vector.broadcast %broadcast_in_dim3A_84 : f32 to vector<16xf32>
    %swap3A_86 = arith.constant 80 : index
    %swap3A_87 = tpu.vector_load %arg6[%swap3A_86] {strides = array<i32>} : memref<640xf32, #tpu.memory_space<vmem>>, vector<16xf32>,
    %swap3A_88 = vector.shape_cast %swap3A_87 : vector<16xf32> to vector<16xf32>
    %swap3A_89 = vector.shape_cast %broadcast_in_dim3A_85 : vector<16xf32> to vector<16xf32>
    tpu.vector_store %arg6[%swap3A_86], %swap3A_89 {strides = array<i32>} : memref<640xf32, #tpu.memory_space<vmem>>, vector<16xf32>,
    %broadcast_in_dim3A_90 = arith.constant 0.000000e+00 : f32
    %broadcast_in_dim3A_91 = vector.broadcast %broadcast_in_dim3A_90 : f32 to vector<16xf32>
    %swap3A_92 = arith.constant 96 : index
    %swap3A_93 = tpu.vector_load %arg6[%swap3A_92] {strides = array<i32>} : memref<640xf32, #tpu.memory_space<vmem>>, vector<16xf32>,
    %swap3A_94 = vector.shape_cast %swap3A_93 : vector<16xf32> to vector<16xf32>
    %swap3A_95 = vector.shape_cast %broadcast_in_dim3A_91 : vector<16xf32> to vector<16xf32>
    tpu.vector_store %arg6[%swap3A_92], %swap3A_95 {strides = array<i32>} : memref<640xf32, #tpu.memory_space<vmem>>, vector<16xf32>,
    %broadcast_in_dim3A_96 = arith.constant 0.000000e+00 : f32
    %broadcast_in_dim3A_97 = vector.broadcast %broadcast_in_dim3A_96 : f32 to vector<16xf32>
    %swap3A_98 = arith.constant 112 : index
    %swap3A_99 = tpu.vector_load %arg6[%swap3A_98] {strides = array<i32>} : memref<640xf32, #tpu.memory_space<vmem>>, vector<16xf32>,
    %swap3A_100 = vector.shape_cast %swap3A_99 : vector<16xf32> to vector<16xf32>
    %swap3A_101 = vector.shape_cast %broadcast_in_dim3A_97 : vector<16xf32> to vector<16xf32>
    tpu.vector_store %arg6[%swap3A_98], %swap3A_101 {strides = array<i32>} : memref<640xf32, #tpu.memory_space<vmem>>, vector<16xf32>,
    %broadcast_in_dim3A_102 = arith.constant 0.000000e+00 : f32
    %broadcast_in_dim3A_103 = vector.broadcast %broadcast_in_dim3A_102 : f32 to vector<16xf32>
    %swap3A_104 = arith.constant 128 : index
    %swap3A_105 = tpu.vector_load %arg6[%swap3A_104] {strides = array<i32>} : memref<640xf32, #tpu.memory_space<vmem>>, vector<16xf32>,
    %swap3A_106 = vector.shape_cast %swap3A_105 : vector<16xf32> to vector<16xf32>
    %swap3A_107 = vector.shape_cast %broadcast_in_dim3A_103 : vector<16xf32> to vector<16xf32>
    tpu.vector_store %arg6[%swap3A_104], %swap3A_107 {strides = array<i32>} : memref<640xf32, #tpu.memory_space<vmem>>, vector<16xf32>,
    %broadcast_in_dim3A_108 = arith.constant 0.000000e+00 : f32
    %broadcast_in_dim3A_109 = vector.broadcast %broadcast_in_dim3A_108 : f32 to vector<16xf32>
    %swap3A_110 = arith.constant 144 : index
    %swap3A_111 = tpu.vector_load %arg6[%swap3A_110] {strides = array<i32>} : memref<640xf32, #tpu.memory_space<vmem>>, vector<16xf32>,
    %swap3A_112 = vector.shape_cast %swap3A_111 : vector<16xf32> to vector<16xf32>
    %swap3A_113 = vector.shape_cast %broadcast_in_dim3A_109 : vector<16xf32> to vector<16xf32>
    tpu.vector_store %arg6[%swap3A_110], %swap3A_113 {strides = array<i32>} : memref<640xf32, #tpu.memory_space<vmem>>, vector<16xf32>,
    %broadcast_in_dim3A_114 = arith.constant 0.000000e+00 : f32
    %broadcast_in_dim3A_115 = vector.broadcast %broadcast_in_dim3A_114 : f32 to vector<16xf32>
    %swap3A_116 = arith.constant 160 : index
    %swap3A_117 = tpu.vector_load %arg6[%swap3A_116] {strides = array<i32>} : memref<640xf32, #tpu.memory_space<vmem>>, vector<16xf32>,
    %swap3A_118 = vector.shape_cast %swap3A_117 : vector<16xf32> to vector<16xf32>
    %swap3A_119 = vector.shape_cast %broadcast_in_dim3A_115 : vector<16xf32> to vector<16xf32>
    tpu.vector_store %arg6[%swap3A_116], %swap3A_119 {strides = array<i32>} : memref<640xf32, #tpu.memory_space<vmem>>, vector<16xf32>,
    %broadcast_in_dim3A_120 = arith.constant 0.000000e+00 : f32
    %broadcast_in_dim3A_121 = vector.broadcast %broadcast_in_dim3A_120 : f32 to vector<16xf32>
    %swap3A_122 = arith.constant 176 : index
    %swap3A_123 = tpu.vector_load %arg6[%swap3A_122] {strides = array<i32>} : memref<640xf32, #tpu.memory_space<vmem>>, vector<16xf32>,
    %swap3A_124 = vector.shape_cast %swap3A_123 : vector<16xf32> to vector<16xf32>
    %swap3A_125 = vector.shape_cast %broadcast_in_dim3A_121 : vector<16xf32> to vector<16xf32>
    tpu.vector_store %arg6[%swap3A_122], %swap3A_125 {strides = array<i32>} : memref<640xf32, #tpu.memory_space<vmem>>, vector<16xf32>,
    %broadcast_in_dim3A_126 = arith.constant 0.000000e+00 : f32
    %broadcast_in_dim3A_127 = vector.broadcast %broadcast_in_dim3A_126 : f32 to vector<16xf32>
    %swap3A_128 = arith.constant 192 : index
    %swap3A_129 = tpu.vector_load %arg6[%swap3A_128] {strides = array<i32>} : memref<640xf32, #tpu.memory_space<vmem>>, vector<16xf32>,
    %swap3A_130 = vector.shape_cast %swap3A_129 : vector<16xf32> to vector<16xf32>
    %swap3A_131 = vector.shape_cast %broadcast_in_dim3A_127 : vector<16xf32> to vector<16xf32>
    tpu.vector_store %arg6[%swap3A_128], %swap3A_131 {strides = array<i32>} : memref<640xf32, #tpu.memory_space<vmem>>, vector<16xf32>,
    %broadcast_in_dim3A_132 = arith.constant 0.000000e+00 : f32
    %broadcast_in_dim3A_133 = vector.broadcast %broadcast_in_dim3A_132 : f32 to vector<16xf32>
    %swap3A_134 = arith.constant 208 : index
    %swap3A_135 = tpu.vector_load %arg6[%swap3A_134] {strides = array<i32>} : memref<640xf32, #tpu.memory_space<vmem>>, vector<16xf32>,
    %swap3A_136 = vector.shape_cast %swap3A_135 : vector<16xf32> to vector<16xf32>
    %swap3A_137 = vector.shape_cast %broadcast_in_dim3A_133 : vector<16xf32> to vector<16xf32>
    tpu.vector_store %arg6[%swap3A_134], %swap3A_137 {strides = array<i32>} : memref<640xf32, #tpu.memory_space<vmem>>, vector<16xf32>,
    %broadcast_in_dim3A_138 = arith.constant 0.000000e+00 : f32
    %broadcast_in_dim3A_139 = vector.broadcast %broadcast_in_dim3A_138 : f32 to vector<16xf32>
    %swap3A_140 = arith.constant 224 : index
    %swap3A_141 = tpu.vector_load %arg6[%swap3A_140] {strides = array<i32>} : memref<640xf32, #tpu.memory_space<vmem>>, vector<16xf32>,
    %swap3A_142 = vector.shape_cast %swap3A_141 : vector<16xf32> to vector<16xf32>
    %swap3A_143 = vector.shape_cast %broadcast_in_dim3A_139 : vector<16xf32> to vector<16xf32>
    tpu.vector_store %arg6[%swap3A_140], %swap3A_143 {strides = array<i32>} : memref<640xf32, #tpu.memory_space<vmem>>, vector<16xf32>,
    %broadcast_in_dim3A_144 = arith.constant 0.000000e+00 : f32
    %broadcast_in_dim3A_145 = vector.broadcast %broadcast_in_dim3A_144 : f32 to vector<16xf32>
    %swap3A_146 = arith.constant 240 : index
    %swap3A_147 = tpu.vector_load %arg6[%swap3A_146] {strides = array<i32>} : memref<640xf32, #tpu.memory_space<vmem>>, vector<16xf32>,
    %swap3A_148 = vector.shape_cast %swap3A_147 : vector<16xf32> to vector<16xf32>
    %swap3A_149 = vector.shape_cast %broadcast_in_dim3A_145 : vector<16xf32> to vector<16xf32>
    tpu.vector_store %arg6[%swap3A_146], %swap3A_149 {strides = array<i32>} : memref<640xf32, #tpu.memory_space<vmem>>, vector<16xf32>,
    %broadcast_in_dim3A_150 = arith.constant 0.000000e+00 : f32
    %broadcast_in_dim3A_151 = vector.broadcast %broadcast_in_dim3A_150 : f32 to vector<16xf32>
    %swap3A_152 = arith.constant 256 : index
    %swap3A_153 = tpu.vector_load %arg6[%swap3A_152] {strides = array<i32>} : memref<640xf32, #tpu.memory_space<vmem>>, vector<16xf32>,
    %swap3A_154 = vector.shape_cast %swap3A_153 : vector<16xf32> to vector<16xf32>
    %swap3A_155 = vector.shape_cast %broadcast_in_dim3A_151 : vector<16xf32> to vector<16xf32>
    tpu.vector_store %arg6[%swap3A_152], %swap3A_155 {strides = array<i32>} : memref<640xf32, #tpu.memory_space<vmem>>, vector<16xf32>,
    %broadcast_in_dim3A_156 = arith.constant 0.000000e+00 : f32
    %broadcast_in_dim3A_157 = vector.broadcast %broadcast_in_dim3A_156 : f32 to vector<16xf32>
    %swap3A_158 = arith.constant 272 : index
    %swap3A_159 = tpu.vector_load %arg6[%swap3A_158] {strides = array<i32>} : memref<640xf32, #tpu.memory_space<vmem>>, vector<16xf32>,
    %swap3A_160 = vector.shape_cast %swap3A_159 : vector<16xf32> to vector<16xf32>
    %swap3A_161 = vector.shape_cast %broadcast_in_dim3A_157 : vector<16xf32> to vector<16xf32>
    tpu.vector_store %arg6[%swap3A_158], %swap3A_161 {strides = array<i32>} : memref<640xf32, #tpu.memory_space<vmem>>, vector<16xf32>,
    %broadcast_in_dim3A_162 = arith.constant 0.000000e+00 : f32
    %broadcast_in_dim3A_163 = vector.broadcast %broadcast_in_dim3A_162 : f32 to vector<16xf32>
    %swap3A_164 = arith.constant 288 : index
    %swap3A_165 = tpu.vector_load %arg6[%swap3A_164] {strides = array<i32>} : memref<640xf32, #tpu.memory_space<vmem>>, vector<16xf32>,
    %swap3A_166 = vector.shape_cast %swap3A_165 : vector<16xf32> to vector<16xf32>
    %swap3A_167 = vector.shape_cast %broadcast_in_dim3A_163 : vector<16xf32> to vector<16xf32>
    tpu.vector_store %arg6[%swap3A_164], %swap3A_167 {strides = array<i32>} : memref<640xf32, #tpu.memory_space<vmem>>, vector<16xf32>,
    %broadcast_in_dim3A_168 = arith.constant 0.000000e+00 : f32
    %broadcast_in_dim3A_169 = vector.broadcast %broadcast_in_dim3A_168 : f32 to vector<16xf32>
    %swap3A_170 = arith.constant 304 : index
    %swap3A_171 = tpu.vector_load %arg6[%swap3A_170] {strides = array<i32>} : memref<640xf32, #tpu.memory_space<vmem>>, vector<16xf32>,
    %swap3A_172 = vector.shape_cast %swap3A_171 : vector<16xf32> to vector<16xf32>
    %swap3A_173 = vector.shape_cast %broadcast_in_dim3A_169 : vector<16xf32> to vector<16xf32>
    tpu.vector_store %arg6[%swap3A_170], %swap3A_173 {strides = array<i32>} : memref<640xf32, #tpu.memory_space<vmem>>, vector<16xf32>,
    %broadcast_in_dim3A_174 = arith.constant 0.000000e+00 : f32
    %broadcast_in_dim3A_175 = vector.broadcast %broadcast_in_dim3A_174 : f32 to vector<16xf32>
    %swap3A_176 = arith.constant 320 : index
    %swap3A_177 = tpu.vector_load %arg6[%swap3A_176] {strides = array<i32>} : memref<640xf32, #tpu.memory_space<vmem>>, vector<16xf32>,
    %swap3A_178 = vector.shape_cast %swap3A_177 : vector<16xf32> to vector<16xf32>
    %swap3A_179 = vector.shape_cast %broadcast_in_dim3A_175 : vector<16xf32> to vector<16xf32>
    tpu.vector_store %arg6[%swap3A_176], %swap3A_179 {strides = array<i32>} : memref<640xf32, #tpu.memory_space<vmem>>, vector<16xf32>,
    %broadcast_in_dim3A_180 = arith.constant 0.000000e+00 : f32
    %broadcast_in_dim3A_181 = vector.broadcast %broadcast_in_dim3A_180 : f32 to vector<16xf32>
    %swap3A_182 = arith.constant 336 : index
    %swap3A_183 = tpu.vector_load %arg6[%swap3A_182] {strides = array<i32>} : memref<640xf32, #tpu.memory_space<vmem>>, vector<16xf32>,
    %swap3A_184 = vector.shape_cast %swap3A_183 : vector<16xf32> to vector<16xf32>
    %swap3A_185 = vector.shape_cast %broadcast_in_dim3A_181 : vector<16xf32> to vector<16xf32>
    tpu.vector_store %arg6[%swap3A_182], %swap3A_185 {strides = array<i32>} : memref<640xf32, #tpu.memory_space<vmem>>, vector<16xf32>,
    %broadcast_in_dim3A_186 = arith.constant 0.000000e+00 : f32
    %broadcast_in_dim3A_187 = vector.broadcast %broadcast_in_dim3A_186 : f32 to vector<16xf32>
    %swap3A_188 = arith.constant 352 : index
    %swap3A_189 = tpu.vector_load %arg6[%swap3A_188] {strides = array<i32>} : memref<640xf32, #tpu.memory_space<vmem>>, vector<16xf32>,
    %swap3A_190 = vector.shape_cast %swap3A_189 : vector<16xf32> to vector<16xf32>
    %swap3A_191 = vector.shape_cast %broadcast_in_dim3A_187 : vector<16xf32> to vector<16xf32>
    tpu.vector_store %arg6[%swap3A_188], %swap3A_191 {strides = array<i32>} : memref<640xf32, #tpu.memory_space<vmem>>, vector<16xf32>,
    %broadcast_in_dim3A_192 = arith.constant 0.000000e+00 : f32
    %broadcast_in_dim3A_193 = vector.broadcast %broadcast_in_dim3A_192 : f32 to vector<16xf32>
    %swap3A_194 = arith.constant 368 : index
    %swap3A_195 = tpu.vector_load %arg6[%swap3A_194] {strides = array<i32>} : memref<640xf32, #tpu.memory_space<vmem>>, vector<16xf32>,
    %swap3A_196 = vector.shape_cast %swap3A_195 : vector<16xf32> to vector<16xf32>
    %swap3A_197 = vector.shape_cast %broadcast_in_dim3A_193 : vector<16xf32> to vector<16xf32>
    tpu.vector_store %arg6[%swap3A_194], %swap3A_197 {strides = array<i32>} : memref<640xf32, #tpu.memory_space<vmem>>, vector<16xf32>,
    %broadcast_in_dim3A_198 = arith.constant 0.000000e+00 : f32
    %broadcast_in_dim3A_199 = vector.broadcast %broadcast_in_dim3A_198 : f32 to vector<16xf32>
    %swap3A_200 = arith.constant 384 : index
    %swap3A_201 = tpu.vector_load %arg6[%swap3A_200] {strides = array<i32>} : memref<640xf32, #tpu.memory_space<vmem>>, vector<16xf32>,
    %swap3A_202 = vector.shape_cast %swap3A_201 : vector<16xf32> to vector<16xf32>
    %swap3A_203 = vector.shape_cast %broadcast_in_dim3A_199 : vector<16xf32> to vector<16xf32>
    tpu.vector_store %arg6[%swap3A_200], %swap3A_203 {strides = array<i32>} : memref<640xf32, #tpu.memory_space<vmem>>, vector<16xf32>,
    %broadcast_in_dim3A_204 = arith.constant 0.000000e+00 : f32
    %broadcast_in_dim3A_205 = vector.broadcast %broadcast_in_dim3A_204 : f32 to vector<16xf32>
    %swap3A_206 = arith.constant 400 : index
    %swap3A_207 = tpu.vector_load %arg6[%swap3A_206] {strides = array<i32>} : memref<640xf32, #tpu.memory_space<vmem>>, vector<16xf32>,
    %swap3A_208 = vector.shape_cast %swap3A_207 : vector<16xf32> to vector<16xf32>
    %swap3A_209 = vector.shape_cast %broadcast_in_dim3A_205 : vector<16xf32> to vector<16xf32>
    tpu.vector_store %arg6[%swap3A_206], %swap3A_209 {strides = array<i32>} : memref<640xf32, #tpu.memory_space<vmem>>, vector<16xf32>,
    %broadcast_in_dim3A_210 = arith.constant 0.000000e+00 : f32
    %broadcast_in_dim3A_211 = vector.broadcast %broadcast_in_dim3A_210 : f32 to vector<16xf32>
    %swap3A_212 = arith.constant 416 : index
    %swap3A_213 = tpu.vector_load %arg6[%swap3A_212] {strides = array<i32>} : memref<640xf32, #tpu.memory_space<vmem>>, vector<16xf32>,
    %swap3A_214 = vector.shape_cast %swap3A_213 : vector<16xf32> to vector<16xf32>
    %swap3A_215 = vector.shape_cast %broadcast_in_dim3A_211 : vector<16xf32> to vector<16xf32>
    tpu.vector_store %arg6[%swap3A_212], %swap3A_215 {strides = array<i32>} : memref<640xf32, #tpu.memory_space<vmem>>, vector<16xf32>,
    %broadcast_in_dim3A_216 = arith.constant 0.000000e+00 : f32
    %broadcast_in_dim3A_217 = vector.broadcast %broadcast_in_dim3A_216 : f32 to vector<16xf32>
    %swap3A_218 = arith.constant 432 : index
    %swap3A_219 = tpu.vector_load %arg6[%swap3A_218] {strides = array<i32>} : memref<640xf32, #tpu.memory_space<vmem>>, vector<16xf32>,
    %swap3A_220 = vector.shape_cast %swap3A_219 : vector<16xf32> to vector<16xf32>
    %swap3A_221 = vector.shape_cast %broadcast_in_dim3A_217 : vector<16xf32> to vector<16xf32>
    tpu.vector_store %arg6[%swap3A_218], %swap3A_221 {strides = array<i32>} : memref<640xf32, #tpu.memory_space<vmem>>, vector<16xf32>,
    %broadcast_in_dim3A_222 = arith.constant 0.000000e+00 : f32
    %broadcast_in_dim3A_223 = vector.broadcast %broadcast_in_dim3A_222 : f32 to vector<16xf32>
    %swap3A_224 = arith.constant 448 : index
    %swap3A_225 = tpu.vector_load %arg6[%swap3A_224] {strides = array<i32>} : memref<640xf32, #tpu.memory_space<vmem>>, vector<16xf32>,
    %swap3A_226 = vector.shape_cast %swap3A_225 : vector<16xf32> to vector<16xf32>
    %swap3A_227 = vector.shape_cast %broadcast_in_dim3A_223 : vector<16xf32> to vector<16xf32>
    tpu.vector_store %arg6[%swap3A_224], %swap3A_227 {strides = array<i32>} : memref<640xf32, #tpu.memory_space<vmem>>, vector<16xf32>,
    %broadcast_in_dim3A_228 = arith.constant 0.000000e+00 : f32
    %broadcast_in_dim3A_229 = vector.broadcast %broadcast_in_dim3A_228 : f32 to vector<16xf32>
    %swap3A_230 = arith.constant 464 : index
    %swap3A_231 = tpu.vector_load %arg6[%swap3A_230] {strides = array<i32>} : memref<640xf32, #tpu.memory_space<vmem>>, vector<16xf32>,
    %swap3A_232 = vector.shape_cast %swap3A_231 : vector<16xf32> to vector<16xf32>
    %swap3A_233 = vector.shape_cast %broadcast_in_dim3A_229 : vector<16xf32> to vector<16xf32>
    tpu.vector_store %arg6[%swap3A_230], %swap3A_233 {strides = array<i32>} : memref<640xf32, #tpu.memory_space<vmem>>, vector<16xf32>,
    %broadcast_in_dim3A_234 = arith.constant 0.000000e+00 : f32
    %broadcast_in_dim3A_235 = vector.broadcast %broadcast_in_dim3A_234 : f32 to vector<16xf32>
    %swap3A_236 = arith.constant 480 : index
    %swap3A_237 = tpu.vector_load %arg6[%swap3A_236] {strides = array<i32>} : memref<640xf32, #tpu.memory_space<vmem>>, vector<16xf32>,
    %swap3A_238 = vector.shape_cast %swap3A_237 : vector<16xf32> to vector<16xf32>
    %swap3A_239 = vector.shape_cast %broadcast_in_dim3A_235 : vector<16xf32> to vector<16xf32>
    tpu.vector_store %arg6[%swap3A_236], %swap3A_239 {strides = array<i32>} : memref<640xf32, #tpu.memory_space<vmem>>, vector<16xf32>,
    %broadcast_in_dim3A_240 = arith.constant 0.000000e+00 : f32
    %broadcast_in_dim3A_241 = vector.broadcast %broadcast_in_dim3A_240 : f32 to vector<16xf32>
    %swap3A_242 = arith.constant 496 : index
    %swap3A_243 = tpu.vector_load %arg6[%swap3A_242] {strides = array<i32>} : memref<640xf32, #tpu.memory_space<vmem>>, vector<16xf32>,
    %swap3A_244 = vector.shape_cast %swap3A_243 : vector<16xf32> to vector<16xf32>
    %swap3A_245 = vector.shape_cast %broadcast_in_dim3A_241 : vector<16xf32> to vector<16xf32>
    tpu.vector_store %arg6[%swap3A_242], %swap3A_245 {strides = array<i32>} : memref<640xf32, #tpu.memory_space<vmem>>, vector<16xf32>,
    %broadcast_in_dim3A_246 = arith.constant 0.000000e+00 : f32
    %broadcast_in_dim3A_247 = vector.broadcast %broadcast_in_dim3A_246 : f32 to vector<16xf32>
    %swap3A_248 = arith.constant 512 : index
    %swap3A_249 = tpu.vector_load %arg6[%swap3A_248] {strides = array<i32>} : memref<640xf32, #tpu.memory_space<vmem>>, vector<16xf32>,
    %swap3A_250 = vector.shape_cast %swap3A_249 : vector<16xf32> to vector<16xf32>
    %swap3A_251 = vector.shape_cast %broadcast_in_dim3A_247 : vector<16xf32> to vector<16xf32>
    tpu.vector_store %arg6[%swap3A_248], %swap3A_251 {strides = array<i32>} : memref<640xf32, #tpu.memory_space<vmem>>, vector<16xf32>,
    %broadcast_in_dim3A_252 = arith.constant 0.000000e+00 : f32
    %broadcast_in_dim3A_253 = vector.broadcast %broadcast_in_dim3A_252 : f32 to vector<16xf32>
    %swap3A_254 = arith.constant 528 : index
    %swap3A_255 = tpu.vector_load %arg6[%swap3A_254] {strides = array<i32>} : memref<640xf32, #tpu.memory_space<vmem>>, vector<16xf32>,
    %swap3A_256 = vector.shape_cast %swap3A_255 : vector<16xf32> to vector<16xf32>
    %swap3A_257 = vector.shape_cast %broadcast_in_dim3A_253 : vector<16xf32> to vector<16xf32>
    tpu.vector_store %arg6[%swap3A_254], %swap3A_257 {strides = array<i32>} : memref<640xf32, #tpu.memory_space<vmem>>, vector<16xf32>,
    %broadcast_in_dim3A_258 = arith.constant 0.000000e+00 : f32
    %broadcast_in_dim3A_259 = vector.broadcast %broadcast_in_dim3A_258 : f32 to vector<16xf32>
    %swap3A_260 = arith.constant 544 : index
    %swap3A_261 = tpu.vector_load %arg6[%swap3A_260] {strides = array<i32>} : memref<640xf32, #tpu.memory_space<vmem>>, vector<16xf32>,
    %swap3A_262 = vector.shape_cast %swap3A_261 : vector<16xf32> to vector<16xf32>
    %swap3A_263 = vector.shape_cast %broadcast_in_dim3A_259 : vector<16xf32> to vector<16xf32>
    tpu.vector_store %arg6[%swap3A_260], %swap3A_263 {strides = array<i32>} : memref<640xf32, #tpu.memory_space<vmem>>, vector<16xf32>,
    %broadcast_in_dim3A_264 = arith.constant 0.000000e+00 : f32
    %broadcast_in_dim3A_265 = vector.broadcast %broadcast_in_dim3A_264 : f32 to vector<16xf32>
    %swap3A_266 = arith.constant 560 : index
    %swap3A_267 = tpu.vector_load %arg6[%swap3A_266] {strides = array<i32>} : memref<640xf32, #tpu.memory_space<vmem>>, vector<16xf32>,
    %swap3A_268 = vector.shape_cast %swap3A_267 : vector<16xf32> to vector<16xf32>
    %swap3A_269 = vector.shape_cast %broadcast_in_dim3A_265 : vector<16xf32> to vector<16xf32>
    tpu.vector_store %arg6[%swap3A_266], %swap3A_269 {strides = array<i32>} : memref<640xf32, #tpu.memory_space<vmem>>, vector<16xf32>,
    %broadcast_in_dim3A_270 = arith.constant 0.000000e+00 : f32
    %broadcast_in_dim3A_271 = vector.broadcast %broadcast_in_dim3A_270 : f32 to vector<16xf32>
    %swap3A_272 = arith.constant 576 : index
    %swap3A_273 = tpu.vector_load %arg6[%swap3A_272] {strides = array<i32>} : memref<640xf32, #tpu.memory_space<vmem>>, vector<16xf32>,
    %swap3A_274 = vector.shape_cast %swap3A_273 : vector<16xf32> to vector<16xf32>
    %swap3A_275 = vector.shape_cast %broadcast_in_dim3A_271 : vector<16xf32> to vector<16xf32>
    tpu.vector_store %arg6[%swap3A_272], %swap3A_275 {strides = array<i32>} : memref<640xf32, #tpu.memory_space<vmem>>, vector<16xf32>,
    %broadcast_in_dim3A_276 = arith.constant 0.000000e+00 : f32
    %broadcast_in_dim3A_277 = vector.broadcast %broadcast_in_dim3A_276 : f32 to vector<16xf32>
    %swap3A_278 = arith.constant 592 : index
    %swap3A_279 = tpu.vector_load %arg6[%swap3A_278] {strides = array<i32>} : memref<640xf32, #tpu.memory_space<vmem>>, vector<16xf32>,
    %swap3A_280 = vector.shape_cast %swap3A_279 : vector<16xf32> to vector<16xf32>
    %swap3A_281 = vector.shape_cast %broadcast_in_dim3A_277 : vector<16xf32> to vector<16xf32>
    tpu.vector_store %arg6[%swap3A_278], %swap3A_281 {strides = array<i32>} : memref<640xf32, #tpu.memory_space<vmem>>, vector<16xf32>,
    %broadcast_in_dim3A_282 = arith.constant 0.000000e+00 : f32
    %broadcast_in_dim3A_283 = vector.broadcast %broadcast_in_dim3A_282 : f32 to vector<16xf32>
    %swap3A_284 = arith.constant 608 : index
    %swap3A_285 = tpu.vector_load %arg6[%swap3A_284] {strides = array<i32>} : memref<640xf32, #tpu.memory_space<vmem>>, vector<16xf32>,
    %swap3A_286 = vector.shape_cast %swap3A_285 : vector<16xf32> to vector<16xf32>
    %swap3A_287 = vector.shape_cast %broadcast_in_dim3A_283 : vector<16xf32> to vector<16xf32>
    tpu.vector_store %arg6[%swap3A_284], %swap3A_287 {strides = array<i32>} : memref<640xf32, #tpu.memory_space<vmem>>, vector<16xf32>,
    %broadcast_in_dim3A_288 = arith.constant 0.000000e+00 : f32
    %broadcast_in_dim3A_289 = vector.broadcast %broadcast_in_dim3A_288 : f32 to vector<16xf32>
    %swap3A_290 = arith.constant 624 : index
    %swap3A_291 = tpu.vector_load %arg6[%swap3A_290] {strides = array<i32>} : memref<640xf32, #tpu.memory_space<vmem>>, vector<16xf32>,
    %swap3A_292 = vector.shape_cast %swap3A_291 : vector<16xf32> to vector<16xf32>
    %swap3A_293 = vector.shape_cast %broadcast_in_dim3A_289 : vector<16xf32> to vector<16xf32>
    tpu.vector_store %arg6[%swap3A_290], %swap3A_293 {strides = array<i32>} : memref<640xf32, #tpu.memory_space<vmem>>, vector<16xf32>,
    %mul3A_294 = arith.constant 632 : i32
    %mul3A_295 = arith.muli %arg1, %mul3A_294 : i32
    "tpu.region"() ({
      %run_scoped3A = tpu.sem_alloc : memref<!tpu.dma_semaphore, #tpu.memory_space<semaphore_mem>>
      %dma_start3A_322 = arith.constant 0 : i32
      %dma_start3A_323 = tpu.memref_slice %arg6[%dma_start3A_322] : memref<640xf32, #tpu.memory_space<vmem>> -> memref<632xf32, #tpu.memory_space<vmem>>
      %dma_start3A_324 = tpu.memref_slice %arg7[%mul3A_295] : memref<10112xf32, #tpu.memory_space<vmem_shared>> -> memref<632xf32, #tpu.memory_space<vmem_shared>>
      %dma_start3A_325 = tpu.memref_slice %arg7[%mul3A_295] : memref<10112xf32, #tpu.memory_space<vmem_shared>> -> memref<632xf32, #tpu.memory_space<vmem_shared>>
      %dma_start3A_326 = arith.constant 0 : i32
      %dma_start3A_327 = tpu.memref_slice %arg6[%dma_start3A_326] : memref<640xf32, #tpu.memory_space<vmem>> -> memref<632xf32, #tpu.memory_space<vmem>>
      tpu.enqueue_dma source(%dma_start3A_327 : memref<632xf32, #tpu.memory_space<vmem>>) target(%dma_start3A_325 : memref<632xf32, #tpu.memory_space<vmem_shared>>) target_semaphore(%run_scoped3A : memref<!tpu.dma_semaphore, #tpu.memory_space<semaphore_mem>>)
      %dma_wait3A_328 = arith.constant 0 : i32
      %dma_wait3A_329 = tpu.memref_slice %arg6[%dma_wait3A_328] : memref<640xf32, #tpu.memory_space<vmem>> -> memref<632xf32, #tpu.memory_space<vmem>>
      %dma_wait3A_330 = tpu.memref_slice %arg7[%mul3A_295] : memref<10112xf32, #tpu.memory_space<vmem_shared>> -> memref<632xf32, #tpu.memory_space<vmem_shared>>
      %dma_wait3A_331 = tpu.memref_slice %arg7[%mul3A_295] : memref<10112xf32, #tpu.memory_space<vmem_shared>> -> memref<632xf32, #tpu.memory_space<vmem_shared>>
      %dma_wait3A_332 = arith.constant 0 : i32
      %dma_wait3A_333 = tpu.memref_slice %arg6[%dma_wait3A_332] : memref<640xf32, #tpu.memory_space<vmem>> -> memref<632xf32, #tpu.memory_space<vmem>>
      tpu.wait_dma2 semaphore(%run_scoped3A : memref<!tpu.dma_semaphore, #tpu.memory_space<semaphore_mem>>) src(%dma_wait3A_333 : memref<632xf32, #tpu.memory_space<vmem>>) dst(%dma_wait3A_331 : memref<632xf32, #tpu.memory_space<vmem_shared>>)
      tpu.yield
    }) : () -> ()
    %dma_wait3A = arith.constant 0 : i32
    %dma_wait3A_296 = arith.constant 0 : i32
    %dma_wait3A_297 = tpu.memref_slice %arg2[%add3A, %dma_wait3A, %dma_wait3A_296] : memref<32x80x128xi32, #tpu.memory_space<hbm>> -> memref<1x80x128xi32, #tpu.memory_space<hbm>>
    %dma_wait3A_298 = tpu.memref_squeeze %dma_wait3A_297 : memref<1x80x128xi32, #tpu.memory_space<hbm>> -> memref<80x128xi32, #tpu.memory_space<hbm>>
    %dma_wait3A_299 = arith.constant 0 : i32
    %dma_wait3A_300 = arith.constant 0 : i32
    %dma_wait3A_301 = tpu.memref_slice %arg2[%add3A, %dma_wait3A_299, %dma_wait3A_300] : memref<32x80x128xi32, #tpu.memory_space<hbm>> -> memref<1x80x128xi32, #tpu.memory_space<hbm>>
    %dma_wait3A_302 = tpu.memref_squeeze %dma_wait3A_301 : memref<1x80x128xi32, #tpu.memory_space<hbm>> -> memref<80x128xi32, #tpu.memory_space<hbm>>
    tpu.wait_dma2 semaphore(%arg8 : memref<!tpu.dma_semaphore, #tpu.memory_space<semaphore_mem>>) src(%dma_wait3A_302 : memref<80x128xi32, #tpu.memory_space<hbm>>) dst(%arg4 : memref<80x128xi32, #tpu.memory_space<vmem>>)
    %barrier3A = arith.constant 0 : index
    tpu.barrier barrier_id(%barrier3A)
    %scan3A = arith.constant 0 : i32
    %scan3A_303 = arith.constant 0 : i32
    %scan3A_304 = arith.constant 80 : i32
    %scan3A_305 = arith.addi %scan3A_303, %scan3A_304 : i32
    %scan3A_306 = arith.constant 1 : i32
    scf.for %scan3A_322 = %scan3A_303 to %scan3A_305 step %scan3A_306  : i32 {
      %dma_start3A_323 = arith.constant 0 : i32
      %dma_start3A_324 = tpu.memref_slice %arg4[%scan3A_322, %dma_start3A_323] : memref<80x128xi32, #tpu.memory_space<vmem>> -> memref<1x128xi32, #tpu.memory_space<vmem>>
      %dma_start3A_325 = tpu.memref_squeeze %dma_start3A_324 : memref<1x128xi32, #tpu.memory_space<vmem>> -> memref<128xi32, #tpu.memory_space<vmem>>
      %dma_start3A_326 = arith.constant 0 : i32
      %dma_start3A_327 = tpu.memref_slice %arg7[%dma_start3A_326] : memref<10112xf32, #tpu.memory_space<vmem_shared>> -> memref<10112xf32, #tpu.memory_space<vmem_shared>>
      tpu.enqueue_indirect_dma source(%arg5 : memref<128xf32, #tpu.memory_space<vmem>>) target(%dma_start3A_327 : memref<10112xf32, #tpu.memory_space<vmem_shared>>) offsets(%dma_start3A_325 : memref<128xi32, #tpu.memory_space<vmem>>) semaphore(%arg9 : memref<!tpu.dma_semaphore, #tpu.memory_space<semaphore_mem>>) {add = true}
    }
    %scan3A_307 = arith.constant 80 : i32
    %scan3A_308 = arith.constant 0 : i32
    %scan3A_309 = arith.constant 0 : i32
    %scan3A_310 = arith.constant 80 : i32
    %scan3A_311 = arith.addi %scan3A_309, %scan3A_310 : i32
    %scan3A_312 = arith.constant 1 : i32
    scf.for %scan3A_322 = %scan3A_309 to %scan3A_311 step %scan3A_312  : i32 {
      %dma_wait3A_323 = arith.constant 0 : i32
      %dma_wait3A_324 = tpu.memref_slice %arg4[%scan3A_322, %dma_wait3A_323] : memref<80x128xi32, #tpu.memory_space<vmem>> -> memref<1x128xi32, #tpu.memory_space<vmem>>
      %dma_wait3A_325 = tpu.memref_squeeze %dma_wait3A_324 : memref<1x128xi32, #tpu.memory_space<vmem>> -> memref<128xi32, #tpu.memory_space<vmem>>
      %dma_wait3A_326 = arith.constant 0 : i32
      %dma_wait3A_327 = tpu.memref_slice %arg7[%dma_wait3A_326] : memref<10112xf32, #tpu.memory_space<vmem_shared>> -> memref<10112xf32, #tpu.memory_space<vmem_shared>>
      tpu.wait_indirect_dma semaphore(%arg9 : memref<!tpu.dma_semaphore, #tpu.memory_space<semaphore_mem>>) src(%arg5 : memref<128xf32, #tpu.memory_space<vmem>>) dst(%dma_wait3A_327 : memref<10112xf32, #tpu.memory_space<vmem_shared>>)
    }
    %scan3A_313 = arith.constant 80 : i32
    %barrier3A_314 = arith.constant 0 : index
    tpu.barrier barrier_id(%barrier3A_314)
    %mul3A_315 = arith.constant 632 : i32
    %mul3A_316 = arith.muli %arg1, %mul3A_315 : i32
    "tpu.region"() ({
      %run_scoped3A = tpu.sem_alloc : memref<!tpu.dma_semaphore, #tpu.memory_space<semaphore_mem>>
      %dma_start3A_322 = arith.constant 0 : i32
      %dma_start3A_323 = tpu.memref_slice %arg6[%dma_start3A_322] : memref<640xf32, #tpu.memory_space<vmem>> -> memref<632xf32, #tpu.memory_space<vmem>>
      %dma_start3A_324 = tpu.memref_slice %arg7[%mul3A_316] : memref<10112xf32, #tpu.memory_space<vmem_shared>> -> memref<632xf32, #tpu.memory_space<vmem_shared>>
      %dma_start3A_325 = arith.constant 0 : i32
      %dma_start3A_326 = tpu.memref_slice %arg6[%dma_start3A_325] : memref<640xf32, #tpu.memory_space<vmem>> -> memref<632xf32, #tpu.memory_space<vmem>>
      %dma_start3A_327 = tpu.memref_slice %arg7[%mul3A_316] : memref<10112xf32, #tpu.memory_space<vmem_shared>> -> memref<632xf32, #tpu.memory_space<vmem_shared>>
      tpu.enqueue_dma source(%dma_start3A_327 : memref<632xf32, #tpu.memory_space<vmem_shared>>) target(%dma_start3A_326 : memref<632xf32, #tpu.memory_space<vmem>>) target_semaphore(%run_scoped3A : memref<!tpu.dma_semaphore, #tpu.memory_space<semaphore_mem>>)
      %dma_wait3A_328 = arith.constant 0 : i32
      %dma_wait3A_329 = tpu.memref_slice %arg6[%dma_wait3A_328] : memref<640xf32, #tpu.memory_space<vmem>> -> memref<632xf32, #tpu.memory_space<vmem>>
      %dma_wait3A_330 = tpu.memref_slice %arg7[%mul3A_316] : memref<10112xf32, #tpu.memory_space<vmem_shared>> -> memref<632xf32, #tpu.memory_space<vmem_shared>>
      %dma_wait3A_331 = arith.constant 0 : i32
      %dma_wait3A_332 = tpu.memref_slice %arg6[%dma_wait3A_331] : memref<640xf32, #tpu.memory_space<vmem>> -> memref<632xf32, #tpu.memory_space<vmem>>
      %dma_wait3A_333 = tpu.memref_slice %arg7[%mul3A_316] : memref<10112xf32, #tpu.memory_space<vmem_shared>> -> memref<632xf32, #tpu.memory_space<vmem_shared>>
      tpu.wait_dma2 semaphore(%run_scoped3A : memref<!tpu.dma_semaphore, #tpu.memory_space<semaphore_mem>>) src(%dma_wait3A_333 : memref<632xf32, #tpu.memory_space<vmem_shared>>) dst(%dma_wait3A_332 : memref<632xf32, #tpu.memory_space<vmem>>)
      tpu.yield
    }) : () -> ()
    %mul3A_317 = arith.constant 10112 : i32
    %mul3A_318 = arith.muli %arg0, %mul3A_317 : i32
    %mul3A_319 = arith.constant 632 : i32
    %mul3A_320 = arith.muli %arg1, %mul3A_319 : i32
    %add3A_321 = arith.addi %mul3A_318, %mul3A_320 : i32
    "tpu.region"() ({
      %run_scoped3A = tpu.sem_alloc : memref<!tpu.dma_semaphore, #tpu.memory_space<semaphore_mem>>
      %dma_start3A_322 = arith.constant 0 : i32
      %dma_start3A_323 = tpu.memref_slice %arg6[%dma_start3A_322] : memref<640xf32, #tpu.memory_space<vmem>> -> memref<632xf32, #tpu.memory_space<vmem>>
      %dma_start3A_324 = tpu.memref_slice %arg3[%add3A_321] : memref<20224xf32, #tpu.memory_space<hbm>> -> memref<632xf32, #tpu.memory_space<hbm>>
      %dma_start3A_325 = tpu.memref_slice %arg3[%add3A_321] : memref<20224xf32, #tpu.memory_space<hbm>> -> memref<632xf32, #tpu.memory_space<hbm>>
      %dma_start3A_326 = arith.constant 0 : i32
      %dma_start3A_327 = tpu.memref_slice %arg6[%dma_start3A_326] : memref<640xf32, #tpu.memory_space<vmem>> -> memref<632xf32, #tpu.memory_space<vmem>>
      tpu.enqueue_dma source(%dma_start3A_327 : memref<632xf32, #tpu.memory_space<vmem>>) target(%dma_start3A_325 : memref<632xf32, #tpu.memory_space<hbm>>) target_semaphore(%run_scoped3A : memref<!tpu.dma_semaphore, #tpu.memory_space<semaphore_mem>>)
      %dma_wait3A_328 = arith.constant 0 : i32
      %dma_wait3A_329 = tpu.memref_slice %arg6[%dma_wait3A_328] : memref<640xf32, #tpu.memory_space<vmem>> -> memref<632xf32, #tpu.memory_space<vmem>>
      %dma_wait3A_330 = tpu.memref_slice %arg3[%add3A_321] : memref<20224xf32, #tpu.memory_space<hbm>> -> memref<632xf32, #tpu.memory_space<hbm>>
      %dma_wait3A_331 = tpu.memref_slice %arg3[%add3A_321] : memref<20224xf32, #tpu.memory_space<hbm>> -> memref<632xf32, #tpu.memory_space<hbm>>
      %dma_wait3A_332 = arith.constant 0 : i32
      %dma_wait3A_333 = tpu.memref_slice %arg6[%dma_wait3A_332] : memref<640xf32, #tpu.memory_space<vmem>> -> memref<632xf32, #tpu.memory_space<vmem>>
      tpu.wait_dma2 semaphore(%run_scoped3A : memref<!tpu.dma_semaphore, #tpu.memory_space<semaphore_mem>>) src(%dma_wait3A_333 : memref<632xf32, #tpu.memory_space<vmem>>) dst(%dma_wait3A_331 : memref<632xf32, #tpu.memory_space<hbm>>)
      tpu.yield
    }) : () -> ()
    return
  }
}

#map = affine_map<(d0, d1) -> (0)>
#map1 = affine_map<(d0, d1) -> (0, 0)>
#map2 = affine_map<(d0, d1) -> (0, 0, 0)>
module attributes {stable_mosaic.version = 14 : i64} {
  func.func @_edge_kernel(%arg0: i32, %arg1: i32, %arg2: memref<327680xi32, #tpu.memory_space<hbm>>, %arg3: memref<327680xi32, #tpu.memory_space<hbm>>, %arg4: memref<10112x128xf32, #tpu.memory_space<hbm>>, %arg5: memref<2x10112x128xf32, #tpu.memory_space<hbm>>, %arg6: memref<128xi32, #tpu.memory_space<vmem>>, %arg7: memref<128xi32, #tpu.memory_space<vmem>>, %arg8: memref<128x128xf32, #tpu.memory_space<vmem>>, %arg9: memref<10112x128xf32, #tpu.memory_space<vmem_shared>>, %arg10: memref<!tpu.dma_semaphore, #tpu.memory_space<semaphore_mem>>) attributes {dimension_semantics = [#tpu.dimension_semantics<core_parallel>, #tpu.dimension_semantics<subcore_parallel>], iteration_bounds = array<i64: 2, 16>, scalar_prefetch = 0 : i64, scratch_operands = 5 : i64, tpu.core_type = #tpu.core_type<sc_vector_subcore>, window_params = [{transform_indices = #map}, {transform_indices = #map}, {transform_indices = #map1}, {transform_indices = #map2}]} {
    %mul3A = arith.constant 16 : i32
    %mul3A_0 = arith.muli %arg0, %mul3A : i32
    %add3A = arith.addi %mul3A_0, %arg1 : i32
    %mul3A_1 = arith.constant 632 : i32
    %mul3A_2 = arith.muli %arg1, %mul3A_1 : i32
    %add3A_3 = arith.constant 0 : i32
    %add3A_4 = arith.addi %mul3A_2, %add3A_3 : i32
    "tpu.region"() ({
      %run_scoped3A = tpu.sem_alloc : memref<!tpu.dma_semaphore, #tpu.memory_space<semaphore_mem>>
      %dma_start3A = arith.constant 0 : i32
      %dma_start3A_49 = arith.constant 0 : i32
      %dma_start3A_50 = tpu.memref_slice %arg8[%dma_start3A, %dma_start3A_49] : memref<128x128xf32, #tpu.memory_space<vmem>> -> memref<128x128xf32, #tpu.memory_space<vmem>>
      %dma_start3A_51 = arith.constant 0 : i32
      %dma_start3A_52 = tpu.memref_slice %arg4[%add3A_4, %dma_start3A_51] : memref<10112x128xf32, #tpu.memory_space<hbm>> -> memref<128x128xf32, #tpu.memory_space<hbm>>
      %dma_start3A_53 = arith.constant 0 : i32
      %dma_start3A_54 = arith.constant 0 : i32
      %dma_start3A_55 = tpu.memref_slice %arg8[%dma_start3A_53, %dma_start3A_54] : memref<128x128xf32, #tpu.memory_space<vmem>> -> memref<128x128xf32, #tpu.memory_space<vmem>>
      %dma_start3A_56 = arith.constant 0 : i32
      %dma_start3A_57 = tpu.memref_slice %arg4[%add3A_4, %dma_start3A_56] : memref<10112x128xf32, #tpu.memory_space<hbm>> -> memref<128x128xf32, #tpu.memory_space<hbm>>
      tpu.enqueue_dma source(%dma_start3A_57 : memref<128x128xf32, #tpu.memory_space<hbm>>) target(%dma_start3A_55 : memref<128x128xf32, #tpu.memory_space<vmem>>) target_semaphore(%run_scoped3A : memref<!tpu.dma_semaphore, #tpu.memory_space<semaphore_mem>>)
      %dma_wait3A = arith.constant 0 : i32
      %dma_wait3A_58 = arith.constant 0 : i32
      %dma_wait3A_59 = tpu.memref_slice %arg8[%dma_wait3A, %dma_wait3A_58] : memref<128x128xf32, #tpu.memory_space<vmem>> -> memref<128x128xf32, #tpu.memory_space<vmem>>
      %dma_wait3A_60 = arith.constant 0 : i32
      %dma_wait3A_61 = tpu.memref_slice %arg4[%add3A_4, %dma_wait3A_60] : memref<10112x128xf32, #tpu.memory_space<hbm>> -> memref<128x128xf32, #tpu.memory_space<hbm>>
      %dma_wait3A_62 = arith.constant 0 : i32
      %dma_wait3A_63 = arith.constant 0 : i32
      %dma_wait3A_64 = tpu.memref_slice %arg8[%dma_wait3A_62, %dma_wait3A_63] : memref<128x128xf32, #tpu.memory_space<vmem>> -> memref<128x128xf32, #tpu.memory_space<vmem>>
      %dma_wait3A_65 = arith.constant 0 : i32
      %dma_wait3A_66 = tpu.memref_slice %arg4[%add3A_4, %dma_wait3A_65] : memref<10112x128xf32, #tpu.memory_space<hbm>> -> memref<128x128xf32, #tpu.memory_space<hbm>>
      tpu.wait_dma2 semaphore(%run_scoped3A : memref<!tpu.dma_semaphore, #tpu.memory_space<semaphore_mem>>) src(%dma_wait3A_66 : memref<128x128xf32, #tpu.memory_space<hbm>>) dst(%dma_wait3A_64 : memref<128x128xf32, #tpu.memory_space<vmem>>)
      tpu.yield
    }) : () -> ()
    %add3A_5 = arith.constant 0 : i32
    %add3A_6 = arith.addi %mul3A_2, %add3A_5 : i32
    "tpu.region"() ({
      %run_scoped3A = tpu.sem_alloc : memref<!tpu.dma_semaphore, #tpu.memory_space<semaphore_mem>>
      %dma_start3A = arith.constant 0 : i32
      %dma_start3A_49 = arith.constant 0 : i32
      %dma_start3A_50 = tpu.memref_slice %arg8[%dma_start3A, %dma_start3A_49] : memref<128x128xf32, #tpu.memory_space<vmem>> -> memref<128x128xf32, #tpu.memory_space<vmem>>
      %dma_start3A_51 = arith.constant 0 : i32
      %dma_start3A_52 = tpu.memref_slice %arg9[%add3A_6, %dma_start3A_51] : memref<10112x128xf32, #tpu.memory_space<vmem_shared>> -> memref<128x128xf32, #tpu.memory_space<vmem_shared>>
      %dma_start3A_53 = arith.constant 0 : i32
      %dma_start3A_54 = tpu.memref_slice %arg9[%add3A_6, %dma_start3A_53] : memref<10112x128xf32, #tpu.memory_space<vmem_shared>> -> memref<128x128xf32, #tpu.memory_space<vmem_shared>>
      %dma_start3A_55 = arith.constant 0 : i32
      %dma_start3A_56 = arith.constant 0 : i32
      %dma_start3A_57 = tpu.memref_slice %arg8[%dma_start3A_55, %dma_start3A_56] : memref<128x128xf32, #tpu.memory_space<vmem>> -> memref<128x128xf32, #tpu.memory_space<vmem>>
      tpu.enqueue_dma source(%dma_start3A_57 : memref<128x128xf32, #tpu.memory_space<vmem>>) target(%dma_start3A_54 : memref<128x128xf32, #tpu.memory_space<vmem_shared>>) target_semaphore(%run_scoped3A : memref<!tpu.dma_semaphore, #tpu.memory_space<semaphore_mem>>)
      %dma_wait3A = arith.constant 0 : i32
      %dma_wait3A_58 = arith.constant 0 : i32
      %dma_wait3A_59 = tpu.memref_slice %arg8[%dma_wait3A, %dma_wait3A_58] : memref<128x128xf32, #tpu.memory_space<vmem>> -> memref<128x128xf32, #tpu.memory_space<vmem>>
      %dma_wait3A_60 = arith.constant 0 : i32
      %dma_wait3A_61 = tpu.memref_slice %arg9[%add3A_6, %dma_wait3A_60] : memref<10112x128xf32, #tpu.memory_space<vmem_shared>> -> memref<128x128xf32, #tpu.memory_space<vmem_shared>>
      %dma_wait3A_62 = arith.constant 0 : i32
      %dma_wait3A_63 = tpu.memref_slice %arg9[%add3A_6, %dma_wait3A_62] : memref<10112x128xf32, #tpu.memory_space<vmem_shared>> -> memref<128x128xf32, #tpu.memory_space<vmem_shared>>
      %dma_wait3A_64 = arith.constant 0 : i32
      %dma_wait3A_65 = arith.constant 0 : i32
      %dma_wait3A_66 = tpu.memref_slice %arg8[%dma_wait3A_64, %dma_wait3A_65] : memref<128x128xf32, #tpu.memory_space<vmem>> -> memref<128x128xf32, #tpu.memory_space<vmem>>
      tpu.wait_dma2 semaphore(%run_scoped3A : memref<!tpu.dma_semaphore, #tpu.memory_space<semaphore_mem>>) src(%dma_wait3A_66 : memref<128x128xf32, #tpu.memory_space<vmem>>) dst(%dma_wait3A_63 : memref<128x128xf32, #tpu.memory_space<vmem_shared>>)
      tpu.yield
    }) : () -> ()
    %add3A_7 = arith.constant 128 : i32
    %add3A_8 = arith.addi %mul3A_2, %add3A_7 : i32
    "tpu.region"() ({
      %run_scoped3A = tpu.sem_alloc : memref<!tpu.dma_semaphore, #tpu.memory_space<semaphore_mem>>
      %dma_start3A = arith.constant 0 : i32
      %dma_start3A_49 = arith.constant 0 : i32
      %dma_start3A_50 = tpu.memref_slice %arg8[%dma_start3A, %dma_start3A_49] : memref<128x128xf32, #tpu.memory_space<vmem>> -> memref<128x128xf32, #tpu.memory_space<vmem>>
      %dma_start3A_51 = arith.constant 0 : i32
      %dma_start3A_52 = tpu.memref_slice %arg4[%add3A_8, %dma_start3A_51] : memref<10112x128xf32, #tpu.memory_space<hbm>> -> memref<128x128xf32, #tpu.memory_space<hbm>>
      %dma_start3A_53 = arith.constant 0 : i32
      %dma_start3A_54 = arith.constant 0 : i32
      %dma_start3A_55 = tpu.memref_slice %arg8[%dma_start3A_53, %dma_start3A_54] : memref<128x128xf32, #tpu.memory_space<vmem>> -> memref<128x128xf32, #tpu.memory_space<vmem>>
      %dma_start3A_56 = arith.constant 0 : i32
      %dma_start3A_57 = tpu.memref_slice %arg4[%add3A_8, %dma_start3A_56] : memref<10112x128xf32, #tpu.memory_space<hbm>> -> memref<128x128xf32, #tpu.memory_space<hbm>>
      tpu.enqueue_dma source(%dma_start3A_57 : memref<128x128xf32, #tpu.memory_space<hbm>>) target(%dma_start3A_55 : memref<128x128xf32, #tpu.memory_space<vmem>>) target_semaphore(%run_scoped3A : memref<!tpu.dma_semaphore, #tpu.memory_space<semaphore_mem>>)
      %dma_wait3A = arith.constant 0 : i32
      %dma_wait3A_58 = arith.constant 0 : i32
      %dma_wait3A_59 = tpu.memref_slice %arg8[%dma_wait3A, %dma_wait3A_58] : memref<128x128xf32, #tpu.memory_space<vmem>> -> memref<128x128xf32, #tpu.memory_space<vmem>>
      %dma_wait3A_60 = arith.constant 0 : i32
      %dma_wait3A_61 = tpu.memref_slice %arg4[%add3A_8, %dma_wait3A_60] : memref<10112x128xf32, #tpu.memory_space<hbm>> -> memref<128x128xf32, #tpu.memory_space<hbm>>
      %dma_wait3A_62 = arith.constant 0 : i32
      %dma_wait3A_63 = arith.constant 0 : i32
      %dma_wait3A_64 = tpu.memref_slice %arg8[%dma_wait3A_62, %dma_wait3A_63] : memref<128x128xf32, #tpu.memory_space<vmem>> -> memref<128x128xf32, #tpu.memory_space<vmem>>
      %dma_wait3A_65 = arith.constant 0 : i32
      %dma_wait3A_66 = tpu.memref_slice %arg4[%add3A_8, %dma_wait3A_65] : memref<10112x128xf32, #tpu.memory_space<hbm>> -> memref<128x128xf32, #tpu.memory_space<hbm>>
      tpu.wait_dma2 semaphore(%run_scoped3A : memref<!tpu.dma_semaphore, #tpu.memory_space<semaphore_mem>>) src(%dma_wait3A_66 : memref<128x128xf32, #tpu.memory_space<hbm>>) dst(%dma_wait3A_64 : memref<128x128xf32, #tpu.memory_space<vmem>>)
      tpu.yield
    }) : () -> ()
    %add3A_9 = arith.constant 128 : i32
    %add3A_10 = arith.addi %mul3A_2, %add3A_9 : i32
    "tpu.region"() ({
      %run_scoped3A = tpu.sem_alloc : memref<!tpu.dma_semaphore, #tpu.memory_space<semaphore_mem>>
      %dma_start3A = arith.constant 0 : i32
      %dma_start3A_49 = arith.constant 0 : i32
      %dma_start3A_50 = tpu.memref_slice %arg8[%dma_start3A, %dma_start3A_49] : memref<128x128xf32, #tpu.memory_space<vmem>> -> memref<128x128xf32, #tpu.memory_space<vmem>>
      %dma_start3A_51 = arith.constant 0 : i32
      %dma_start3A_52 = tpu.memref_slice %arg9[%add3A_10, %dma_start3A_51] : memref<10112x128xf32, #tpu.memory_space<vmem_shared>> -> memref<128x128xf32, #tpu.memory_space<vmem_shared>>
      %dma_start3A_53 = arith.constant 0 : i32
      %dma_start3A_54 = tpu.memref_slice %arg9[%add3A_10, %dma_start3A_53] : memref<10112x128xf32, #tpu.memory_space<vmem_shared>> -> memref<128x128xf32, #tpu.memory_space<vmem_shared>>
      %dma_start3A_55 = arith.constant 0 : i32
      %dma_start3A_56 = arith.constant 0 : i32
      %dma_start3A_57 = tpu.memref_slice %arg8[%dma_start3A_55, %dma_start3A_56] : memref<128x128xf32, #tpu.memory_space<vmem>> -> memref<128x128xf32, #tpu.memory_space<vmem>>
      tpu.enqueue_dma source(%dma_start3A_57 : memref<128x128xf32, #tpu.memory_space<vmem>>) target(%dma_start3A_54 : memref<128x128xf32, #tpu.memory_space<vmem_shared>>) target_semaphore(%run_scoped3A : memref<!tpu.dma_semaphore, #tpu.memory_space<semaphore_mem>>)
      %dma_wait3A = arith.constant 0 : i32
      %dma_wait3A_58 = arith.constant 0 : i32
      %dma_wait3A_59 = tpu.memref_slice %arg8[%dma_wait3A, %dma_wait3A_58] : memref<128x128xf32, #tpu.memory_space<vmem>> -> memref<128x128xf32, #tpu.memory_space<vmem>>
      %dma_wait3A_60 = arith.constant 0 : i32
      %dma_wait3A_61 = tpu.memref_slice %arg9[%add3A_10, %dma_wait3A_60] : memref<10112x128xf32, #tpu.memory_space<vmem_shared>> -> memref<128x128xf32, #tpu.memory_space<vmem_shared>>
      %dma_wait3A_62 = arith.constant 0 : i32
      %dma_wait3A_63 = tpu.memref_slice %arg9[%add3A_10, %dma_wait3A_62] : memref<10112x128xf32, #tpu.memory_space<vmem_shared>> -> memref<128x128xf32, #tpu.memory_space<vmem_shared>>
      %dma_wait3A_64 = arith.constant 0 : i32
      %dma_wait3A_65 = arith.constant 0 : i32
      %dma_wait3A_66 = tpu.memref_slice %arg8[%dma_wait3A_64, %dma_wait3A_65] : memref<128x128xf32, #tpu.memory_space<vmem>> -> memref<128x128xf32, #tpu.memory_space<vmem>>
      tpu.wait_dma2 semaphore(%run_scoped3A : memref<!tpu.dma_semaphore, #tpu.memory_space<semaphore_mem>>) src(%dma_wait3A_66 : memref<128x128xf32, #tpu.memory_space<vmem>>) dst(%dma_wait3A_63 : memref<128x128xf32, #tpu.memory_space<vmem_shared>>)
      tpu.yield
    }) : () -> ()
    %add3A_11 = arith.constant 256 : i32
    %add3A_12 = arith.addi %mul3A_2, %add3A_11 : i32
    "tpu.region"() ({
      %run_scoped3A = tpu.sem_alloc : memref<!tpu.dma_semaphore, #tpu.memory_space<semaphore_mem>>
      %dma_start3A = arith.constant 0 : i32
      %dma_start3A_49 = arith.constant 0 : i32
      %dma_start3A_50 = tpu.memref_slice %arg8[%dma_start3A, %dma_start3A_49] : memref<128x128xf32, #tpu.memory_space<vmem>> -> memref<128x128xf32, #tpu.memory_space<vmem>>
      %dma_start3A_51 = arith.constant 0 : i32
      %dma_start3A_52 = tpu.memref_slice %arg4[%add3A_12, %dma_start3A_51] : memref<10112x128xf32, #tpu.memory_space<hbm>> -> memref<128x128xf32, #tpu.memory_space<hbm>>
      %dma_start3A_53 = arith.constant 0 : i32
      %dma_start3A_54 = arith.constant 0 : i32
      %dma_start3A_55 = tpu.memref_slice %arg8[%dma_start3A_53, %dma_start3A_54] : memref<128x128xf32, #tpu.memory_space<vmem>> -> memref<128x128xf32, #tpu.memory_space<vmem>>
      %dma_start3A_56 = arith.constant 0 : i32
      %dma_start3A_57 = tpu.memref_slice %arg4[%add3A_12, %dma_start3A_56] : memref<10112x128xf32, #tpu.memory_space<hbm>> -> memref<128x128xf32, #tpu.memory_space<hbm>>
      tpu.enqueue_dma source(%dma_start3A_57 : memref<128x128xf32, #tpu.memory_space<hbm>>) target(%dma_start3A_55 : memref<128x128xf32, #tpu.memory_space<vmem>>) target_semaphore(%run_scoped3A : memref<!tpu.dma_semaphore, #tpu.memory_space<semaphore_mem>>)
      %dma_wait3A = arith.constant 0 : i32
      %dma_wait3A_58 = arith.constant 0 : i32
      %dma_wait3A_59 = tpu.memref_slice %arg8[%dma_wait3A, %dma_wait3A_58] : memref<128x128xf32, #tpu.memory_space<vmem>> -> memref<128x128xf32, #tpu.memory_space<vmem>>
      %dma_wait3A_60 = arith.constant 0 : i32
      %dma_wait3A_61 = tpu.memref_slice %arg4[%add3A_12, %dma_wait3A_60] : memref<10112x128xf32, #tpu.memory_space<hbm>> -> memref<128x128xf32, #tpu.memory_space<hbm>>
      %dma_wait3A_62 = arith.constant 0 : i32
      %dma_wait3A_63 = arith.constant 0 : i32
      %dma_wait3A_64 = tpu.memref_slice %arg8[%dma_wait3A_62, %dma_wait3A_63] : memref<128x128xf32, #tpu.memory_space<vmem>> -> memref<128x128xf32, #tpu.memory_space<vmem>>
      %dma_wait3A_65 = arith.constant 0 : i32
      %dma_wait3A_66 = tpu.memref_slice %arg4[%add3A_12, %dma_wait3A_65] : memref<10112x128xf32, #tpu.memory_space<hbm>> -> memref<128x128xf32, #tpu.memory_space<hbm>>
      tpu.wait_dma2 semaphore(%run_scoped3A : memref<!tpu.dma_semaphore, #tpu.memory_space<semaphore_mem>>) src(%dma_wait3A_66 : memref<128x128xf32, #tpu.memory_space<hbm>>) dst(%dma_wait3A_64 : memref<128x128xf32, #tpu.memory_space<vmem>>)
      tpu.yield
    }) : () -> ()
    %add3A_13 = arith.constant 256 : i32
    %add3A_14 = arith.addi %mul3A_2, %add3A_13 : i32
    "tpu.region"() ({
      %run_scoped3A = tpu.sem_alloc : memref<!tpu.dma_semaphore, #tpu.memory_space<semaphore_mem>>
      %dma_start3A = arith.constant 0 : i32
      %dma_start3A_49 = arith.constant 0 : i32
      %dma_start3A_50 = tpu.memref_slice %arg8[%dma_start3A, %dma_start3A_49] : memref<128x128xf32, #tpu.memory_space<vmem>> -> memref<128x128xf32, #tpu.memory_space<vmem>>
      %dma_start3A_51 = arith.constant 0 : i32
      %dma_start3A_52 = tpu.memref_slice %arg9[%add3A_14, %dma_start3A_51] : memref<10112x128xf32, #tpu.memory_space<vmem_shared>> -> memref<128x128xf32, #tpu.memory_space<vmem_shared>>
      %dma_start3A_53 = arith.constant 0 : i32
      %dma_start3A_54 = tpu.memref_slice %arg9[%add3A_14, %dma_start3A_53] : memref<10112x128xf32, #tpu.memory_space<vmem_shared>> -> memref<128x128xf32, #tpu.memory_space<vmem_shared>>
      %dma_start3A_55 = arith.constant 0 : i32
      %dma_start3A_56 = arith.constant 0 : i32
      %dma_start3A_57 = tpu.memref_slice %arg8[%dma_start3A_55, %dma_start3A_56] : memref<128x128xf32, #tpu.memory_space<vmem>> -> memref<128x128xf32, #tpu.memory_space<vmem>>
      tpu.enqueue_dma source(%dma_start3A_57 : memref<128x128xf32, #tpu.memory_space<vmem>>) target(%dma_start3A_54 : memref<128x128xf32, #tpu.memory_space<vmem_shared>>) target_semaphore(%run_scoped3A : memref<!tpu.dma_semaphore, #tpu.memory_space<semaphore_mem>>)
      %dma_wait3A = arith.constant 0 : i32
      %dma_wait3A_58 = arith.constant 0 : i32
      %dma_wait3A_59 = tpu.memref_slice %arg8[%dma_wait3A, %dma_wait3A_58] : memref<128x128xf32, #tpu.memory_space<vmem>> -> memref<128x128xf32, #tpu.memory_space<vmem>>
      %dma_wait3A_60 = arith.constant 0 : i32
      %dma_wait3A_61 = tpu.memref_slice %arg9[%add3A_14, %dma_wait3A_60] : memref<10112x128xf32, #tpu.memory_space<vmem_shared>> -> memref<128x128xf32, #tpu.memory_space<vmem_shared>>
      %dma_wait3A_62 = arith.constant 0 : i32
      %dma_wait3A_63 = tpu.memref_slice %arg9[%add3A_14, %dma_wait3A_62] : memref<10112x128xf32, #tpu.memory_space<vmem_shared>> -> memref<128x128xf32, #tpu.memory_space<vmem_shared>>
      %dma_wait3A_64 = arith.constant 0 : i32
      %dma_wait3A_65 = arith.constant 0 : i32
      %dma_wait3A_66 = tpu.memref_slice %arg8[%dma_wait3A_64, %dma_wait3A_65] : memref<128x128xf32, #tpu.memory_space<vmem>> -> memref<128x128xf32, #tpu.memory_space<vmem>>
      tpu.wait_dma2 semaphore(%run_scoped3A : memref<!tpu.dma_semaphore, #tpu.memory_space<semaphore_mem>>) src(%dma_wait3A_66 : memref<128x128xf32, #tpu.memory_space<vmem>>) dst(%dma_wait3A_63 : memref<128x128xf32, #tpu.memory_space<vmem_shared>>)
      tpu.yield
    }) : () -> ()
    %add3A_15 = arith.constant 384 : i32
    %add3A_16 = arith.addi %mul3A_2, %add3A_15 : i32
    "tpu.region"() ({
      %run_scoped3A = tpu.sem_alloc : memref<!tpu.dma_semaphore, #tpu.memory_space<semaphore_mem>>
      %dma_start3A = arith.constant 0 : i32
      %dma_start3A_49 = arith.constant 0 : i32
      %dma_start3A_50 = tpu.memref_slice %arg8[%dma_start3A, %dma_start3A_49] : memref<128x128xf32, #tpu.memory_space<vmem>> -> memref<128x128xf32, #tpu.memory_space<vmem>>
      %dma_start3A_51 = arith.constant 0 : i32
      %dma_start3A_52 = tpu.memref_slice %arg4[%add3A_16, %dma_start3A_51] : memref<10112x128xf32, #tpu.memory_space<hbm>> -> memref<128x128xf32, #tpu.memory_space<hbm>>
      %dma_start3A_53 = arith.constant 0 : i32
      %dma_start3A_54 = arith.constant 0 : i32
      %dma_start3A_55 = tpu.memref_slice %arg8[%dma_start3A_53, %dma_start3A_54] : memref<128x128xf32, #tpu.memory_space<vmem>> -> memref<128x128xf32, #tpu.memory_space<vmem>>
      %dma_start3A_56 = arith.constant 0 : i32
      %dma_start3A_57 = tpu.memref_slice %arg4[%add3A_16, %dma_start3A_56] : memref<10112x128xf32, #tpu.memory_space<hbm>> -> memref<128x128xf32, #tpu.memory_space<hbm>>
      tpu.enqueue_dma source(%dma_start3A_57 : memref<128x128xf32, #tpu.memory_space<hbm>>) target(%dma_start3A_55 : memref<128x128xf32, #tpu.memory_space<vmem>>) target_semaphore(%run_scoped3A : memref<!tpu.dma_semaphore, #tpu.memory_space<semaphore_mem>>)
      %dma_wait3A = arith.constant 0 : i32
      %dma_wait3A_58 = arith.constant 0 : i32
      %dma_wait3A_59 = tpu.memref_slice %arg8[%dma_wait3A, %dma_wait3A_58] : memref<128x128xf32, #tpu.memory_space<vmem>> -> memref<128x128xf32, #tpu.memory_space<vmem>>
      %dma_wait3A_60 = arith.constant 0 : i32
      %dma_wait3A_61 = tpu.memref_slice %arg4[%add3A_16, %dma_wait3A_60] : memref<10112x128xf32, #tpu.memory_space<hbm>> -> memref<128x128xf32, #tpu.memory_space<hbm>>
      %dma_wait3A_62 = arith.constant 0 : i32
      %dma_wait3A_63 = arith.constant 0 : i32
      %dma_wait3A_64 = tpu.memref_slice %arg8[%dma_wait3A_62, %dma_wait3A_63] : memref<128x128xf32, #tpu.memory_space<vmem>> -> memref<128x128xf32, #tpu.memory_space<vmem>>
      %dma_wait3A_65 = arith.constant 0 : i32
      %dma_wait3A_66 = tpu.memref_slice %arg4[%add3A_16, %dma_wait3A_65] : memref<10112x128xf32, #tpu.memory_space<hbm>> -> memref<128x128xf32, #tpu.memory_space<hbm>>
      tpu.wait_dma2 semaphore(%run_scoped3A : memref<!tpu.dma_semaphore, #tpu.memory_space<semaphore_mem>>) src(%dma_wait3A_66 : memref<128x128xf32, #tpu.memory_space<hbm>>) dst(%dma_wait3A_64 : memref<128x128xf32, #tpu.memory_space<vmem>>)
      tpu.yield
    }) : () -> ()
    %add3A_17 = arith.constant 384 : i32
    %add3A_18 = arith.addi %mul3A_2, %add3A_17 : i32
    "tpu.region"() ({
      %run_scoped3A = tpu.sem_alloc : memref<!tpu.dma_semaphore, #tpu.memory_space<semaphore_mem>>
      %dma_start3A = arith.constant 0 : i32
      %dma_start3A_49 = arith.constant 0 : i32
      %dma_start3A_50 = tpu.memref_slice %arg8[%dma_start3A, %dma_start3A_49] : memref<128x128xf32, #tpu.memory_space<vmem>> -> memref<128x128xf32, #tpu.memory_space<vmem>>
      %dma_start3A_51 = arith.constant 0 : i32
      %dma_start3A_52 = tpu.memref_slice %arg9[%add3A_18, %dma_start3A_51] : memref<10112x128xf32, #tpu.memory_space<vmem_shared>> -> memref<128x128xf32, #tpu.memory_space<vmem_shared>>
      %dma_start3A_53 = arith.constant 0 : i32
      %dma_start3A_54 = tpu.memref_slice %arg9[%add3A_18, %dma_start3A_53] : memref<10112x128xf32, #tpu.memory_space<vmem_shared>> -> memref<128x128xf32, #tpu.memory_space<vmem_shared>>
      %dma_start3A_55 = arith.constant 0 : i32
      %dma_start3A_56 = arith.constant 0 : i32
      %dma_start3A_57 = tpu.memref_slice %arg8[%dma_start3A_55, %dma_start3A_56] : memref<128x128xf32, #tpu.memory_space<vmem>> -> memref<128x128xf32, #tpu.memory_space<vmem>>
      tpu.enqueue_dma source(%dma_start3A_57 : memref<128x128xf32, #tpu.memory_space<vmem>>) target(%dma_start3A_54 : memref<128x128xf32, #tpu.memory_space<vmem_shared>>) target_semaphore(%run_scoped3A : memref<!tpu.dma_semaphore, #tpu.memory_space<semaphore_mem>>)
      %dma_wait3A = arith.constant 0 : i32
      %dma_wait3A_58 = arith.constant 0 : i32
      %dma_wait3A_59 = tpu.memref_slice %arg8[%dma_wait3A, %dma_wait3A_58] : memref<128x128xf32, #tpu.memory_space<vmem>> -> memref<128x128xf32, #tpu.memory_space<vmem>>
      %dma_wait3A_60 = arith.constant 0 : i32
      %dma_wait3A_61 = tpu.memref_slice %arg9[%add3A_18, %dma_wait3A_60] : memref<10112x128xf32, #tpu.memory_space<vmem_shared>> -> memref<128x128xf32, #tpu.memory_space<vmem_shared>>
      %dma_wait3A_62 = arith.constant 0 : i32
      %dma_wait3A_63 = tpu.memref_slice %arg9[%add3A_18, %dma_wait3A_62] : memref<10112x128xf32, #tpu.memory_space<vmem_shared>> -> memref<128x128xf32, #tpu.memory_space<vmem_shared>>
      %dma_wait3A_64 = arith.constant 0 : i32
      %dma_wait3A_65 = arith.constant 0 : i32
      %dma_wait3A_66 = tpu.memref_slice %arg8[%dma_wait3A_64, %dma_wait3A_65] : memref<128x128xf32, #tpu.memory_space<vmem>> -> memref<128x128xf32, #tpu.memory_space<vmem>>
      tpu.wait_dma2 semaphore(%run_scoped3A : memref<!tpu.dma_semaphore, #tpu.memory_space<semaphore_mem>>) src(%dma_wait3A_66 : memref<128x128xf32, #tpu.memory_space<vmem>>) dst(%dma_wait3A_63 : memref<128x128xf32, #tpu.memory_space<vmem_shared>>)
      tpu.yield
    }) : () -> ()
    %add3A_19 = arith.constant 512 : i32
    %add3A_20 = arith.addi %mul3A_2, %add3A_19 : i32
    "tpu.region"() ({
      %run_scoped3A = tpu.sem_alloc : memref<!tpu.dma_semaphore, #tpu.memory_space<semaphore_mem>>
      %dma_start3A = arith.constant 0 : i32
      %dma_start3A_49 = arith.constant 0 : i32
      %dma_start3A_50 = tpu.memref_slice %arg8[%dma_start3A, %dma_start3A_49] : memref<128x128xf32, #tpu.memory_space<vmem>> -> memref<120x128xf32, #tpu.memory_space<vmem>>
      %dma_start3A_51 = arith.constant 0 : i32
      %dma_start3A_52 = tpu.memref_slice %arg4[%add3A_20, %dma_start3A_51] : memref<10112x128xf32, #tpu.memory_space<hbm>> -> memref<120x128xf32, #tpu.memory_space<hbm>>
      %dma_start3A_53 = arith.constant 0 : i32
      %dma_start3A_54 = arith.constant 0 : i32
      %dma_start3A_55 = tpu.memref_slice %arg8[%dma_start3A_53, %dma_start3A_54] : memref<128x128xf32, #tpu.memory_space<vmem>> -> memref<120x128xf32, #tpu.memory_space<vmem>>
      %dma_start3A_56 = arith.constant 0 : i32
      %dma_start3A_57 = tpu.memref_slice %arg4[%add3A_20, %dma_start3A_56] : memref<10112x128xf32, #tpu.memory_space<hbm>> -> memref<120x128xf32, #tpu.memory_space<hbm>>
      tpu.enqueue_dma source(%dma_start3A_57 : memref<120x128xf32, #tpu.memory_space<hbm>>) target(%dma_start3A_55 : memref<120x128xf32, #tpu.memory_space<vmem>>) target_semaphore(%run_scoped3A : memref<!tpu.dma_semaphore, #tpu.memory_space<semaphore_mem>>)
      %dma_wait3A = arith.constant 0 : i32
      %dma_wait3A_58 = arith.constant 0 : i32
      %dma_wait3A_59 = tpu.memref_slice %arg8[%dma_wait3A, %dma_wait3A_58] : memref<128x128xf32, #tpu.memory_space<vmem>> -> memref<120x128xf32, #tpu.memory_space<vmem>>
      %dma_wait3A_60 = arith.constant 0 : i32
      %dma_wait3A_61 = tpu.memref_slice %arg4[%add3A_20, %dma_wait3A_60] : memref<10112x128xf32, #tpu.memory_space<hbm>> -> memref<120x128xf32, #tpu.memory_space<hbm>>
      %dma_wait3A_62 = arith.constant 0 : i32
      %dma_wait3A_63 = arith.constant 0 : i32
      %dma_wait3A_64 = tpu.memref_slice %arg8[%dma_wait3A_62, %dma_wait3A_63] : memref<128x128xf32, #tpu.memory_space<vmem>> -> memref<120x128xf32, #tpu.memory_space<vmem>>
      %dma_wait3A_65 = arith.constant 0 : i32
      %dma_wait3A_66 = tpu.memref_slice %arg4[%add3A_20, %dma_wait3A_65] : memref<10112x128xf32, #tpu.memory_space<hbm>> -> memref<120x128xf32, #tpu.memory_space<hbm>>
      tpu.wait_dma2 semaphore(%run_scoped3A : memref<!tpu.dma_semaphore, #tpu.memory_space<semaphore_mem>>) src(%dma_wait3A_66 : memref<120x128xf32, #tpu.memory_space<hbm>>) dst(%dma_wait3A_64 : memref<120x128xf32, #tpu.memory_space<vmem>>)
      tpu.yield
    }) : () -> ()
    %add3A_21 = arith.constant 512 : i32
    %add3A_22 = arith.addi %mul3A_2, %add3A_21 : i32
    "tpu.region"() ({
      %run_scoped3A = tpu.sem_alloc : memref<!tpu.dma_semaphore, #tpu.memory_space<semaphore_mem>>
      %dma_start3A = arith.constant 0 : i32
      %dma_start3A_49 = arith.constant 0 : i32
      %dma_start3A_50 = tpu.memref_slice %arg8[%dma_start3A, %dma_start3A_49] : memref<128x128xf32, #tpu.memory_space<vmem>> -> memref<120x128xf32, #tpu.memory_space<vmem>>
      %dma_start3A_51 = arith.constant 0 : i32
      %dma_start3A_52 = tpu.memref_slice %arg9[%add3A_22, %dma_start3A_51] : memref<10112x128xf32, #tpu.memory_space<vmem_shared>> -> memref<120x128xf32, #tpu.memory_space<vmem_shared>>
      %dma_start3A_53 = arith.constant 0 : i32
      %dma_start3A_54 = tpu.memref_slice %arg9[%add3A_22, %dma_start3A_53] : memref<10112x128xf32, #tpu.memory_space<vmem_shared>> -> memref<120x128xf32, #tpu.memory_space<vmem_shared>>
      %dma_start3A_55 = arith.constant 0 : i32
      %dma_start3A_56 = arith.constant 0 : i32
      %dma_start3A_57 = tpu.memref_slice %arg8[%dma_start3A_55, %dma_start3A_56] : memref<128x128xf32, #tpu.memory_space<vmem>> -> memref<120x128xf32, #tpu.memory_space<vmem>>
      tpu.enqueue_dma source(%dma_start3A_57 : memref<120x128xf32, #tpu.memory_space<vmem>>) target(%dma_start3A_54 : memref<120x128xf32, #tpu.memory_space<vmem_shared>>) target_semaphore(%run_scoped3A : memref<!tpu.dma_semaphore, #tpu.memory_space<semaphore_mem>>)
      %dma_wait3A = arith.constant 0 : i32
      %dma_wait3A_58 = arith.constant 0 : i32
      %dma_wait3A_59 = tpu.memref_slice %arg8[%dma_wait3A, %dma_wait3A_58] : memref<128x128xf32, #tpu.memory_space<vmem>> -> memref<120x128xf32, #tpu.memory_space<vmem>>
      %dma_wait3A_60 = arith.constant 0 : i32
      %dma_wait3A_61 = tpu.memref_slice %arg9[%add3A_22, %dma_wait3A_60] : memref<10112x128xf32, #tpu.memory_space<vmem_shared>> -> memref<120x128xf32, #tpu.memory_space<vmem_shared>>
      %dma_wait3A_62 = arith.constant 0 : i32
      %dma_wait3A_63 = tpu.memref_slice %arg9[%add3A_22, %dma_wait3A_62] : memref<10112x128xf32, #tpu.memory_space<vmem_shared>> -> memref<120x128xf32, #tpu.memory_space<vmem_shared>>
      %dma_wait3A_64 = arith.constant 0 : i32
      %dma_wait3A_65 = arith.constant 0 : i32
      %dma_wait3A_66 = tpu.memref_slice %arg8[%dma_wait3A_64, %dma_wait3A_65] : memref<128x128xf32, #tpu.memory_space<vmem>> -> memref<120x128xf32, #tpu.memory_space<vmem>>
      tpu.wait_dma2 semaphore(%run_scoped3A : memref<!tpu.dma_semaphore, #tpu.memory_space<semaphore_mem>>) src(%dma_wait3A_66 : memref<120x128xf32, #tpu.memory_space<vmem>>) dst(%dma_wait3A_63 : memref<120x128xf32, #tpu.memory_space<vmem_shared>>)
      tpu.yield
    }) : () -> ()
    %barrier3A = arith.constant 0 : index
    tpu.barrier barrier_id(%barrier3A)
    %scan3A = arith.constant 0 : i32
    %scan3A_23 = arith.constant 0 : i32
    %scan3A_24 = arith.constant 80 : i32
    %scan3A_25 = arith.addi %scan3A_23, %scan3A_24 : i32
    %scan3A_26 = arith.constant 1 : i32
    scf.for %scan3A_49 = %scan3A_23 to %scan3A_25 step %scan3A_26  : i32 {
      %mul3A_50 = arith.constant 10240 : i32
      %mul3A_51 = arith.muli %add3A, %mul3A_50 : i32
      %mul3A_52 = arith.constant 128 : i32
      %mul3A_53 = arith.muli %scan3A_49, %mul3A_52 : i32
      %add3A_54 = arith.addi %mul3A_51, %mul3A_53 : i32
      "tpu.region"() ({
        %run_scoped3A = tpu.sem_alloc : memref<!tpu.dma_semaphore, #tpu.memory_space<semaphore_mem>>
        %dma_start3A_59 = tpu.memref_slice %arg2[%add3A_54] : memref<327680xi32, #tpu.memory_space<hbm>> -> memref<128xi32, #tpu.memory_space<hbm>>
        %dma_start3A_60 = tpu.memref_slice %arg2[%add3A_54] : memref<327680xi32, #tpu.memory_space<hbm>> -> memref<128xi32, #tpu.memory_space<hbm>>
        tpu.enqueue_dma source(%dma_start3A_60 : memref<128xi32, #tpu.memory_space<hbm>>) target(%arg6 : memref<128xi32, #tpu.memory_space<vmem>>) target_semaphore(%run_scoped3A : memref<!tpu.dma_semaphore, #tpu.memory_space<semaphore_mem>>)
        %dma_wait3A_61 = tpu.memref_slice %arg2[%add3A_54] : memref<327680xi32, #tpu.memory_space<hbm>> -> memref<128xi32, #tpu.memory_space<hbm>>
        %dma_wait3A_62 = tpu.memref_slice %arg2[%add3A_54] : memref<327680xi32, #tpu.memory_space<hbm>> -> memref<128xi32, #tpu.memory_space<hbm>>
        tpu.wait_dma2 semaphore(%run_scoped3A : memref<!tpu.dma_semaphore, #tpu.memory_space<semaphore_mem>>) src(%dma_wait3A_62 : memref<128xi32, #tpu.memory_space<hbm>>) dst(%arg6 : memref<128xi32, #tpu.memory_space<vmem>>)
        tpu.yield
      }) : () -> ()
      "tpu.region"() ({
        %run_scoped3A = tpu.sem_alloc : memref<!tpu.dma_semaphore, #tpu.memory_space<semaphore_mem>>
        %dma_start3A_59 = tpu.memref_slice %arg3[%add3A_54] : memref<327680xi32, #tpu.memory_space<hbm>> -> memref<128xi32, #tpu.memory_space<hbm>>
        %dma_start3A_60 = tpu.memref_slice %arg3[%add3A_54] : memref<327680xi32, #tpu.memory_space<hbm>> -> memref<128xi32, #tpu.memory_space<hbm>>
        tpu.enqueue_dma source(%dma_start3A_60 : memref<128xi32, #tpu.memory_space<hbm>>) target(%arg7 : memref<128xi32, #tpu.memory_space<vmem>>) target_semaphore(%run_scoped3A : memref<!tpu.dma_semaphore, #tpu.memory_space<semaphore_mem>>)
        %dma_wait3A_61 = tpu.memref_slice %arg3[%add3A_54] : memref<327680xi32, #tpu.memory_space<hbm>> -> memref<128xi32, #tpu.memory_space<hbm>>
        %dma_wait3A_62 = tpu.memref_slice %arg3[%add3A_54] : memref<327680xi32, #tpu.memory_space<hbm>> -> memref<128xi32, #tpu.memory_space<hbm>>
        tpu.wait_dma2 semaphore(%run_scoped3A : memref<!tpu.dma_semaphore, #tpu.memory_space<semaphore_mem>>) src(%dma_wait3A_62 : memref<128xi32, #tpu.memory_space<hbm>>) dst(%arg7 : memref<128xi32, #tpu.memory_space<vmem>>)
        tpu.yield
      }) : () -> ()
      %dma_start3A = arith.constant 0 : i32
      %dma_start3A_55 = arith.constant 0 : i32
      %dma_start3A_56 = tpu.memref_slice %arg4[%dma_start3A, %dma_start3A_55] : memref<10112x128xf32, #tpu.memory_space<hbm>> -> memref<10112x128xf32, #tpu.memory_space<hbm>>
      tpu.enqueue_indirect_dma source(%dma_start3A_56 : memref<10112x128xf32, #tpu.memory_space<hbm>>) target(%arg8 : memref<128x128xf32, #tpu.memory_space<vmem>>) offsets(%arg6 : memref<128xi32, #tpu.memory_space<vmem>>) semaphore(%arg10 : memref<!tpu.dma_semaphore, #tpu.memory_space<semaphore_mem>>)
      %dma_wait3A = arith.constant 0 : i32
      %dma_wait3A_57 = arith.constant 0 : i32
      %dma_wait3A_58 = tpu.memref_slice %arg4[%dma_wait3A, %dma_wait3A_57] : memref<10112x128xf32, #tpu.memory_space<hbm>> -> memref<10112x128xf32, #tpu.memory_space<hbm>>
      tpu.wait_indirect_dma semaphore(%arg10 : memref<!tpu.dma_semaphore, #tpu.memory_space<semaphore_mem>>) src(%dma_wait3A_58 : memref<10112x128xf32, #tpu.memory_space<hbm>>) dst(%arg8 : memref<128x128xf32, #tpu.memory_space<vmem>>)
      "tpu.region"() ({
        %run_scoped3A = tpu.sem_alloc : memref<!tpu.dma_semaphore, #tpu.memory_space<semaphore_mem>>
        %dma_start3A_59 = arith.constant 0 : i32
        %dma_start3A_60 = arith.constant 0 : i32
        %dma_start3A_61 = tpu.memref_slice %arg9[%dma_start3A_59, %dma_start3A_60] : memref<10112x128xf32, #tpu.memory_space<vmem_shared>> -> memref<10112x128xf32, #tpu.memory_space<vmem_shared>>
        tpu.enqueue_indirect_dma source(%arg8 : memref<128x128xf32, #tpu.memory_space<vmem>>) target(%dma_start3A_61 : memref<10112x128xf32, #tpu.memory_space<vmem_shared>>) offsets(%arg7 : memref<128xi32, #tpu.memory_space<vmem>>) semaphore(%run_scoped3A : memref<!tpu.dma_semaphore, #tpu.memory_space<semaphore_mem>>) {add = true}
        %dma_wait3A_62 = arith.constant 0 : i32
        %dma_wait3A_63 = arith.constant 0 : i32
        %dma_wait3A_64 = tpu.memref_slice %arg9[%dma_wait3A_62, %dma_wait3A_63] : memref<10112x128xf32, #tpu.memory_space<vmem_shared>> -> memref<10112x128xf32, #tpu.memory_space<vmem_shared>>
        tpu.wait_indirect_dma semaphore(%run_scoped3A : memref<!tpu.dma_semaphore, #tpu.memory_space<semaphore_mem>>) src(%arg8 : memref<128x128xf32, #tpu.memory_space<vmem>>) dst(%dma_wait3A_64 : memref<10112x128xf32, #tpu.memory_space<vmem_shared>>)
        tpu.yield
      }) : () -> ()
    }
    %scan3A_27 = arith.constant 80 : i32
    %barrier3A_28 = arith.constant 0 : index
    tpu.barrier barrier_id(%barrier3A_28)
    %add3A_29 = arith.constant 0 : i32
    %add3A_30 = arith.addi %mul3A_2, %add3A_29 : i32
    "tpu.region"() ({
      %run_scoped3A = tpu.sem_alloc : memref<!tpu.dma_semaphore, #tpu.memory_space<semaphore_mem>>
      %dma_start3A = arith.constant 0 : i32
      %dma_start3A_49 = arith.constant 0 : i32
      %dma_start3A_50 = tpu.memref_slice %arg8[%dma_start3A, %dma_start3A_49] : memref<128x128xf32, #tpu.memory_space<vmem>> -> memref<128x128xf32, #tpu.memory_space<vmem>>
      %dma_start3A_51 = arith.constant 0 : i32
      %dma_start3A_52 = tpu.memref_slice %arg9[%add3A_30, %dma_start3A_51] : memref<10112x128xf32, #tpu.memory_space<vmem_shared>> -> memref<128x128xf32, #tpu.memory_space<vmem_shared>>
      %dma_start3A_53 = arith.constant 0 : i32
      %dma_start3A_54 = arith.constant 0 : i32
      %dma_start3A_55 = tpu.memref_slice %arg8[%dma_start3A_53, %dma_start3A_54] : memref<128x128xf32, #tpu.memory_space<vmem>> -> memref<128x128xf32, #tpu.memory_space<vmem>>
      %dma_start3A_56 = arith.constant 0 : i32
      %dma_start3A_57 = tpu.memref_slice %arg9[%add3A_30, %dma_start3A_56] : memref<10112x128xf32, #tpu.memory_space<vmem_shared>> -> memref<128x128xf32, #tpu.memory_space<vmem_shared>>
      tpu.enqueue_dma source(%dma_start3A_57 : memref<128x128xf32, #tpu.memory_space<vmem_shared>>) target(%dma_start3A_55 : memref<128x128xf32, #tpu.memory_space<vmem>>) target_semaphore(%run_scoped3A : memref<!tpu.dma_semaphore, #tpu.memory_space<semaphore_mem>>)
      %dma_wait3A = arith.constant 0 : i32
      %dma_wait3A_58 = arith.constant 0 : i32
      %dma_wait3A_59 = tpu.memref_slice %arg8[%dma_wait3A, %dma_wait3A_58] : memref<128x128xf32, #tpu.memory_space<vmem>> -> memref<128x128xf32, #tpu.memory_space<vmem>>
      %dma_wait3A_60 = arith.constant 0 : i32
      %dma_wait3A_61 = tpu.memref_slice %arg9[%add3A_30, %dma_wait3A_60] : memref<10112x128xf32, #tpu.memory_space<vmem_shared>> -> memref<128x128xf32, #tpu.memory_space<vmem_shared>>
      %dma_wait3A_62 = arith.constant 0 : i32
      %dma_wait3A_63 = arith.constant 0 : i32
      %dma_wait3A_64 = tpu.memref_slice %arg8[%dma_wait3A_62, %dma_wait3A_63] : memref<128x128xf32, #tpu.memory_space<vmem>> -> memref<128x128xf32, #tpu.memory_space<vmem>>
      %dma_wait3A_65 = arith.constant 0 : i32
      %dma_wait3A_66 = tpu.memref_slice %arg9[%add3A_30, %dma_wait3A_65] : memref<10112x128xf32, #tpu.memory_space<vmem_shared>> -> memref<128x128xf32, #tpu.memory_space<vmem_shared>>
      tpu.wait_dma2 semaphore(%run_scoped3A : memref<!tpu.dma_semaphore, #tpu.memory_space<semaphore_mem>>) src(%dma_wait3A_66 : memref<128x128xf32, #tpu.memory_space<vmem_shared>>) dst(%dma_wait3A_64 : memref<128x128xf32, #tpu.memory_space<vmem>>)
      tpu.yield
    }) : () -> ()
    %add3A_31 = arith.constant 0 : i32
    %add3A_32 = arith.addi %mul3A_2, %add3A_31 : i32
    "tpu.region"() ({
      %run_scoped3A = tpu.sem_alloc : memref<!tpu.dma_semaphore, #tpu.memory_space<semaphore_mem>>
      %dma_start3A = arith.constant 0 : i32
      %dma_start3A_49 = arith.constant 0 : i32
      %dma_start3A_50 = tpu.memref_slice %arg8[%dma_start3A, %dma_start3A_49] : memref<128x128xf32, #tpu.memory_space<vmem>> -> memref<128x128xf32, #tpu.memory_space<vmem>>
      %dma_start3A_51 = arith.constant 0 : i32
      %dma_start3A_52 = tpu.memref_slice %arg5[%arg0, %add3A_32, %dma_start3A_51] : memref<2x10112x128xf32, #tpu.memory_space<hbm>> -> memref<1x128x128xf32, #tpu.memory_space<hbm>>
      %dma_start3A_53 = tpu.memref_squeeze %dma_start3A_52 : memref<1x128x128xf32, #tpu.memory_space<hbm>> -> memref<128x128xf32, #tpu.memory_space<hbm>>
      %dma_start3A_54 = arith.constant 0 : i32
      %dma_start3A_55 = tpu.memref_slice %arg5[%arg0, %add3A_32, %dma_start3A_54] : memref<2x10112x128xf32, #tpu.memory_space<hbm>> -> memref<1x128x128xf32, #tpu.memory_space<hbm>>
      %dma_start3A_56 = tpu.memref_squeeze %dma_start3A_55 : memref<1x128x128xf32, #tpu.memory_space<hbm>> -> memref<128x128xf32, #tpu.memory_space<hbm>>
      %dma_start3A_57 = arith.constant 0 : i32
      %dma_start3A_58 = arith.constant 0 : i32
      %dma_start3A_59 = tpu.memref_slice %arg8[%dma_start3A_57, %dma_start3A_58] : memref<128x128xf32, #tpu.memory_space<vmem>> -> memref<128x128xf32, #tpu.memory_space<vmem>>
      tpu.enqueue_dma source(%dma_start3A_59 : memref<128x128xf32, #tpu.memory_space<vmem>>) target(%dma_start3A_56 : memref<128x128xf32, #tpu.memory_space<hbm>>) target_semaphore(%run_scoped3A : memref<!tpu.dma_semaphore, #tpu.memory_space<semaphore_mem>>)
      %dma_wait3A = arith.constant 0 : i32
      %dma_wait3A_60 = arith.constant 0 : i32
      %dma_wait3A_61 = tpu.memref_slice %arg8[%dma_wait3A, %dma_wait3A_60] : memref<128x128xf32, #tpu.memory_space<vmem>> -> memref<128x128xf32, #tpu.memory_space<vmem>>
      %dma_wait3A_62 = arith.constant 0 : i32
      %dma_wait3A_63 = tpu.memref_slice %arg5[%arg0, %add3A_32, %dma_wait3A_62] : memref<2x10112x128xf32, #tpu.memory_space<hbm>> -> memref<1x128x128xf32, #tpu.memory_space<hbm>>
      %dma_wait3A_64 = tpu.memref_squeeze %dma_wait3A_63 : memref<1x128x128xf32, #tpu.memory_space<hbm>> -> memref<128x128xf32, #tpu.memory_space<hbm>>
      %dma_wait3A_65 = arith.constant 0 : i32
      %dma_wait3A_66 = tpu.memref_slice %arg5[%arg0, %add3A_32, %dma_wait3A_65] : memref<2x10112x128xf32, #tpu.memory_space<hbm>> -> memref<1x128x128xf32, #tpu.memory_space<hbm>>
      %dma_wait3A_67 = tpu.memref_squeeze %dma_wait3A_66 : memref<1x128x128xf32, #tpu.memory_space<hbm>> -> memref<128x128xf32, #tpu.memory_space<hbm>>
      %dma_wait3A_68 = arith.constant 0 : i32
      %dma_wait3A_69 = arith.constant 0 : i32
      %dma_wait3A_70 = tpu.memref_slice %arg8[%dma_wait3A_68, %dma_wait3A_69] : memref<128x128xf32, #tpu.memory_space<vmem>> -> memref<128x128xf32, #tpu.memory_space<vmem>>
      tpu.wait_dma2 semaphore(%run_scoped3A : memref<!tpu.dma_semaphore, #tpu.memory_space<semaphore_mem>>) src(%dma_wait3A_70 : memref<128x128xf32, #tpu.memory_space<vmem>>) dst(%dma_wait3A_67 : memref<128x128xf32, #tpu.memory_space<hbm>>)
      tpu.yield
    }) : () -> ()
    %add3A_33 = arith.constant 128 : i32
    %add3A_34 = arith.addi %mul3A_2, %add3A_33 : i32
    "tpu.region"() ({
      %run_scoped3A = tpu.sem_alloc : memref<!tpu.dma_semaphore, #tpu.memory_space<semaphore_mem>>
      %dma_start3A = arith.constant 0 : i32
      %dma_start3A_49 = arith.constant 0 : i32
      %dma_start3A_50 = tpu.memref_slice %arg8[%dma_start3A, %dma_start3A_49] : memref<128x128xf32, #tpu.memory_space<vmem>> -> memref<128x128xf32, #tpu.memory_space<vmem>>
      %dma_start3A_51 = arith.constant 0 : i32
      %dma_start3A_52 = tpu.memref_slice %arg9[%add3A_34, %dma_start3A_51] : memref<10112x128xf32, #tpu.memory_space<vmem_shared>> -> memref<128x128xf32, #tpu.memory_space<vmem_shared>>
      %dma_start3A_53 = arith.constant 0 : i32
      %dma_start3A_54 = arith.constant 0 : i32
      %dma_start3A_55 = tpu.memref_slice %arg8[%dma_start3A_53, %dma_start3A_54] : memref<128x128xf32, #tpu.memory_space<vmem>> -> memref<128x128xf32, #tpu.memory_space<vmem>>
      %dma_start3A_56 = arith.constant 0 : i32
      %dma_start3A_57 = tpu.memref_slice %arg9[%add3A_34, %dma_start3A_56] : memref<10112x128xf32, #tpu.memory_space<vmem_shared>> -> memref<128x128xf32, #tpu.memory_space<vmem_shared>>
      tpu.enqueue_dma source(%dma_start3A_57 : memref<128x128xf32, #tpu.memory_space<vmem_shared>>) target(%dma_start3A_55 : memref<128x128xf32, #tpu.memory_space<vmem>>) target_semaphore(%run_scoped3A : memref<!tpu.dma_semaphore, #tpu.memory_space<semaphore_mem>>)
      %dma_wait3A = arith.constant 0 : i32
      %dma_wait3A_58 = arith.constant 0 : i32
      %dma_wait3A_59 = tpu.memref_slice %arg8[%dma_wait3A, %dma_wait3A_58] : memref<128x128xf32, #tpu.memory_space<vmem>> -> memref<128x128xf32, #tpu.memory_space<vmem>>
      %dma_wait3A_60 = arith.constant 0 : i32
      %dma_wait3A_61 = tpu.memref_slice %arg9[%add3A_34, %dma_wait3A_60] : memref<10112x128xf32, #tpu.memory_space<vmem_shared>> -> memref<128x128xf32, #tpu.memory_space<vmem_shared>>
      %dma_wait3A_62 = arith.constant 0 : i32
      %dma_wait3A_63 = arith.constant 0 : i32
      %dma_wait3A_64 = tpu.memref_slice %arg8[%dma_wait3A_62, %dma_wait3A_63] : memref<128x128xf32, #tpu.memory_space<vmem>> -> memref<128x128xf32, #tpu.memory_space<vmem>>
      %dma_wait3A_65 = arith.constant 0 : i32
      %dma_wait3A_66 = tpu.memref_slice %arg9[%add3A_34, %dma_wait3A_65] : memref<10112x128xf32, #tpu.memory_space<vmem_shared>> -> memref<128x128xf32, #tpu.memory_space<vmem_shared>>
      tpu.wait_dma2 semaphore(%run_scoped3A : memref<!tpu.dma_semaphore, #tpu.memory_space<semaphore_mem>>) src(%dma_wait3A_66 : memref<128x128xf32, #tpu.memory_space<vmem_shared>>) dst(%dma_wait3A_64 : memref<128x128xf32, #tpu.memory_space<vmem>>)
      tpu.yield
    }) : () -> ()
    %add3A_35 = arith.constant 128 : i32
    %add3A_36 = arith.addi %mul3A_2, %add3A_35 : i32
    "tpu.region"() ({
      %run_scoped3A = tpu.sem_alloc : memref<!tpu.dma_semaphore, #tpu.memory_space<semaphore_mem>>
      %dma_start3A = arith.constant 0 : i32
      %dma_start3A_49 = arith.constant 0 : i32
      %dma_start3A_50 = tpu.memref_slice %arg8[%dma_start3A, %dma_start3A_49] : memref<128x128xf32, #tpu.memory_space<vmem>> -> memref<128x128xf32, #tpu.memory_space<vmem>>
      %dma_start3A_51 = arith.constant 0 : i32
      %dma_start3A_52 = tpu.memref_slice %arg5[%arg0, %add3A_36, %dma_start3A_51] : memref<2x10112x128xf32, #tpu.memory_space<hbm>> -> memref<1x128x128xf32, #tpu.memory_space<hbm>>
      %dma_start3A_53 = tpu.memref_squeeze %dma_start3A_52 : memref<1x128x128xf32, #tpu.memory_space<hbm>> -> memref<128x128xf32, #tpu.memory_space<hbm>>
      %dma_start3A_54 = arith.constant 0 : i32
      %dma_start3A_55 = tpu.memref_slice %arg5[%arg0, %add3A_36, %dma_start3A_54] : memref<2x10112x128xf32, #tpu.memory_space<hbm>> -> memref<1x128x128xf32, #tpu.memory_space<hbm>>
      %dma_start3A_56 = tpu.memref_squeeze %dma_start3A_55 : memref<1x128x128xf32, #tpu.memory_space<hbm>> -> memref<128x128xf32, #tpu.memory_space<hbm>>
      %dma_start3A_57 = arith.constant 0 : i32
      %dma_start3A_58 = arith.constant 0 : i32
      %dma_start3A_59 = tpu.memref_slice %arg8[%dma_start3A_57, %dma_start3A_58] : memref<128x128xf32, #tpu.memory_space<vmem>> -> memref<128x128xf32, #tpu.memory_space<vmem>>
      tpu.enqueue_dma source(%dma_start3A_59 : memref<128x128xf32, #tpu.memory_space<vmem>>) target(%dma_start3A_56 : memref<128x128xf32, #tpu.memory_space<hbm>>) target_semaphore(%run_scoped3A : memref<!tpu.dma_semaphore, #tpu.memory_space<semaphore_mem>>)
      %dma_wait3A = arith.constant 0 : i32
      %dma_wait3A_60 = arith.constant 0 : i32
      %dma_wait3A_61 = tpu.memref_slice %arg8[%dma_wait3A, %dma_wait3A_60] : memref<128x128xf32, #tpu.memory_space<vmem>> -> memref<128x128xf32, #tpu.memory_space<vmem>>
      %dma_wait3A_62 = arith.constant 0 : i32
      %dma_wait3A_63 = tpu.memref_slice %arg5[%arg0, %add3A_36, %dma_wait3A_62] : memref<2x10112x128xf32, #tpu.memory_space<hbm>> -> memref<1x128x128xf32, #tpu.memory_space<hbm>>
      %dma_wait3A_64 = tpu.memref_squeeze %dma_wait3A_63 : memref<1x128x128xf32, #tpu.memory_space<hbm>> -> memref<128x128xf32, #tpu.memory_space<hbm>>
      %dma_wait3A_65 = arith.constant 0 : i32
      %dma_wait3A_66 = tpu.memref_slice %arg5[%arg0, %add3A_36, %dma_wait3A_65] : memref<2x10112x128xf32, #tpu.memory_space<hbm>> -> memref<1x128x128xf32, #tpu.memory_space<hbm>>
      %dma_wait3A_67 = tpu.memref_squeeze %dma_wait3A_66 : memref<1x128x128xf32, #tpu.memory_space<hbm>> -> memref<128x128xf32, #tpu.memory_space<hbm>>
      %dma_wait3A_68 = arith.constant 0 : i32
      %dma_wait3A_69 = arith.constant 0 : i32
      %dma_wait3A_70 = tpu.memref_slice %arg8[%dma_wait3A_68, %dma_wait3A_69] : memref<128x128xf32, #tpu.memory_space<vmem>> -> memref<128x128xf32, #tpu.memory_space<vmem>>
      tpu.wait_dma2 semaphore(%run_scoped3A : memref<!tpu.dma_semaphore, #tpu.memory_space<semaphore_mem>>) src(%dma_wait3A_70 : memref<128x128xf32, #tpu.memory_space<vmem>>) dst(%dma_wait3A_67 : memref<128x128xf32, #tpu.memory_space<hbm>>)
      tpu.yield
    }) : () -> ()
    %add3A_37 = arith.constant 256 : i32
    %add3A_38 = arith.addi %mul3A_2, %add3A_37 : i32
    "tpu.region"() ({
      %run_scoped3A = tpu.sem_alloc : memref<!tpu.dma_semaphore, #tpu.memory_space<semaphore_mem>>
      %dma_start3A = arith.constant 0 : i32
      %dma_start3A_49 = arith.constant 0 : i32
      %dma_start3A_50 = tpu.memref_slice %arg8[%dma_start3A, %dma_start3A_49] : memref<128x128xf32, #tpu.memory_space<vmem>> -> memref<128x128xf32, #tpu.memory_space<vmem>>
      %dma_start3A_51 = arith.constant 0 : i32
      %dma_start3A_52 = tpu.memref_slice %arg9[%add3A_38, %dma_start3A_51] : memref<10112x128xf32, #tpu.memory_space<vmem_shared>> -> memref<128x128xf32, #tpu.memory_space<vmem_shared>>
      %dma_start3A_53 = arith.constant 0 : i32
      %dma_start3A_54 = arith.constant 0 : i32
      %dma_start3A_55 = tpu.memref_slice %arg8[%dma_start3A_53, %dma_start3A_54] : memref<128x128xf32, #tpu.memory_space<vmem>> -> memref<128x128xf32, #tpu.memory_space<vmem>>
      %dma_start3A_56 = arith.constant 0 : i32
      %dma_start3A_57 = tpu.memref_slice %arg9[%add3A_38, %dma_start3A_56] : memref<10112x128xf32, #tpu.memory_space<vmem_shared>> -> memref<128x128xf32, #tpu.memory_space<vmem_shared>>
      tpu.enqueue_dma source(%dma_start3A_57 : memref<128x128xf32, #tpu.memory_space<vmem_shared>>) target(%dma_start3A_55 : memref<128x128xf32, #tpu.memory_space<vmem>>) target_semaphore(%run_scoped3A : memref<!tpu.dma_semaphore, #tpu.memory_space<semaphore_mem>>)
      %dma_wait3A = arith.constant 0 : i32
      %dma_wait3A_58 = arith.constant 0 : i32
      %dma_wait3A_59 = tpu.memref_slice %arg8[%dma_wait3A, %dma_wait3A_58] : memref<128x128xf32, #tpu.memory_space<vmem>> -> memref<128x128xf32, #tpu.memory_space<vmem>>
      %dma_wait3A_60 = arith.constant 0 : i32
      %dma_wait3A_61 = tpu.memref_slice %arg9[%add3A_38, %dma_wait3A_60] : memref<10112x128xf32, #tpu.memory_space<vmem_shared>> -> memref<128x128xf32, #tpu.memory_space<vmem_shared>>
      %dma_wait3A_62 = arith.constant 0 : i32
      %dma_wait3A_63 = arith.constant 0 : i32
      %dma_wait3A_64 = tpu.memref_slice %arg8[%dma_wait3A_62, %dma_wait3A_63] : memref<128x128xf32, #tpu.memory_space<vmem>> -> memref<128x128xf32, #tpu.memory_space<vmem>>
      %dma_wait3A_65 = arith.constant 0 : i32
      %dma_wait3A_66 = tpu.memref_slice %arg9[%add3A_38, %dma_wait3A_65] : memref<10112x128xf32, #tpu.memory_space<vmem_shared>> -> memref<128x128xf32, #tpu.memory_space<vmem_shared>>
      tpu.wait_dma2 semaphore(%run_scoped3A : memref<!tpu.dma_semaphore, #tpu.memory_space<semaphore_mem>>) src(%dma_wait3A_66 : memref<128x128xf32, #tpu.memory_space<vmem_shared>>) dst(%dma_wait3A_64 : memref<128x128xf32, #tpu.memory_space<vmem>>)
      tpu.yield
    }) : () -> ()
    %add3A_39 = arith.constant 256 : i32
    %add3A_40 = arith.addi %mul3A_2, %add3A_39 : i32
    "tpu.region"() ({
      %run_scoped3A = tpu.sem_alloc : memref<!tpu.dma_semaphore, #tpu.memory_space<semaphore_mem>>
      %dma_start3A = arith.constant 0 : i32
      %dma_start3A_49 = arith.constant 0 : i32
      %dma_start3A_50 = tpu.memref_slice %arg8[%dma_start3A, %dma_start3A_49] : memref<128x128xf32, #tpu.memory_space<vmem>> -> memref<128x128xf32, #tpu.memory_space<vmem>>
      %dma_start3A_51 = arith.constant 0 : i32
      %dma_start3A_52 = tpu.memref_slice %arg5[%arg0, %add3A_40, %dma_start3A_51] : memref<2x10112x128xf32, #tpu.memory_space<hbm>> -> memref<1x128x128xf32, #tpu.memory_space<hbm>>
      %dma_start3A_53 = tpu.memref_squeeze %dma_start3A_52 : memref<1x128x128xf32, #tpu.memory_space<hbm>> -> memref<128x128xf32, #tpu.memory_space<hbm>>
      %dma_start3A_54 = arith.constant 0 : i32
      %dma_start3A_55 = tpu.memref_slice %arg5[%arg0, %add3A_40, %dma_start3A_54] : memref<2x10112x128xf32, #tpu.memory_space<hbm>> -> memref<1x128x128xf32, #tpu.memory_space<hbm>>
      %dma_start3A_56 = tpu.memref_squeeze %dma_start3A_55 : memref<1x128x128xf32, #tpu.memory_space<hbm>> -> memref<128x128xf32, #tpu.memory_space<hbm>>
      %dma_start3A_57 = arith.constant 0 : i32
      %dma_start3A_58 = arith.constant 0 : i32
      %dma_start3A_59 = tpu.memref_slice %arg8[%dma_start3A_57, %dma_start3A_58] : memref<128x128xf32, #tpu.memory_space<vmem>> -> memref<128x128xf32, #tpu.memory_space<vmem>>
      tpu.enqueue_dma source(%dma_start3A_59 : memref<128x128xf32, #tpu.memory_space<vmem>>) target(%dma_start3A_56 : memref<128x128xf32, #tpu.memory_space<hbm>>) target_semaphore(%run_scoped3A : memref<!tpu.dma_semaphore, #tpu.memory_space<semaphore_mem>>)
      %dma_wait3A = arith.constant 0 : i32
      %dma_wait3A_60 = arith.constant 0 : i32
      %dma_wait3A_61 = tpu.memref_slice %arg8[%dma_wait3A, %dma_wait3A_60] : memref<128x128xf32, #tpu.memory_space<vmem>> -> memref<128x128xf32, #tpu.memory_space<vmem>>
      %dma_wait3A_62 = arith.constant 0 : i32
      %dma_wait3A_63 = tpu.memref_slice %arg5[%arg0, %add3A_40, %dma_wait3A_62] : memref<2x10112x128xf32, #tpu.memory_space<hbm>> -> memref<1x128x128xf32, #tpu.memory_space<hbm>>
      %dma_wait3A_64 = tpu.memref_squeeze %dma_wait3A_63 : memref<1x128x128xf32, #tpu.memory_space<hbm>> -> memref<128x128xf32, #tpu.memory_space<hbm>>
      %dma_wait3A_65 = arith.constant 0 : i32
      %dma_wait3A_66 = tpu.memref_slice %arg5[%arg0, %add3A_40, %dma_wait3A_65] : memref<2x10112x128xf32, #tpu.memory_space<hbm>> -> memref<1x128x128xf32, #tpu.memory_space<hbm>>
      %dma_wait3A_67 = tpu.memref_squeeze %dma_wait3A_66 : memref<1x128x128xf32, #tpu.memory_space<hbm>> -> memref<128x128xf32, #tpu.memory_space<hbm>>
      %dma_wait3A_68 = arith.constant 0 : i32
      %dma_wait3A_69 = arith.constant 0 : i32
      %dma_wait3A_70 = tpu.memref_slice %arg8[%dma_wait3A_68, %dma_wait3A_69] : memref<128x128xf32, #tpu.memory_space<vmem>> -> memref<128x128xf32, #tpu.memory_space<vmem>>
      tpu.wait_dma2 semaphore(%run_scoped3A : memref<!tpu.dma_semaphore, #tpu.memory_space<semaphore_mem>>) src(%dma_wait3A_70 : memref<128x128xf32, #tpu.memory_space<vmem>>) dst(%dma_wait3A_67 : memref<128x128xf32, #tpu.memory_space<hbm>>)
      tpu.yield
    }) : () -> ()
    %add3A_41 = arith.constant 384 : i32
    %add3A_42 = arith.addi %mul3A_2, %add3A_41 : i32
    "tpu.region"() ({
      %run_scoped3A = tpu.sem_alloc : memref<!tpu.dma_semaphore, #tpu.memory_space<semaphore_mem>>
      %dma_start3A = arith.constant 0 : i32
      %dma_start3A_49 = arith.constant 0 : i32
      %dma_start3A_50 = tpu.memref_slice %arg8[%dma_start3A, %dma_start3A_49] : memref<128x128xf32, #tpu.memory_space<vmem>> -> memref<128x128xf32, #tpu.memory_space<vmem>>
      %dma_start3A_51 = arith.constant 0 : i32
      %dma_start3A_52 = tpu.memref_slice %arg9[%add3A_42, %dma_start3A_51] : memref<10112x128xf32, #tpu.memory_space<vmem_shared>> -> memref<128x128xf32, #tpu.memory_space<vmem_shared>>
      %dma_start3A_53 = arith.constant 0 : i32
      %dma_start3A_54 = arith.constant 0 : i32
      %dma_start3A_55 = tpu.memref_slice %arg8[%dma_start3A_53, %dma_start3A_54] : memref<128x128xf32, #tpu.memory_space<vmem>> -> memref<128x128xf32, #tpu.memory_space<vmem>>
      %dma_start3A_56 = arith.constant 0 : i32
      %dma_start3A_57 = tpu.memref_slice %arg9[%add3A_42, %dma_start3A_56] : memref<10112x128xf32, #tpu.memory_space<vmem_shared>> -> memref<128x128xf32, #tpu.memory_space<vmem_shared>>
      tpu.enqueue_dma source(%dma_start3A_57 : memref<128x128xf32, #tpu.memory_space<vmem_shared>>) target(%dma_start3A_55 : memref<128x128xf32, #tpu.memory_space<vmem>>) target_semaphore(%run_scoped3A : memref<!tpu.dma_semaphore, #tpu.memory_space<semaphore_mem>>)
      %dma_wait3A = arith.constant 0 : i32
      %dma_wait3A_58 = arith.constant 0 : i32
      %dma_wait3A_59 = tpu.memref_slice %arg8[%dma_wait3A, %dma_wait3A_58] : memref<128x128xf32, #tpu.memory_space<vmem>> -> memref<128x128xf32, #tpu.memory_space<vmem>>
      %dma_wait3A_60 = arith.constant 0 : i32
      %dma_wait3A_61 = tpu.memref_slice %arg9[%add3A_42, %dma_wait3A_60] : memref<10112x128xf32, #tpu.memory_space<vmem_shared>> -> memref<128x128xf32, #tpu.memory_space<vmem_shared>>
      %dma_wait3A_62 = arith.constant 0 : i32
      %dma_wait3A_63 = arith.constant 0 : i32
      %dma_wait3A_64 = tpu.memref_slice %arg8[%dma_wait3A_62, %dma_wait3A_63] : memref<128x128xf32, #tpu.memory_space<vmem>> -> memref<128x128xf32, #tpu.memory_space<vmem>>
      %dma_wait3A_65 = arith.constant 0 : i32
      %dma_wait3A_66 = tpu.memref_slice %arg9[%add3A_42, %dma_wait3A_65] : memref<10112x128xf32, #tpu.memory_space<vmem_shared>> -> memref<128x128xf32, #tpu.memory_space<vmem_shared>>
      tpu.wait_dma2 semaphore(%run_scoped3A : memref<!tpu.dma_semaphore, #tpu.memory_space<semaphore_mem>>) src(%dma_wait3A_66 : memref<128x128xf32, #tpu.memory_space<vmem_shared>>) dst(%dma_wait3A_64 : memref<128x128xf32, #tpu.memory_space<vmem>>)
      tpu.yield
    }) : () -> ()
    %add3A_43 = arith.constant 384 : i32
    %add3A_44 = arith.addi %mul3A_2, %add3A_43 : i32
    "tpu.region"() ({
      %run_scoped3A = tpu.sem_alloc : memref<!tpu.dma_semaphore, #tpu.memory_space<semaphore_mem>>
      %dma_start3A = arith.constant 0 : i32
      %dma_start3A_49 = arith.constant 0 : i32
      %dma_start3A_50 = tpu.memref_slice %arg8[%dma_start3A, %dma_start3A_49] : memref<128x128xf32, #tpu.memory_space<vmem>> -> memref<128x128xf32, #tpu.memory_space<vmem>>
      %dma_start3A_51 = arith.constant 0 : i32
      %dma_start3A_52 = tpu.memref_slice %arg5[%arg0, %add3A_44, %dma_start3A_51] : memref<2x10112x128xf32, #tpu.memory_space<hbm>> -> memref<1x128x128xf32, #tpu.memory_space<hbm>>
      %dma_start3A_53 = tpu.memref_squeeze %dma_start3A_52 : memref<1x128x128xf32, #tpu.memory_space<hbm>> -> memref<128x128xf32, #tpu.memory_space<hbm>>
      %dma_start3A_54 = arith.constant 0 : i32
      %dma_start3A_55 = tpu.memref_slice %arg5[%arg0, %add3A_44, %dma_start3A_54] : memref<2x10112x128xf32, #tpu.memory_space<hbm>> -> memref<1x128x128xf32, #tpu.memory_space<hbm>>
      %dma_start3A_56 = tpu.memref_squeeze %dma_start3A_55 : memref<1x128x128xf32, #tpu.memory_space<hbm>> -> memref<128x128xf32, #tpu.memory_space<hbm>>
      %dma_start3A_57 = arith.constant 0 : i32
      %dma_start3A_58 = arith.constant 0 : i32
      %dma_start3A_59 = tpu.memref_slice %arg8[%dma_start3A_57, %dma_start3A_58] : memref<128x128xf32, #tpu.memory_space<vmem>> -> memref<128x128xf32, #tpu.memory_space<vmem>>
      tpu.enqueue_dma source(%dma_start3A_59 : memref<128x128xf32, #tpu.memory_space<vmem>>) target(%dma_start3A_56 : memref<128x128xf32, #tpu.memory_space<hbm>>) target_semaphore(%run_scoped3A : memref<!tpu.dma_semaphore, #tpu.memory_space<semaphore_mem>>)
      %dma_wait3A = arith.constant 0 : i32
      %dma_wait3A_60 = arith.constant 0 : i32
      %dma_wait3A_61 = tpu.memref_slice %arg8[%dma_wait3A, %dma_wait3A_60] : memref<128x128xf32, #tpu.memory_space<vmem>> -> memref<128x128xf32, #tpu.memory_space<vmem>>
      %dma_wait3A_62 = arith.constant 0 : i32
      %dma_wait3A_63 = tpu.memref_slice %arg5[%arg0, %add3A_44, %dma_wait3A_62] : memref<2x10112x128xf32, #tpu.memory_space<hbm>> -> memref<1x128x128xf32, #tpu.memory_space<hbm>>
      %dma_wait3A_64 = tpu.memref_squeeze %dma_wait3A_63 : memref<1x128x128xf32, #tpu.memory_space<hbm>> -> memref<128x128xf32, #tpu.memory_space<hbm>>
      %dma_wait3A_65 = arith.constant 0 : i32
      %dma_wait3A_66 = tpu.memref_slice %arg5[%arg0, %add3A_44, %dma_wait3A_65] : memref<2x10112x128xf32, #tpu.memory_space<hbm>> -> memref<1x128x128xf32, #tpu.memory_space<hbm>>
      %dma_wait3A_67 = tpu.memref_squeeze %dma_wait3A_66 : memref<1x128x128xf32, #tpu.memory_space<hbm>> -> memref<128x128xf32, #tpu.memory_space<hbm>>
      %dma_wait3A_68 = arith.constant 0 : i32
      %dma_wait3A_69 = arith.constant 0 : i32
      %dma_wait3A_70 = tpu.memref_slice %arg8[%dma_wait3A_68, %dma_wait3A_69] : memref<128x128xf32, #tpu.memory_space<vmem>> -> memref<128x128xf32, #tpu.memory_space<vmem>>
      tpu.wait_dma2 semaphore(%run_scoped3A : memref<!tpu.dma_semaphore, #tpu.memory_space<semaphore_mem>>) src(%dma_wait3A_70 : memref<128x128xf32, #tpu.memory_space<vmem>>) dst(%dma_wait3A_67 : memref<128x128xf32, #tpu.memory_space<hbm>>)
      tpu.yield
    }) : () -> ()
    %add3A_45 = arith.constant 512 : i32
    %add3A_46 = arith.addi %mul3A_2, %add3A_45 : i32
    "tpu.region"() ({
      %run_scoped3A = tpu.sem_alloc : memref<!tpu.dma_semaphore, #tpu.memory_space<semaphore_mem>>
      %dma_start3A = arith.constant 0 : i32
      %dma_start3A_49 = arith.constant 0 : i32
      %dma_start3A_50 = tpu.memref_slice %arg8[%dma_start3A, %dma_start3A_49] : memref<128x128xf32, #tpu.memory_space<vmem>> -> memref<120x128xf32, #tpu.memory_space<vmem>>
      %dma_start3A_51 = arith.constant 0 : i32
      %dma_start3A_52 = tpu.memref_slice %arg9[%add3A_46, %dma_start3A_51] : memref<10112x128xf32, #tpu.memory_space<vmem_shared>> -> memref<120x128xf32, #tpu.memory_space<vmem_shared>>
      %dma_start3A_53 = arith.constant 0 : i32
      %dma_start3A_54 = arith.constant 0 : i32
      %dma_start3A_55 = tpu.memref_slice %arg8[%dma_start3A_53, %dma_start3A_54] : memref<128x128xf32, #tpu.memory_space<vmem>> -> memref<120x128xf32, #tpu.memory_space<vmem>>
      %dma_start3A_56 = arith.constant 0 : i32
      %dma_start3A_57 = tpu.memref_slice %arg9[%add3A_46, %dma_start3A_56] : memref<10112x128xf32, #tpu.memory_space<vmem_shared>> -> memref<120x128xf32, #tpu.memory_space<vmem_shared>>
      tpu.enqueue_dma source(%dma_start3A_57 : memref<120x128xf32, #tpu.memory_space<vmem_shared>>) target(%dma_start3A_55 : memref<120x128xf32, #tpu.memory_space<vmem>>) target_semaphore(%run_scoped3A : memref<!tpu.dma_semaphore, #tpu.memory_space<semaphore_mem>>)
      %dma_wait3A = arith.constant 0 : i32
      %dma_wait3A_58 = arith.constant 0 : i32
      %dma_wait3A_59 = tpu.memref_slice %arg8[%dma_wait3A, %dma_wait3A_58] : memref<128x128xf32, #tpu.memory_space<vmem>> -> memref<120x128xf32, #tpu.memory_space<vmem>>
      %dma_wait3A_60 = arith.constant 0 : i32
      %dma_wait3A_61 = tpu.memref_slice %arg9[%add3A_46, %dma_wait3A_60] : memref<10112x128xf32, #tpu.memory_space<vmem_shared>> -> memref<120x128xf32, #tpu.memory_space<vmem_shared>>
      %dma_wait3A_62 = arith.constant 0 : i32
      %dma_wait3A_63 = arith.constant 0 : i32
      %dma_wait3A_64 = tpu.memref_slice %arg8[%dma_wait3A_62, %dma_wait3A_63] : memref<128x128xf32, #tpu.memory_space<vmem>> -> memref<120x128xf32, #tpu.memory_space<vmem>>
      %dma_wait3A_65 = arith.constant 0 : i32
      %dma_wait3A_66 = tpu.memref_slice %arg9[%add3A_46, %dma_wait3A_65] : memref<10112x128xf32, #tpu.memory_space<vmem_shared>> -> memref<120x128xf32, #tpu.memory_space<vmem_shared>>
      tpu.wait_dma2 semaphore(%run_scoped3A : memref<!tpu.dma_semaphore, #tpu.memory_space<semaphore_mem>>) src(%dma_wait3A_66 : memref<120x128xf32, #tpu.memory_space<vmem_shared>>) dst(%dma_wait3A_64 : memref<120x128xf32, #tpu.memory_space<vmem>>)
      tpu.yield
    }) : () -> ()
    %add3A_47 = arith.constant 512 : i32
    %add3A_48 = arith.addi %mul3A_2, %add3A_47 : i32
    "tpu.region"() ({
      %run_scoped3A = tpu.sem_alloc : memref<!tpu.dma_semaphore, #tpu.memory_space<semaphore_mem>>
      %dma_start3A = arith.constant 0 : i32
      %dma_start3A_49 = arith.constant 0 : i32
      %dma_start3A_50 = tpu.memref_slice %arg8[%dma_start3A, %dma_start3A_49] : memref<128x128xf32, #tpu.memory_space<vmem>> -> memref<120x128xf32, #tpu.memory_space<vmem>>
      %dma_start3A_51 = arith.constant 0 : i32
      %dma_start3A_52 = tpu.memref_slice %arg5[%arg0, %add3A_48, %dma_start3A_51] : memref<2x10112x128xf32, #tpu.memory_space<hbm>> -> memref<1x120x128xf32, #tpu.memory_space<hbm>>
      %dma_start3A_53 = tpu.memref_squeeze %dma_start3A_52 : memref<1x120x128xf32, #tpu.memory_space<hbm>> -> memref<120x128xf32, #tpu.memory_space<hbm>>
      %dma_start3A_54 = arith.constant 0 : i32
      %dma_start3A_55 = tpu.memref_slice %arg5[%arg0, %add3A_48, %dma_start3A_54] : memref<2x10112x128xf32, #tpu.memory_space<hbm>> -> memref<1x120x128xf32, #tpu.memory_space<hbm>>
      %dma_start3A_56 = tpu.memref_squeeze %dma_start3A_55 : memref<1x120x128xf32, #tpu.memory_space<hbm>> -> memref<120x128xf32, #tpu.memory_space<hbm>>
      %dma_start3A_57 = arith.constant 0 : i32
      %dma_start3A_58 = arith.constant 0 : i32
      %dma_start3A_59 = tpu.memref_slice %arg8[%dma_start3A_57, %dma_start3A_58] : memref<128x128xf32, #tpu.memory_space<vmem>> -> memref<120x128xf32, #tpu.memory_space<vmem>>
      tpu.enqueue_dma source(%dma_start3A_59 : memref<120x128xf32, #tpu.memory_space<vmem>>) target(%dma_start3A_56 : memref<120x128xf32, #tpu.memory_space<hbm>>) target_semaphore(%run_scoped3A : memref<!tpu.dma_semaphore, #tpu.memory_space<semaphore_mem>>)
      %dma_wait3A = arith.constant 0 : i32
      %dma_wait3A_60 = arith.constant 0 : i32
      %dma_wait3A_61 = tpu.memref_slice %arg8[%dma_wait3A, %dma_wait3A_60] : memref<128x128xf32, #tpu.memory_space<vmem>> -> memref<120x128xf32, #tpu.memory_space<vmem>>
      %dma_wait3A_62 = arith.constant 0 : i32
      %dma_wait3A_63 = tpu.memref_slice %arg5[%arg0, %add3A_48, %dma_wait3A_62] : memref<2x10112x128xf32, #tpu.memory_space<hbm>> -> memref<1x120x128xf32, #tpu.memory_space<hbm>>
      %dma_wait3A_64 = tpu.memref_squeeze %dma_wait3A_63 : memref<1x120x128xf32, #tpu.memory_space<hbm>> -> memref<120x128xf32, #tpu.memory_space<hbm>>
      %dma_wait3A_65 = arith.constant 0 : i32
      %dma_wait3A_66 = tpu.memref_slice %arg5[%arg0, %add3A_48, %dma_wait3A_65] : memref<2x10112x128xf32, #tpu.memory_space<hbm>> -> memref<1x120x128xf32, #tpu.memory_space<hbm>>
      %dma_wait3A_67 = tpu.memref_squeeze %dma_wait3A_66 : memref<1x120x128xf32, #tpu.memory_space<hbm>> -> memref<120x128xf32, #tpu.memory_space<hbm>>
      %dma_wait3A_68 = arith.constant 0 : i32
      %dma_wait3A_69 = arith.constant 0 : i32
      %dma_wait3A_70 = tpu.memref_slice %arg8[%dma_wait3A_68, %dma_wait3A_69] : memref<128x128xf32, #tpu.memory_space<vmem>> -> memref<120x128xf32, #tpu.memory_space<vmem>>
      tpu.wait_dma2 semaphore(%run_scoped3A : memref<!tpu.dma_semaphore, #tpu.memory_space<semaphore_mem>>) src(%dma_wait3A_70 : memref<120x128xf32, #tpu.memory_space<vmem>>) dst(%dma_wait3A_67 : memref<120x128xf32, #tpu.memory_space<hbm>>)
      tpu.yield
    }) : () -> ()
    return
  }
}

module attributes {stable_mosaic.version = 14 : i64} {
  func.func @_ka_body(%arg0: i32, %arg1: memref<1x2x128xf32, #tpu.memory_space<vmem>>, %arg2: memref<128x128xf32, #tpu.memory_space<vmem>>, %arg3: memref<128x128xf32, #tpu.memory_space<vmem>>, %arg4: memref<128x128xf32, #tpu.memory_space<vmem>>, %arg5: memref<128x128xf32, #tpu.memory_space<vmem>>) attributes {dimension_semantics = [#tpu.dimension_semantics<arbitrary>], iteration_bounds = array<i64: 79>, scalar_prefetch = 0 : i64, scratch_operands = 0 : i64, tpu.core_type = #tpu.core_type<tc>, window_params = [{transform_indices = @transform_0, window_bounds = array<i64: 1, 2, 128>}, {transform_indices = @transform_1, window_bounds = array<i64: 128, 128>}, {pipeline_mode = #tpu.pipeline_mode<synchronous>, transform_indices = @transform_2, window_bounds = array<i64: 128, 128>}, {transform_indices = @transform_3, window_bounds = array<i64: 128, 128>}, {transform_indices = @transform_4, window_bounds = array<i64: 128, 128>}]} {
    %get3A = arith.constant 0 : index
    %get3A_0 = arith.constant 0 : index
    %get3A_1 = arith.constant 0 : index
    %get3A_2 = vector.load %arg1[%get3A, %get3A_0, %get3A_1] : memref<1x2x128xf32, #tpu.memory_space<vmem>>, vector<1x1x128xf32>
    %get3A_3 = vector.shape_cast %get3A_2 : vector<1x1x128xf32> to vector<1x128xf32>
    %get3A_4 = arith.constant 0 : index
    %get3A_5 = arith.constant 1 : index
    %get3A_6 = arith.constant 0 : index
    %get3A_7 = vector.load %arg1[%get3A_4, %get3A_5, %get3A_6] : memref<1x2x128xf32, #tpu.memory_space<vmem>>, vector<1x1x128xf32>
    %get3A_8 = vector.shape_cast %get3A_7 : vector<1x1x128xf32> to vector<1x128xf32>
    %add3A = arith.addf %get3A_3, %get3A_8 : vector<1x128xf32>
    %add3A_9 = arith.constant 1.000000e+00 : f32
    %add3A_10 = vector.broadcast %add3A_9 : f32 to vector<1x128xf32>
    %add3A_11 = arith.addf %add3A, %add3A_10 : vector<1x128xf32>
    %rsqrt3A = math.rsqrt %add3A_11 : vector<1x128xf32>
    %broadcast_in_dim3A = vector.shape_cast %rsqrt3A : vector<1x128xf32> to vector<1x128xf32>
    %broadcast_in_dim3A_12 = vector.broadcast %broadcast_in_dim3A : vector<1x128xf32> to vector<128x128xf32>
    %iota3A = tpu.iota {dimensions = array<i32: 0>} : vector<128x128xi32>
    %iota3A_13 = tpu.iota {dimensions = array<i32: 1>} : vector<128x128xi32>
    %eq3A = arith.cmpi eq, %iota3A, %iota3A_13 : vector<128x128xi32>
    %jit3A = arith.constant 0.000000e+00 : f32
    %broadcast_in_dim3A_14 = vector.broadcast %jit3A : f32 to vector<128x128xf32>
    %select_n3A = arith.select %eq3A, %broadcast_in_dim3A_12, %broadcast_in_dim3A_14 : vector<128x128xi1>, vector<128x128xf32>
    %broadcast_in_dim3A_15 = arith.constant 1.000000e+00 : f32
    %broadcast_in_dim3A_16 = vector.broadcast %broadcast_in_dim3A_15 : f32 to vector<128x128xf32>
    %dot_general3A = arith.constant dense<0.000000e+00> : vector<128x128xf32>
    %dot_general3A_17 = tpu.matmul %select_n3A, %broadcast_in_dim3A_16, %dot_general3A {dimension_numbers = #tpu.dot_dimension_numbers<[1], [0], [0], [1], [0, 0, 1, 1], [], []>, transpose_lhs_hint = false} : vector<128x128xf32>, vector<128x128xf32>, vector<128x128xf32> -> vector<128x128xf32>
    %swap3A = arith.constant 0 : index
    %swap3A_18 = arith.constant 0 : index
    %swap3A_19 = vector.load %arg4[%swap3A, %swap3A_18] : memref<128x128xf32, #tpu.memory_space<vmem>>, vector<128x128xf32>
    tpu.vector_store %arg4[%swap3A, %swap3A_18], %dot_general3A_17 {strides = array<i32>} : memref<128x128xf32, #tpu.memory_space<vmem>>, vector<128x128xf32>,
    %get3A_20 = arith.constant 0 : index
    %get3A_21 = arith.constant 0 : index
    %get3A_22 = vector.load %arg2[%get3A_20, %get3A_21] : memref<128x128xf32, #tpu.memory_space<vmem>>, vector<128x128xf32>
    %get3A_23 = arith.constant 0 : index
    %get3A_24 = arith.constant 0 : index
    %get3A_25 = vector.load %arg3[%get3A_23, %get3A_24] : memref<128x128xf32, #tpu.memory_space<vmem>>, vector<128x128xf32>
    %dot_general3A_26 = arith.constant dense<0.000000e+00> : vector<128x128xf32>
    %dot_general3A_27 = tpu.matmul %get3A_22, %get3A_25, %dot_general3A_26 {dimension_numbers = #tpu.dot_dimension_numbers<[1], [0], [0], [1], [0, 0, 1, 1], [], []>, transpose_lhs_hint = false} : vector<128x128xf32>, vector<128x128xf32>, vector<128x128xf32> -> vector<128x128xf32>
    %mul3A = arith.mulf %dot_general3A_17, %dot_general3A_27 : vector<128x128xf32>
    %swap3A_28 = arith.constant 0 : index
    %swap3A_29 = arith.constant 0 : index
    %swap3A_30 = vector.load %arg5[%swap3A_28, %swap3A_29] : memref<128x128xf32, #tpu.memory_space<vmem>>, vector<128x128xf32>
    tpu.vector_store %arg5[%swap3A_28, %swap3A_29], %mul3A {strides = array<i32>} : memref<128x128xf32, #tpu.memory_space<vmem>>, vector<128x128xf32>,
    return
  }
  func.func @transform_0(%arg0: i32) -> (i32, i32, i32) {
    %c0_i32 = arith.constant 0 : i32
    %c0_i32_0 = arith.constant 0 : i32
    %c0_i32_1 = arith.constant 0 : i32
    return %arg0, %c0_i32, %c0_i32_0 : i32, i32, i32
  }
  func.func @transform_1(%arg0: i32) -> (i32, i32) {
    %c0_i32 = arith.constant 0 : i32
    %c0_i32_0 = arith.constant 0 : i32
    return %arg0, %c0_i32 : i32, i32
  }
  func.func @transform_2(%arg0: i32) -> (i32, i32) {
    %c0_i32 = arith.constant 0 : i32
    %c0_i32_0 = arith.constant 0 : i32
    %c0_i32_1 = arith.constant 0 : i32
    return %c0_i32, %c0_i32_0 : i32, i32
  }
  func.func @transform_3(%arg0: i32) -> (i32, i32) {
    %c0_i32 = arith.constant 0 : i32
    %c0_i32_0 = arith.constant 0 : i32
    return %arg0, %c0_i32 : i32, i32
  }
  func.func @transform_4(%arg0: i32) -> (i32, i32) {
    %c0_i32 = arith.constant 0 : i32
    %c0_i32_0 = arith.constant 0 : i32
    return %arg0, %c0_i32 : i32, i32
  }
}

module attributes {stable_mosaic.version = 14 : i64} {
  func.func @_kb_body(%arg0: i32, %arg1: memref<2x128x128xf32, #tpu.memory_space<vmem>>, %arg2: memref<128x128xf32, #tpu.memory_space<vmem>>, %arg3: memref<128x128xf32, #tpu.memory_space<vmem>>, %arg4: memref<128x128xf32, #tpu.memory_space<vmem>>, %arg5: memref<1x128xf32, #tpu.memory_space<vmem>>, %arg6: memref<128x128xf32, #tpu.memory_space<vmem>>) attributes {dimension_semantics = [#tpu.dimension_semantics<arbitrary>], iteration_bounds = array<i64: 79>, scalar_prefetch = 0 : i64, scratch_operands = 0 : i64, tpu.core_type = #tpu.core_type<tc>, window_params = [{transform_indices = @transform_0, window_bounds = array<i64: 2, 128, 128>}, {transform_indices = @transform_1, window_bounds = array<i64: 128, 128>}, {transform_indices = @transform_2, window_bounds = array<i64: 128, 128>}, {pipeline_mode = #tpu.pipeline_mode<synchronous>, transform_indices = @transform_3, window_bounds = array<i64: 128, 128>}, {pipeline_mode = #tpu.pipeline_mode<synchronous>, transform_indices = @transform_4, window_bounds = array<i64: 1, 128>}, {transform_indices = @transform_5, window_bounds = array<i64: 128, 128>}]} {
    %get3A = arith.constant 0 : index
    %get3A_0 = arith.constant 0 : index
    %get3A_1 = arith.constant 0 : index
    %get3A_2 = vector.load %arg1[%get3A, %get3A_0, %get3A_1] : memref<2x128x128xf32, #tpu.memory_space<vmem>>, vector<1x128x128xf32>
    %get3A_3 = vector.shape_cast %get3A_2 : vector<1x128x128xf32> to vector<128x128xf32>
    %get3A_4 = arith.constant 1 : index
    %get3A_5 = arith.constant 0 : index
    %get3A_6 = arith.constant 0 : index
    %get3A_7 = vector.load %arg1[%get3A_4, %get3A_5, %get3A_6] : memref<2x128x128xf32, #tpu.memory_space<vmem>>, vector<1x128x128xf32>
    %get3A_8 = vector.shape_cast %get3A_7 : vector<1x128x128xf32> to vector<128x128xf32>
    %add3A = arith.addf %get3A_3, %get3A_8 : vector<128x128xf32>
    %get3A_9 = arith.constant 0 : index
    %get3A_10 = arith.constant 0 : index
    %get3A_11 = vector.load %arg2[%get3A_9, %get3A_10] : memref<128x128xf32, #tpu.memory_space<vmem>>, vector<128x128xf32>
    %sub3A = arith.subf %add3A, %get3A_11 : vector<128x128xf32>
    %get3A_12 = arith.constant 0 : index
    %get3A_13 = arith.constant 0 : index
    %get3A_14 = vector.load %arg3[%get3A_12, %get3A_13] : memref<128x128xf32, #tpu.memory_space<vmem>>, vector<128x128xf32>
    %mul3A = arith.mulf %get3A_14, %sub3A : vector<128x128xf32>
    %get3A_15 = arith.constant 0 : index
    %get3A_16 = arith.constant 0 : index
    %get3A_17 = vector.load %arg5[%get3A_15, %get3A_16] : memref<1x128xf32, #tpu.memory_space<vmem>>, vector<1x128xf32>
    %add3A_18 = vector.broadcast %get3A_17 : vector<1x128xf32> to vector<128x128xf32>
    %add3A_19 = arith.addf %mul3A, %add3A_18 : vector<128x128xf32>
    %max3A = arith.constant 0.000000e+00 : f32
    %max3A_20 = vector.broadcast %max3A : f32 to vector<128x128xf32>
    %max3A_21 = arith.maximumf %add3A_19, %max3A_20 : vector<128x128xf32>
    %get3A_22 = arith.constant 0 : index
    %get3A_23 = arith.constant 0 : index
    %get3A_24 = vector.load %arg3[%get3A_22, %get3A_23] : memref<128x128xf32, #tpu.memory_space<vmem>>, vector<128x128xf32>
    %get3A_25 = arith.constant 0 : index
    %get3A_26 = arith.constant 0 : index
    %get3A_27 = vector.load %arg4[%get3A_25, %get3A_26] : memref<128x128xf32, #tpu.memory_space<vmem>>, vector<128x128xf32>
    %dot_general3A = arith.constant dense<0.000000e+00> : vector<128x128xf32>
    %dot_general3A_28 = tpu.matmul %max3A_21, %get3A_27, %dot_general3A {dimension_numbers = #tpu.dot_dimension_numbers<[1], [0], [0], [1], [0, 0, 1, 1], [], []>, transpose_lhs_hint = false} : vector<128x128xf32>, vector<128x128xf32>, vector<128x128xf32> -> vector<128x128xf32>
    %mul3A_29 = arith.mulf %get3A_24, %dot_general3A_28 : vector<128x128xf32>
    %swap3A = arith.constant 0 : index
    %swap3A_30 = arith.constant 0 : index
    %swap3A_31 = vector.load %arg6[%swap3A, %swap3A_30] : memref<128x128xf32, #tpu.memory_space<vmem>>, vector<128x128xf32>
    tpu.vector_store %arg6[%swap3A, %swap3A_30], %mul3A_29 {strides = array<i32>} : memref<128x128xf32, #tpu.memory_space<vmem>>, vector<128x128xf32>,
    return
  }
  func.func @transform_0(%arg0: i32) -> (i32, i32, i32) {
    %c0_i32 = arith.constant 0 : i32
    %c0_i32_0 = arith.constant 0 : i32
    %c0_i32_1 = arith.constant 0 : i32
    return %c0_i32, %arg0, %c0_i32_0 : i32, i32, i32
  }
  func.func @transform_1(%arg0: i32) -> (i32, i32) {
    %c0_i32 = arith.constant 0 : i32
    %c0_i32_0 = arith.constant 0 : i32
    return %arg0, %c0_i32 : i32, i32
  }
  func.func @transform_2(%arg0: i32) -> (i32, i32) {
    %c0_i32 = arith.constant 0 : i32
    %c0_i32_0 = arith.constant 0 : i32
    return %arg0, %c0_i32 : i32, i32
  }
  func.func @transform_3(%arg0: i32) -> (i32, i32) {
    %c0_i32 = arith.constant 0 : i32
    %c0_i32_0 = arith.constant 0 : i32
    %c0_i32_1 = arith.constant 0 : i32
    return %c0_i32, %c0_i32_0 : i32, i32
  }
  func.func @transform_4(%arg0: i32) -> (i32, i32) {
    %c0_i32 = arith.constant 0 : i32
    %c0_i32_0 = arith.constant 0 : i32
    %c0_i32_1 = arith.constant 0 : i32
    return %c0_i32, %c0_i32_0 : i32, i32
  }
  func.func @transform_5(%arg0: i32) -> (i32, i32) {
    %c0_i32 = arith.constant 0 : i32
    %c0_i32_0 = arith.constant 0 : i32
    return %arg0, %c0_i32 : i32, i32
  }
}

module attributes {stable_mosaic.version = 14 : i64} {
  func.func @_kc_body(%arg0: i32, %arg1: memref<2x128x128xf32, #tpu.memory_space<vmem>>, %arg2: memref<128x128xf32, #tpu.memory_space<vmem>>, %arg3: memref<128x128xf32, #tpu.memory_space<vmem>>, %arg4: memref<1x128xf32, #tpu.memory_space<vmem>>, %arg5: memref<128x128xf32, #tpu.memory_space<vmem>>) attributes {dimension_semantics = [#tpu.dimension_semantics<arbitrary>], iteration_bounds = array<i64: 79>, scalar_prefetch = 0 : i64, scratch_operands = 0 : i64, tpu.core_type = #tpu.core_type<tc>, window_params = [{transform_indices = @transform_0, window_bounds = array<i64: 2, 128, 128>}, {transform_indices = @transform_1, window_bounds = array<i64: 128, 128>}, {transform_indices = @transform_2, window_bounds = array<i64: 128, 128>}, {pipeline_mode = #tpu.pipeline_mode<synchronous>, transform_indices = @transform_3, window_bounds = array<i64: 1, 128>}, {transform_indices = @transform_4, window_bounds = array<i64: 128, 128>}]} {
    %get3A = arith.constant 0 : index
    %get3A_0 = arith.constant 0 : index
    %get3A_1 = arith.constant 0 : index
    %get3A_2 = vector.load %arg1[%get3A, %get3A_0, %get3A_1] : memref<2x128x128xf32, #tpu.memory_space<vmem>>, vector<1x128x128xf32>
    %get3A_3 = vector.shape_cast %get3A_2 : vector<1x128x128xf32> to vector<128x128xf32>
    %get3A_4 = arith.constant 1 : index
    %get3A_5 = arith.constant 0 : index
    %get3A_6 = arith.constant 0 : index
    %get3A_7 = vector.load %arg1[%get3A_4, %get3A_5, %get3A_6] : memref<2x128x128xf32, #tpu.memory_space<vmem>>, vector<1x128x128xf32>
    %get3A_8 = vector.shape_cast %get3A_7 : vector<1x128x128xf32> to vector<128x128xf32>
    %add3A = arith.addf %get3A_3, %get3A_8 : vector<128x128xf32>
    %get3A_9 = arith.constant 0 : index
    %get3A_10 = arith.constant 0 : index
    %get3A_11 = vector.load %arg2[%get3A_9, %get3A_10] : memref<128x128xf32, #tpu.memory_space<vmem>>, vector<128x128xf32>
    %sub3A = arith.subf %add3A, %get3A_11 : vector<128x128xf32>
    %get3A_12 = arith.constant 0 : index
    %get3A_13 = arith.constant 0 : index
    %get3A_14 = vector.load %arg3[%get3A_12, %get3A_13] : memref<128x128xf32, #tpu.memory_space<vmem>>, vector<128x128xf32>
    %mul3A = arith.mulf %get3A_14, %sub3A : vector<128x128xf32>
    %get3A_15 = arith.constant 0 : index
    %get3A_16 = arith.constant 0 : index
    %get3A_17 = vector.load %arg4[%get3A_15, %get3A_16] : memref<1x128xf32, #tpu.memory_space<vmem>>, vector<1x128xf32>
    %add3A_18 = vector.broadcast %get3A_17 : vector<1x128xf32> to vector<128x128xf32>
    %add3A_19 = arith.addf %mul3A, %add3A_18 : vector<128x128xf32>
    %swap3A = arith.constant 0 : index
    %swap3A_20 = arith.constant 0 : index
    %swap3A_21 = vector.load %arg5[%swap3A, %swap3A_20] : memref<128x128xf32, #tpu.memory_space<vmem>>, vector<128x128xf32>
    tpu.vector_store %arg5[%swap3A, %swap3A_20], %add3A_19 {strides = array<i32>} : memref<128x128xf32, #tpu.memory_space<vmem>>, vector<128x128xf32>,
    return
  }
  func.func @transform_0(%arg0: i32) -> (i32, i32, i32) {
    %c0_i32 = arith.constant 0 : i32
    %c0_i32_0 = arith.constant 0 : i32
    %c0_i32_1 = arith.constant 0 : i32
    return %c0_i32, %arg0, %c0_i32_0 : i32, i32, i32
  }
  func.func @transform_1(%arg0: i32) -> (i32, i32) {
    %c0_i32 = arith.constant 0 : i32
    %c0_i32_0 = arith.constant 0 : i32
    return %arg0, %c0_i32 : i32, i32
  }
  func.func @transform_2(%arg0: i32) -> (i32, i32) {
    %c0_i32 = arith.constant 0 : i32
    %c0_i32_0 = arith.constant 0 : i32
    return %arg0, %c0_i32 : i32, i32
  }
  func.func @transform_3(%arg0: i32) -> (i32, i32) {
    %c0_i32 = arith.constant 0 : i32
    %c0_i32_0 = arith.constant 0 : i32
    %c0_i32_1 = arith.constant 0 : i32
    return %c0_i32, %c0_i32_0 : i32, i32
  }
  func.func @transform_4(%arg0: i32) -> (i32, i32) {
    %c0_i32 = arith.constant 0 : i32
    %c0_i32_0 = arith.constant 0 : i32
    return %arg0, %c0_i32 : i32, i32
  }
}

</mosaic_0001>

<sc_bundles>
// kernel: kernel.11.cloned.1.call-start
scs
__scs_entry_jumppad:
0x0: {  	(pc) =	sbr.rel $0x88, $3  }
0x1: {  	(tag) =	ssettag $0x0;
	lr =	simm.s32 $0x1  }
0x2: {  	[smem:$0x3F99] =	sst lr;
	_ =	strace $0xD0000000  }
0x3: {  	_ = 	snop  }
0x4: {  	_ = 	snop  }
0x5: {  	_ = 	snop  }
0x6: {  	_ = 	snop  }
0x7: {  	_ = 	snop  }
__scs_overlays_trampoline_lowered:
0x8: {  	[smem:$0x3FA8] =	sst s0  }
0x9: {  	[smem:$0x3FA9] =	sst s1  }
0xa: {  	[smem:$0x3FAA] =	sst s2  }
0xb: {  	[smem:$0x3FAB] =	sst s3  }
0xc: {  	[smem:$0x3FAC] =	sst s4  }
0xd: {  	[smem:$0x3FAD] =	sst s5  }
0xe: {  	[smem:$0x3FAE] =	sst s6  }
0xf: {  	[smem:$0x3FAF] =	sst s7  }
0x10: {  	[smem:$0x3FB0] =	sst s8  }
0x11: {  	[smem:$0x3FB1] =	sst s9;
	s0 =	simm.s32 @!p0 $0x0  }
0x12: {  	s1 =	sld [smem:$0x3F97];
	s0 =	simm.s32 @p0 $0x1  }
0x13: {  	[smem:$0x3FB2] =	sst s0;
	s0 =	simm.s32 @!p1 $0x0  }
0x14: {  	s2 =	sld [smem:$0x3F96];
	s0 =	simm.s32 @p1 $0x1  }
0x15: {  	[smem:$0x3FB3] =	sst s0;
	s0 =	simm.s32 @!p2 $0x0  }
0x16: {  	s3 =	sld [smem:$0x3FDB];
	s0 =	simm.s32 @p2 $0x1  }
0x17: {  	s4 =	simm.s32 $0x1BF5;
	[smem:$0x3FB5] =	sst s0  }
0x18: {  	s0 =	sld [smem:$0x3F98];
	_ =	swait.ge [sflag:s4], $0x0  }
0x19: {  	s7 =	sld [smem:$0x3F99]  }
0x1a: {  	s8 =	sadd.s32 $0xFFFFE003, lr  }
0x1b: {  	s9 =	sadd.s32 $0xFFFFFEF7, lr;
	s5 =	simm.s32 $0xFFFFFFFF;
	p2 =	slt.u32 s8, $0xFFFFF086  }
0x1c: {  	p1 =	slt.u32 s9, $0xF7A;
	s5 =	simm.s32 @!p2 $0x0  }
0x1d: {  	s5 =	simm.s32 @p1 $0x1;
	p0 =	seq.s32 s7, s2  }
0x1e: {  	s7 =	smul.u32 @!p0 $0xF7A, s2;
	p2 =	seq.s32 @!p0 s5, $0x0  }
0x1f: {  	s9 =	smul.u32 $0xF7A, s1;
	s8 =	simm.s32 @!p0 $0x1BF5;
	p2 =	por !p2, p0  }
0x20: {  	[sflag:s8] =	ssyncset.s32 @!p0 $0xFFFFF086;
	s6 =	sadd.s32 @!p0 s3, s7;
	s7 =	simm.s32 @!p0 $0x108  }
0x21: {  	s3 =	sadd.s32 s3, s9;
	s6 =	sadd.s32 @!p0 $0x88, s6;
	s7 =	simm.s32 @p2 $0x1082  }
0x22: {  	[simem:s7], [sflag:s8] =	dma.local @!p0 [hbm:s6], $0xF7A  }
0x23: {  	s9 =	sor.u32 $0xD0000000, s2;
	s6 =	simm.s32 $0x108;
	_ =	swait.ge @!p0 [sflag:s8], $0x0  }
0x24: {  	s3 =	sadd.s32 $0x88, s3;
	s6 =	simm.s32 @!p1 $0x1082;
	[sflag:s4] =	ssyncset.s32 $0xFFFFF086  }
0x25: {  	[simem:s6], [sflag:s4] =	dma.local [hbm:s3], $0xF7A  }
0x26: {  	[smem:$0x3F99] =	sst s1;
	(tag) =	ssettag s2;
	_ =	strace s9  }
0x27: {  	s1 =	sld [smem:$0x3FA9]  }
0x28: {  	s2 =	sld [smem:$0x3FAA]  }
0x29: {  	s4 =	sld [smem:$0x3FAC]  }
0x2a: {  	p0 =	seq.s32 s5, $0x0;
	s5 =	sld [smem:$0x3FAD]  }
0x2b: {  	s6 =	sld [smem:$0x3FAE]  }
0x2c: {  	s7 =	sld [smem:$0x3FAF]  }
0x2d: {  	s3 =	simm.s32 $0x108;
	s8 =	sld [smem:$0x3FB0]  }
0x2e: {  	s3 =	simm.s32 @!p0 $0x1082;
	s9 =	sld [smem:$0x3FB1]  }
0x2f: {  	lr =	sadd.s32 s0, s3;
	s0 =	sld [smem:$0x3FA8]  }
0x30: {  	s3 =	sld [smem:$0x3FAB]  }
0x31: {  	[smem:$0x3FB4] =	sst s10  }
0x32: {  	s10 =	sld [smem:$0x3FB2];
	_ =	sdelay $0x3  }
0x33: {  	p0 =	seq.s32 s10, $0x1;
	s10 =	sld [smem:$0x3FB4];
	_ =	sdelay $0x3  }
0x34: {  	[smem:$0x3FB4] =	sst s10  }
0x35: {  	s10 =	sld [smem:$0x3FB3];
	_ =	sdelay $0x3  }
0x36: {  	p1 =	seq.s32 s10, $0x1;
	s10 =	sld [smem:$0x3FB4];
	_ =	sdelay $0x3  }
0x37: {  	[smem:$0x3FB4] =	sst s10  }
0x38: {  	s10 =	sld [smem:$0x3FB5]  }
0x39: {  	_ = 	snop;
	(pc) =	sbr.ind lr, $3  }
0x3a: {  	_ = 	snop  }
0x3b: {  	_ = 	snop  }
0x3c: {  	p2 =	seq.s32 s10, $0x1;
	s10 =	sld [smem:$0x3FB4]  }
0x3d: {  	_ =	shalt  }
0x3e: {  	_ =	shalt  }
0x3f: {  	_ =	shalt  }
0x40: {  	_ =	shalt  }
0x41: {  	_ =	shalt  }
0x42: {  	_ =	shalt  }
0x43: {  	_ =	shalt  }
0x44: {  	_ =	shalt  }
0x45: {  	_ =	shalt  }
0x46: {  	_ =	shalt  }
0x47: {  	_ =	shalt  }
0x48: {  	_ =	shalt  }
0x49: {  	_ =	shalt  }
0x4a: {  	_ =	shalt  }
0x4b: {  	_ =	shalt  }
0x4c: {  	_ =	shalt  }
0x4d: {  	_ =	shalt  }
0x4e: {  	_ =	shalt  }
0x4f: {  	_ =	shalt  }
0x50: {  	_ =	shalt  }
0x51: {  	_ =	shalt  }
0x52: {  	_ =	shalt  }
0x53: {  	_ =	shalt  }
0x54: {  	_ =	shalt  }
0x55: {  	_ =	shalt  }
0x56: {  	_ =	shalt  }
0x57: {  	_ =	shalt  }
0x58: {  	_ =	shalt  }
0x59: {  	_ =	shalt  }
0x5a: {  	_ =	shalt  }
0x5b: {  	_ =	shalt  }
0x5c: {  	_ =	shalt  }
0x5d: {  	_ =	shalt  }
0x5e: {  	_ =	shalt  }
0x5f: {  	_ =	shalt  }
0x60: {  	_ =	shalt  }
0x61: {  	_ =	shalt  }
0x62: {  	_ =	shalt  }
0x63: {  	_ =	shalt  }
0x64: {  	_ =	shalt  }
0x65: {  	_ =	shalt  }
0x66: {  	_ =	shalt  }
0x67: {  	_ =	shalt  }
0x68: {  	_ =	shalt  }
0x69: {  	_ =	shalt  }
0x6a: {  	_ =	shalt  }
0x6b: {  	_ =	shalt  }
0x6c: {  	_ =	shalt  }
0x6d: {  	_ =	shalt  }
0x6e: {  	_ =	shalt  }
0x6f: {  	_ =	shalt  }
0x70: {  	_ =	shalt  }
0x71: {  	_ =	shalt  }
0x72: {  	_ =	shalt  }
0x73: {  	_ =	shalt  }
0x74: {  	_ =	shalt  }
0x75: {  	_ =	shalt  }
0x76: {  	_ =	shalt  }
0x77: {  	_ =	shalt  }
0x78: {  	_ =	shalt  }
0x79: {  	_ =	shalt  }
0x7a: {  	_ =	shalt  }
0x7b: {  	_ =	shalt  }
0x7c: {  	_ =	shalt  }
0x7d: {  	_ =	shalt  }
0x7e: {  	_ =	shalt  }
0x7f: {  	_ =	shalt  }
0x80: {  	_ =	shalt  }
0x81: {  	_ =	shalt  }
0x82: {  	_ =	shalt  }
0x83: {  	_ =	shalt  }
0x84: {  	_ =	shalt  }
0x85: {  	_ =	shalt  }
0x86: {  	_ =	shalt  }
0x87: {  	_ =	shalt  }
.Lfunc_end0:
.L_simem_size_0:
called_computation.1_lowered:
.L_overlay_start_0:
0x88: {  	s2 =	sld [smem:$0x3FD9]  }
0x89: {  	s3 =	sld [smem:$0x3FFE];
	_ =	sdelay $0x1  }
0x8a: {  	s1 =	srdreg.scid  }
0x8b: {  	s0 =	sand.u32 $0x1, s1  }
0x8c: {  	s14 =	sshll.u32 s0, $0xA;
	s2 =	sadd.s32 s3, s2  }
0x8d: {  	s2 =	sadd.s32 s2, s14  }
0x8e: {  	[smem:$0x3FC0] =	sst s2  }
0x8f: {  	_ = 	snop  }
0x90: {  	s2 =	sld [smem:$0x3FD0];
	_ =	sdelay $0x2  }
0x91: {  	s15 =	simm.s32 $0xA;
	s4 =	simm.s32 $0x10  }
0x92: {  	[smem:s4], [sflag:s15] =	dma.local [hbm:s2], $0x1  }
0x93: {  	_ =	swait.eq [sflag:s15], $0x1  }
0x94: {  	[sflag:s15] =	ssyncset.done $0x0  }
0x95: {  	s16 =	sld [smem:$0x10];
	[sflag:s15] =	ssyncadd.s32 $0xFFFFFFFF  }
0x96: {  	s17 =	sld [smem:$0x11];
	(tm) =	ssettm $0x1  }
0x97: {  	s18 =	sld [smem:$0x3FFB];
	_ =	sdelay $0x3  }
0x98: {  	_ =	strace s18  }
0x99: {  	s4 =	sld [smem:$0x3FFC];
	_ =	sdelay $0x3  }
0x9a: {  	_ =	strace s4  }
0x9b: {  	s4 =	sld [smem:$0x3FFD];
	_ =	sdelay $0x3  }
0x9c: {  	_ =	strace s4  }
0x9d: {  	_ =	strace $0x8FFFFFFF  }
0x9e: {  	s19 =	sld [smem:$0x3FDB];
	_ =	sdelay $0x1  }
0x9f: {  	s5 =	simm.s32 $_scs_section_size  }
0xa0: {  	s6 =	simm.s32 $_size__tile_overlayer_lowered;
	s7 =	simm.s32 $_tile_overlayer_lowered  }
0xa1: {  	s22 =	simm.s32 $0x1BFF;
	s21 =	sshll.u32 s7, $0x1;
	s4 =	sadd.s32 s5, s19  }
0xa2: {  	s8 =	simm.s32 $0x0;
	s20 =	sshll.u32 s6, $0x1;
	s6 =	sadd.s32 s21, s4  }
0xa3: {  	[timem:s8], [sflag:s22] =	dma.local [hbm:s6], s20  }
0xa4: {  	_ =	swait.ge [sflag:s22], s20  }
0xa5: {  	s5 =	ssub.s32 $0x0, s20;
	[sflag:s22] =	ssyncset.done $0x0  }
0xa6: {  	[sflag:s22] =	ssyncadd.s32 s5;
	_ =	sdelay $0x1  }
0xa7: {  	s23 =	simm.s32 $0x1B8B  }
0xa8: {  	_ =	swait.ge [sflag:s23], $0x1  }
0xa9: {  	[sflag:s23] =	ssyncset.done $0x0  }
0xaa: {  	s25 =	simm.s32 $0x1B8E;
	s24 =	sld [smem:$0x3FFE];
	[sflag:s23] =	ssyncadd.s32 $0xFFFFFFFF  }
0xab: {  	s26 =	simm.s32 $execute0_lowered;
	[smem:$0x3FD2] =	sst s25  }
0xac: {  	s6 =	sshll.u32 s26, $0x1;
	_ =	strace $0x80000049;
	[dreg:$0x1] =	wrdreg $0xFFFFFFFF  }
0xad: {  	s28 =	simm.s32 $_size_execute0_lowered;
	s4 =	sadd.s32 s4, s6;
	[dreg:$0x0] =	wrdreg $0x0  }
0xae: {  	s6 =	sshll.u32 s28, $0x1;
	[dreg:$0x2] =	wrdreg s4  }
0xaf: {  	[dreg:$0x3] =	wrdreg s6  }
0xb0: {  	[dreg:$0x4] =	wrdreg $0xC0  }
0xb1: {  	_ =	task [dreg:s8], $0x5FFFF  }
0xb2: {  	[dreg:$0x1] =	wrdreg $0xFFFFFFFF  }
0xb3: {  	[dreg:$0x0] =	wrdreg $0x60  }
0xb4: {  	[dreg:$0x2] =	wrdreg s17  }
0xb5: {  	[dreg:$0x3] =	wrdreg s16  }
0xb6: {  	[dreg:$0x4] =	wrdreg s24  }
0xb7: {  	[dreg:$0x5] =	wrdreg $0x41000  }
0xb8: {  	[dreg:$0x6] =	wrdreg $0x9  }
0xb9: {  	_ =	task.clear_ibuf [dreg:s8], $0x7FFFF;
	_ =	strace $0x90000049  }
0xba: {  	s29 =	simm.s32 $0x9;
	_ =	strace $0x8000004B  }
0xbb: {  	_ =	swait.ge [sflag:s29], $0x1  }
0xbc: {  	[sflag:s29] =	ssyncadd.s32 $0xFFFFFFFF  }
0xbd: {  	_ =	strace $0x9000004B  }
0xbe: {  	_ =	sfence  }
0xbf: {  	s30 =	sld [smem:$0x0];
	_ =	sdelay $0x2  }
0xc0: {  	s31 =	sshll.u32 s1, $0xD;
	s1 =	sshrl.u32 s1, $0x2  }
0xc1: {  	s3 =	sand.u32 $0x4000, s31;
	s1 =	sadd.s32 s1, s30  }
0xc2: {  	s0 =	sor.u32 s3, s0;
	s1 =	sshll.u32 s1, $0x11  }
0xc3: {  	s0 =	sor.u32 s1, s0  }
0xc4: {  	s0 =	sadd.s32 $0x8F2B, s0  }
0xc5: {  	[sflag:s0] =	ssyncadd.remote.s32 $0x1  }
0xc6: {  	_ =	sfence.sel $0xFFFF  }
0xc7: {  	[dreg:$0x0] =	wrdreg $0xFFFFFFFF;
	(pc) =	sbr.abs _section_cstart, $3  }
0xc8: {  	[dreg:$0x1] =	wrdreg $0xFFFFFFFF  }
0xc9: {  	_ =	task.clear_ibuf [dreg:s8], $0x2FFFF;
	_ =	strace $0x9FFFFFFF  }
0xca: {  	(tm) =	ssettm $0x7FFFFFFF  }
0xcb: {  	_ =	shalt  }
tec
execute0_lowered:
.L_overlay_start_1:
0x0: {  	(tag) =	ssettag $0x1  }
0x1: {  	s22 =	rddreg [dreg:$0x0]  }
0x2: {  	s20 =	rddreg [dreg:$0x1]  }
0x3: {  	s5 =	rddreg [dreg:$0x2];
	s0 =	stileid.u32  }
0x4: {  	s2 =	rddreg [dreg:$0x3];
	s3 =	simm.s32 $0x0;
	s12 =	smul.u32 $0x278, s0  }
0x5: {  	s4 =	srdreg.scid;
	s28 =	simm.s32 $0x0;
	s15 =	smul.u32 $0x13C00, s0  }
0x6: {  	[smem:$0x7FF] =	sst s3;
	s18 =	sand.u32 $0x1, s4;
	s8 =	smul.u32 $0x4F000, s0  }
0x7: {  	s4 =	sadd.s32 $0x1E00, s5;
	s19 =	sadd.s32 $0x29600, s5;
	s25 =	smul.u32 $0x13C000, s18  }
0x8: {  	_ =	strace $0x8000004A;
	s6 =	ssub.s32 $0x2, s18;
	s1 =	smul.u32 $0x5000, s18  }
0x9: {  	s7 =	sshrl.u32 s6, $0x1;
	s26 =	sshrl.u32 s15, $0x3;
	s29 =	sshrl.u32 s8, $0x2  }
0xa: {  	s30 =	sadd.s32 $0x80, s12;
	s9 =	sadd.s32 $0x100, s12;
	s11 =	sadd.s32 $0x180, s12  }
0xb: {  	s12 =	sadd.s32 $0x200, s12;
	s21 =	ssub.s32 s6, s7;
	s5 =	sadd.s32 s4, s26  }
0xc: {  	s6 =	sadd.s32 s29, s2;
	s16 =	sshll.u32 s30, $0x7;
	s7 =	sshll.u32 s30, $0x4  }
0xd: {  	s17 =	sshll.u32 s9, $0x7;
	s9 =	sshll.u32 s9, $0x4;
	s13 =	sshll.u32 s11, $0x4  }
0xe: {  	s23 =	sshll.u32 s11, $0x7;
	s24 =	sshll.u32 s12, $0x7;
	s31 =	sshll.u32 s12, $0x4  }
0xf: {  	s15 =	sadd.s32 s15, s25;
	s30 =	smul.u32 $0x500, s0;
	s22 =	sadd.s32 s1, s22  }
0x10: {  	s7 =	sadd.s32 s4, s7;
	s8 =	sadd.s32 s16, s2;
	s9 =	sadd.s32 s4, s9  }
0x11: {  	s10 =	sadd.s32 s17, s2;
	s11 =	sadd.s32 s4, s13;
	s12 =	sadd.s32 s23, s2  }
0x12: {  	s13 =	sadd.s32 s4, s31;
	s14 =	sadd.s32 s24, s2;
	s16 =	sadd.s32 s25, s16  }
0x13: {  	s17 =	sadd.s32 s25, s17;
	s15 =	sshrl.u32 s15, $0x3;
	s23 =	sadd.s32 s25, s23  }
0x14: {  	s24 =	sadd.s32 s25, s24;
	s31 =	sadd.s32 s1, s20;
	s20 =	smax.u32 s21, $0x1  }
0x15: {  	s25 =	simm.s32 $0x80;
	s16 =	sshrl.u32 s16, $0x3;
	s17 =	sshrl.u32 s17, $0x3  }
0x16: {  	s15 =	sadd.s32 s19, s15;
	s26 =	sshrl.u32 s23, $0x3;
	s29 =	sshrl.u32 s24, $0x3  }
0x17: {  	s21 =	sadd.s32 s30, s31;
	s22 =	sadd.s32 s30, s22;
	s23 =	simm.s32 $0x100  }
0x18: {  	s24 =	simm.s32 $0x2;
	s16 =	sadd.s32 s19, s16;
	s17 =	sadd.s32 s19, s17  }
0x19: {  	s18 =	sadd.s32 s19, s26;
	s19 =	sadd.s32 s19, s29;
	s26 =	simm.s32 $0x1  }
.LBB2_1:
0x1a: {  	[tilespmem:s23], [sflag:$0x2] =	stream.linear.gather [hbm4b:s5+s3], $0x4000, $0x38;
	[tilespmem:$0x17D00] =	vst v63  }
0x1b: {  	_ =	swait.ge [sflag:s24], $0x4000  }
0x1c: {  	[sflag:s24] =	ssyncset.done $0x0  }
0x1d: {  	[sflag:s24] =	ssyncadd.s32 $0xFFFFC000  }
0x1e: {  	[spmem:s6] =	stream.linear.scatter [tilespmem:s23], [sflag:$0x2], $0x4000, $0x38;
	[tilespmem:$0x17D00] =	vst v63  }
0x1f: {  	_ =	swait.ge [sflag:s24], $0x4000  }
0x20: {  	[sflag:s24] =	ssyncset.done $0x0  }
0x21: {  	[sflag:s24] =	ssyncadd.s32 $0xFFFFC000  }
0x22: {  	[tilespmem:s23], [sflag:$0x2] =	stream.linear.gather [hbm4b:s7+s3], $0x4000, $0x38;
	[tilespmem:$0x17D00] =	vst v63  }
0x23: {  	_ =	swait.ge [sflag:s24], $0x4000  }
0x24: {  	[sflag:s24] =	ssyncset.done $0x0  }
0x25: {  	[sflag:s24] =	ssyncadd.s32 $0xFFFFC000  }
0x26: {  	[spmem:s8] =	stream.linear.scatter [tilespmem:s23], [sflag:$0x2], $0x4000, $0x38;
	[tilespmem:$0x17D00] =	vst v63  }
0x27: {  	_ =	swait.ge [sflag:s24], $0x4000  }
0x28: {  	[sflag:s24] =	ssyncset.done $0x0  }
0x29: {  	[sflag:s24] =	ssyncadd.s32 $0xFFFFC000  }
0x2a: {  	[tilespmem:s23], [sflag:$0x2] =	stream.linear.gather [hbm4b:s9+s3], $0x4000, $0x38;
	[tilespmem:$0x17D00] =	vst v63  }
0x2b: {  	_ =	swait.ge [sflag:s24], $0x4000  }
0x2c: {  	[sflag:s24] =	ssyncset.done $0x0  }
0x2d: {  	[sflag:s24] =	ssyncadd.s32 $0xFFFFC000  }
0x2e: {  	[spmem:s10] =	stream.linear.scatter [tilespmem:s23], [sflag:$0x2], $0x4000, $0x38;
	[tilespmem:$0x17D00] =	vst v63  }
0x2f: {  	_ =	swait.ge [sflag:s24], $0x4000  }
0x30: {  	[sflag:s24] =	ssyncset.done $0x0  }
0x31: {  	[sflag:s24] =	ssyncadd.s32 $0xFFFFC000  }
0x32: {  	[tilespmem:s23], [sflag:$0x2] =	stream.linear.gather [hbm4b:s11+s3], $0x4000, $0x38;
	[tilespmem:$0x17D00] =	vst v63  }
0x33: {  	_ =	swait.ge [sflag:s24], $0x4000  }
0x34: {  	[sflag:s24] =	ssyncset.done $0x0  }
0x35: {  	[sflag:s24] =	ssyncadd.s32 $0xFFFFC000  }
0x36: {  	[spmem:s12] =	stream.linear.scatter [tilespmem:s23], [sflag:$0x2], $0x4000, $0x38;
	[tilespmem:$0x17D00] =	vst v63  }
0x37: {  	_ =	swait.ge [sflag:s24], $0x4000  }
0x38: {  	[sflag:s24] =	ssyncset.done $0x0  }
0x39: {  	[sflag:s24] =	ssyncadd.s32 $0xFFFFC000  }
0x3a: {  	[tilespmem:s23], [sflag:$0x2] =	stream.linear.gather [hbm4b:s13+s3], $0x3C00, $0x38;
	[tilespmem:$0x17D00] =	vst v63  }
0x3b: {  	_ =	swait.ge [sflag:s24], $0x3C00  }
0x3c: {  	[sflag:s24] =	ssyncset.done $0x0  }
0x3d: {  	[sflag:s24] =	ssyncadd.s32 $0xFFFFC400  }
0x3e: {  	[spmem:s14] =	stream.linear.scatter [tilespmem:s23], [sflag:$0x2], $0x3C00, $0x38;
	[tilespmem:$0x17D00] =	vst v63  }
0x3f: {  	_ =	swait.ge [sflag:s24], $0x3C00  }
0x40: {  	[sflag:s24] =	ssyncset.done $0x0  }
0x41: {  	[sflag:s24] =	ssyncadd.s32 $0xFFFFC400  }
0x42: {  	s29 =	sadd.s32 $0x0, s22;
	[bflag:$0x0] =	sbarrier.arrive $0xFFFF  }
0x43: {  	[tilespmem:s3], [sflag:$0x2] =	stream.linear.gather [hbm4b:s29+s3], $0x80, $0x38;
	[tilespmem:$0x17D00] =	vst v63  }
0x44: {  	_ =	swait.ge [sflag:s24], $0x80  }
0x45: {  	[sflag:s24] =	ssyncset.done $0x0  }
0x46: {  	s29 =	sadd.s32 $0x0, s21;
	[sflag:s24] =	ssyncadd.s32 $0xFFFFFF80  }
0x47: {  	[tilespmem:s25], [sflag:$0x2] =	stream.linear.gather [hbm4b:s29+s3], $0x80, $0x38;
	[tilespmem:$0x17D00] =	vst v63  }
0x48: {  	_ =	swait.ge [sflag:s24], $0x80  }
0x49: {  	[sflag:s24] =	ssyncset.done $0x0  }
0x4a: {  	[sflag:s24] =	ssyncadd.s32 $0xFFFFFF80  }
0x4b: {  	[tilespmem:s23], [sflag:$0x1] =	stream.indirect.gather [hbm4b:s4+s25], $0x80, s3, s25, $0xb8;
	[tilespmem:$0x17D00] =	vst v63  }
0x4c: {  	_ =	swait.ge [sflag:s26], $0x4000  }
0x4d: {  	[sflag:s26] =	ssyncset.done $0x0  }
0x4e: {  	[sflag:s26] =	ssyncadd.s32 $0xFFFFC000  }
0x4f: {  	[spmem:s2] =	stream.indirect.scatter.add.f32 [tilespmem:s23], [sflag:$0x2], $0x80, s25, s25, $0xb8;
	[tilespmem:$0x17D00] =	vst v63  }
0x50: {  	_ =	swait.ge [sflag:s24], $0x4000  }
0x51: {  	s30 =	simm.s32 $0x20;
	s29 =	simm.s32 $0x10;
	[sflag:s24] =	ssyncset.done $0x0  }
.LBB2_2:
0x52: {  	s31 =	sadd.s32 s29, s22  }
0x53: {  	[sflag:s24] =	ssyncadd.s32 $0xFFFFC000;
	s0 =	smov.u32 s30;
	s1 =	sadd.s32 $0x10, s30  }
0x54: {  	[tilespmem:s3], [sflag:$0x2] =	stream.linear.gather [hbm4b:s31+s3], $0x80, $0x38;
	[tilespmem:$0x17D00] =	vst v63  }
0x55: {  	p0 =	sne.s32 s30, $0x4F0;
	_ =	swait.ge [sflag:s24], $0x80  }
0x56: {  	[sflag:s24] =	ssyncset.done $0x0  }
0x57: {  	s30 =	sadd.s32 s29, s21;
	s29 =	smov.u32 s0;
	[sflag:s24] =	ssyncadd.s32 $0xFFFFFF80  }
0x58: {  	[tilespmem:s25], [sflag:$0x2] =	stream.linear.gather [hbm4b:s30+s3], $0x80, $0x38;
	[tilespmem:$0x17D00] =	vst v63  }
0x59: {  	_ =	swait.ge [sflag:s24], $0x80  }
0x5a: {  	[sflag:s24] =	ssyncset.done $0x0  }
0x5b: {  	[sflag:s24] =	ssyncadd.s32 $0xFFFFFF80  }
0x5c: {  	[tilespmem:s23], [sflag:$0x1] =	stream.indirect.gather [hbm4b:s4+s25], $0x80, s3, s25, $0xb8;
	[tilespmem:$0x17D00] =	vst v63  }
0x5d: {  	_ =	swait.ge [sflag:s26], $0x4000  }
.Ltmp0:
0x5e: {  	[sflag:s26] =	ssyncset.done $0x0;
	(pc) =	sbr.rel @p0 .LBB2_2-.Ltmp0, $4  }
0x5f: {  	[sflag:s26] =	ssyncadd.s32 $0xFFFFC000  }
0x60: {  	[spmem:s2] =	stream.indirect.scatter.add.f32 [tilespmem:s23], [sflag:$0x2], $0x80, s25, s25, $0xb8;
	[tilespmem:$0x17D00] =	vst v63  }
0x61: {  	_ =	swait.ge [sflag:s24], $0x4000  }
0x62: {  	s30 =	smov.u32 s1;
	[sflag:s24] =	ssyncset.done $0x0  }
0x63: {  	s0 =	sadd.s32 s29, s22;
	[sflag:s24] =	ssyncadd.s32 $0xFFFFC000  }
0x64: {  	[tilespmem:s3], [sflag:$0x2] =	stream.linear.gather [hbm4b:s0+s3], $0x80, $0x38;
	[tilespmem:$0x17D00] =	vst v63  }
0x65: {  	_ =	swait.ge [sflag:s24], $0x80  }
0x66: {  	[sflag:s24] =	ssyncset.done $0x0  }
0x67: {  	s31 =	sadd.s32 s29, s21;
	[sflag:s24] =	ssyncadd.s32 $0xFFFFFF80  }
0x68: {  	[tilespmem:s25], [sflag:$0x2] =	stream.linear.gather [hbm4b:s31+s3], $0x80, $0x38;
	[tilespmem:$0x17D00] =	vst v63  }
0x69: {  	_ =	swait.ge [sflag:s24], $0x80  }
0x6a: {  	[sflag:s24] =	ssyncset.done $0x0  }
0x6b: {  	[sflag:s24] =	ssyncadd.s32 $0xFFFFFF80  }
0x6c: {  	[tilespmem:s23], [sflag:$0x1] =	stream.indirect.gather [hbm4b:s4+s25], $0x80, s3, s25, $0xb8;
	[tilespmem:$0x17D00] =	vst v63  }
0x6d: {  	_ =	swait.ge [sflag:s26], $0x4000  }
0x6e: {  	[sflag:s26] =	ssyncset.done $0x0  }
0x6f: {  	[sflag:s26] =	ssyncadd.s32 $0xFFFFC000  }
0x70: {  	[spmem:s2] =	stream.indirect.scatter.add.f32 [tilespmem:s23], [sflag:$0x2], $0x80, s25, s25, $0xb8;
	[tilespmem:$0x17D00] =	vst v63  }
0x71: {  	_ =	swait.ge [sflag:s24], $0x4000  }
0x72: {  	[sflag:s24] =	ssyncset.done $0x0  }
0x73: {  	[sflag:s24] =	ssyncadd.s32 $0xFFFFC000  }
0x74: {  	[bflag:$0x0] =	sbarrier.arrive $0xFFFF  }
0x75: {  	[tilespmem:s23], [sflag:$0x2] =	stream.linear.gather [spmem:s6], $0x4000, $0x38;
	[tilespmem:$0x17D00] =	vst v63  }
0x76: {  	_ =	swait.ge [sflag:s24], $0x4000  }
0x77: {  	[sflag:s24] =	ssyncset.done $0x0  }
0x78: {  	[sflag:s24] =	ssyncadd.s32 $0xFFFFC000  }
0x79: {  	[hbm4b:s15+s3] =	stream.linear.scatter [tilespmem:s23], [sflag:$0x2], $0x4000, $0x38;
	[tilespmem:$0x17D00] =	vst v63  }
0x7a: {  	_ =	swait.ge [sflag:s24], $0x4000  }
0x7b: {  	[sflag:s24] =	ssyncset.done $0x0  }
0x7c: {  	[sflag:s24] =	ssyncadd.s32 $0xFFFFC000  }
0x7d: {  	[tilespmem:s23], [sflag:$0x2] =	stream.linear.gather [spmem:s8], $0x4000, $0x38;
	[tilespmem:$0x17D00] =	vst v63  }
0x7e: {  	_ =	swait.ge [sflag:s24], $0x4000  }
0x7f: {  	[sflag:s24] =	ssyncset.done $0x0  }
0x80: {  	[sflag:s24] =	ssyncadd.s32 $0xFFFFC000  }
0x81: {  	[hbm4b:s16+s3] =	stream.linear.scatter [tilespmem:s23], [sflag:$0x2], $0x4000, $0x38;
	[tilespmem:$0x17D00] =	vst v63  }
0x82: {  	_ =	swait.ge [sflag:s24], $0x4000  }
0x83: {  	[sflag:s24] =	ssyncset.done $0x0  }
0x84: {  	[sflag:s24] =	ssyncadd.s32 $0xFFFFC000  }
0x85: {  	[tilespmem:s23], [sflag:$0x2] =	stream.linear.gather [spmem:s10], $0x4000, $0x38;
	[tilespmem:$0x17D00] =	vst v63  }
0x86: {  	_ =	swait.ge [sflag:s24], $0x4000  }
0x87: {  	[sflag:s24] =	ssyncset.done $0x0  }
0x88: {  	[sflag:s24] =	ssyncadd.s32 $0xFFFFC000  }
0x89: {  	[hbm4b:s17+s3] =	stream.linear.scatter [tilespmem:s23], [sflag:$0x2], $0x4000, $0x38;
	[tilespmem:$0x17D00] =	vst v63  }
0x8a: {  	_ =	swait.ge [sflag:s24], $0x4000  }
0x8b: {  	[sflag:s24] =	ssyncset.done $0x0  }
0x8c: {  	[sflag:s24] =	ssyncadd.s32 $0xFFFFC000  }
0x8d: {  	[tilespmem:s23], [sflag:$0x2] =	stream.linear.gather [spmem:s12], $0x4000, $0x38;
	[tilespmem:$0x17D00] =	vst v63  }
0x8e: {  	_ =	swait.ge [sflag:s24], $0x4000  }
0x8f: {  	[sflag:s24] =	ssyncset.done $0x0  }
0x90: {  	[sflag:s24] =	ssyncadd.s32 $0xFFFFC000  }
0x91: {  	[hbm4b:s18+s3] =	stream.linear.scatter [tilespmem:s23], [sflag:$0x2], $0x4000, $0x38;
	[tilespmem:$0x17D00] =	vst v63  }
0x92: {  	_ =	swait.ge [sflag:s24], $0x4000  }
0x93: {  	[sflag:s24] =	ssyncset.done $0x0  }
0x94: {  	[sflag:s24] =	ssyncadd.s32 $0xFFFFC000  }
0x95: {  	[tilespmem:s23], [sflag:$0x2] =	stream.linear.gather [spmem:s14], $0x3C00, $0x38;
	[tilespmem:$0x17D00] =	vst v63  }
0x96: {  	s28 =	sadd.s32 $0x1, s28;
	_ =	swait.ge [sflag:s24], $0x3C00  }
0x97: {  	p0 =	sne.s32 s28, s20;
	[sflag:s24] =	ssyncset.done $0x0  }
.Ltmp1:
0x98: {  	[sflag:s24] =	ssyncadd.s32 $0xFFFFC400;
	(pc) =	sbr.rel @p0 .LBB2_1-.Ltmp1, $4  }
0x99: {  	[hbm4b:s19+s3] =	stream.linear.scatter [tilespmem:s23], [sflag:$0x2], $0x3C00, $0x38;
	[tilespmem:$0x17D00] =	vst v63  }
0x9a: {  	_ =	swait.ge [sflag:s24], $0x3C00  }
0x9b: {  	[sflag:s24] =	ssyncset.done $0x0  }
0x9c: {  	[sflag:s24] =	ssyncadd.s32 $0xFFFFC400  }
0x9d: {  	_ =	sfence.sel $0x180000  }
0x9e: {  	[bflag:$0x0] =	sbarrier.arrive $0xFFFF  }
0x9f: {  	_ =	strace $0x9000004A  }
0xa0: {  	s0 =	stileid.u32;
	[bflag:$0x2] =	sbarrier.arrive $0xFFFF  }
0xa1: {  	p0 =	sne.s32 s0, $0x0;
	s0 =	rddreg [dreg:$0x4]  }
0xa2: {  	s0 =	sadd.s32 @!p0 $0x100000, s0  }
0xa3: {  	[sflag:s0] =	ssyncadd.tile.s32 @!p0 $0x1;
	_ =	shalt  }
.Lfunc_end2:
_tile_overlayer_lowered:
.L_overlay_start_2:
0xa4: {  	(tag) =	ssettag $0x2  }
0xa5: {  	s0 =	rddreg [dreg:$0x0];
	s2 =	stileid.u32  }
0xa6: {  	s1 =	rddreg [dreg:$0x1];
	p0 =	sne.s32 s2, $0x0  }
0xa7: {  	s3 =	rddreg [dreg:$0x2];
	[bflag:$0x3] =	sbarrier.arrive $0xFFFF;
	s2 =	simm.s32 @!p0 $0x1C02  }
0xa8: {  	[timem:s3], [sflag:s2] =	dma.local @!p0 [hbm:s0], s1  }
0xa9: {  	s0 =	simm.s32 @!p0 $0x2  }
0xaa: {  	_ =	swait.ge @!p0 [sflag:s0], s1  }
0xab: {  	s1 =	ssub.s32 @!p0 $0x0, s1;
	[sflag:s0] =	ssyncset.done @!p0 $0x0  }
0xac: {  	[sflag:s0] =	ssyncadd.s32 @!p0 s1  }
0xad: {  	[bflag:$0x3] =	sbarrier.arrive $0xFFFF  }
0xae: {  	_ =	shalt  }

// kernel: kernel.14.cloned.1.call-start
scs
__scs_entry_jumppad:
0x0: {  	(pc) =	sbr.rel $0x88, $3  }
0x1: {  	(tag) =	ssettag $0x0;
	lr =	simm.s32 $0x1  }
0x2: {  	[smem:$0x3F99] =	sst lr;
	_ =	strace $0xD0000000  }
0x3: {  	_ = 	snop  }
0x4: {  	_ = 	snop  }
0x5: {  	_ = 	snop  }
0x6: {  	_ = 	snop  }
0x7: {  	_ = 	snop  }
__scs_overlays_trampoline_lowered:
0x8: {  	[smem:$0x3FA8] =	sst s0  }
0x9: {  	[smem:$0x3FA9] =	sst s1  }
0xa: {  	[smem:$0x3FAA] =	sst s2  }
0xb: {  	[smem:$0x3FAB] =	sst s3  }
0xc: {  	[smem:$0x3FAC] =	sst s4  }
0xd: {  	[smem:$0x3FAD] =	sst s5  }
0xe: {  	[smem:$0x3FAE] =	sst s6  }
0xf: {  	[smem:$0x3FAF] =	sst s7  }
0x10: {  	[smem:$0x3FB0] =	sst s8  }
0x11: {  	[smem:$0x3FB1] =	sst s9;
	s0 =	simm.s32 @!p0 $0x0  }
0x12: {  	s1 =	sld [smem:$0x3F97];
	s0 =	simm.s32 @p0 $0x1  }
0x13: {  	[smem:$0x3FB2] =	sst s0;
	s0 =	simm.s32 @!p1 $0x0  }
0x14: {  	s2 =	sld [smem:$0x3F96];
	s0 =	simm.s32 @p1 $0x1  }
0x15: {  	[smem:$0x3FB3] =	sst s0;
	s0 =	simm.s32 @!p2 $0x0  }
0x16: {  	s3 =	sld [smem:$0x3FDB];
	s0 =	simm.s32 @p2 $0x1  }
0x17: {  	s4 =	simm.s32 $0x1BF5;
	[smem:$0x3FB5] =	sst s0  }
0x18: {  	s0 =	sld [smem:$0x3F98];
	_ =	swait.ge [sflag:s4], $0x0  }
0x19: {  	s7 =	sld [smem:$0x3F99]  }
0x1a: {  	s8 =	sadd.s32 $0xFFFFE003, lr  }
0x1b: {  	s9 =	sadd.s32 $0xFFFFFEF7, lr;
	s5 =	simm.s32 $0xFFFFFFFF;
	p2 =	slt.u32 s8, $0xFFFFF086  }
0x1c: {  	p1 =	slt.u32 s9, $0xF7A;
	s5 =	simm.s32 @!p2 $0x0  }
0x1d: {  	s5 =	simm.s32 @p1 $0x1;
	p0 =	seq.s32 s7, s2  }
0x1e: {  	s7 =	smul.u32 @!p0 $0xF7A, s2;
	p2 =	seq.s32 @!p0 s5, $0x0  }
0x1f: {  	s9 =	smul.u32 $0xF7A, s1;
	s8 =	simm.s32 @!p0 $0x1BF5;
	p2 =	por !p2, p0  }
0x20: {  	[sflag:s8] =	ssyncset.s32 @!p0 $0xFFFFF086;
	s6 =	sadd.s32 @!p0 s3, s7;
	s7 =	simm.s32 @!p0 $0x108  }
0x21: {  	s3 =	sadd.s32 s3, s9;
	s6 =	sadd.s32 @!p0 $0x88, s6;
	s7 =	simm.s32 @p2 $0x1082  }
0x22: {  	[simem:s7], [sflag:s8] =	dma.local @!p0 [hbm:s6], $0xF7A  }
0x23: {  	s9 =	sor.u32 $0xD0000000, s2;
	s6 =	simm.s32 $0x108;
	_ =	swait.ge @!p0 [sflag:s8], $0x0  }
0x24: {  	s3 =	sadd.s32 $0x88, s3;
	s6 =	simm.s32 @!p1 $0x1082;
	[sflag:s4] =	ssyncset.s32 $0xFFFFF086  }
0x25: {  	[simem:s6], [sflag:s4] =	dma.local [hbm:s3], $0xF7A  }
0x26: {  	[smem:$0x3F99] =	sst s1;
	(tag) =	ssettag s2;
	_ =	strace s9  }
0x27: {  	s1 =	sld [smem:$0x3FA9]  }
0x28: {  	s2 =	sld [smem:$0x3FAA]  }
0x29: {  	s4 =	sld [smem:$0x3FAC]  }
0x2a: {  	p0 =	seq.s32 s5, $0x0;
	s5 =	sld [smem:$0x3FAD]  }
0x2b: {  	s6 =	sld [smem:$0x3FAE]  }
0x2c: {  	s7 =	sld [smem:$0x3FAF]  }
0x2d: {  	s3 =	simm.s32 $0x108;
	s8 =	sld [smem:$0x3FB0]  }
0x2e: {  	s3 =	simm.s32 @!p0 $0x1082;
	s9 =	sld [smem:$0x3FB1]  }
0x2f: {  	lr =	sadd.s32 s0, s3;
	s0 =	sld [smem:$0x3FA8]  }
0x30: {  	s3 =	sld [smem:$0x3FAB]  }
0x31: {  	[smem:$0x3FB4] =	sst s10  }
0x32: {  	s10 =	sld [smem:$0x3FB2];
	_ =	sdelay $0x3  }
0x33: {  	p0 =	seq.s32 s10, $0x1;
	s10 =	sld [smem:$0x3FB4];
	_ =	sdelay $0x3  }
0x34: {  	[smem:$0x3FB4] =	sst s10  }
0x35: {  	s10 =	sld [smem:$0x3FB3];
	_ =	sdelay $0x3  }
0x36: {  	p1 =	seq.s32 s10, $0x1;
	s10 =	sld [smem:$0x3FB4];
	_ =	sdelay $0x3  }
0x37: {  	[smem:$0x3FB4] =	sst s10  }
0x38: {  	s10 =	sld [smem:$0x3FB5]  }
0x39: {  	_ = 	snop;
	(pc) =	sbr.ind lr, $3  }
0x3a: {  	_ = 	snop  }
0x3b: {  	_ = 	snop  }
0x3c: {  	p2 =	seq.s32 s10, $0x1;
	s10 =	sld [smem:$0x3FB4]  }
0x3d: {  	_ =	shalt  }
0x3e: {  	_ =	shalt  }
0x3f: {  	_ =	shalt  }
0x40: {  	_ =	shalt  }
0x41: {  	_ =	shalt  }
0x42: {  	_ =	shalt  }
0x43: {  	_ =	shalt  }
0x44: {  	_ =	shalt  }
0x45: {  	_ =	shalt  }
0x46: {  	_ =	shalt  }
0x47: {  	_ =	shalt  }
0x48: {  	_ =	shalt  }
0x49: {  	_ =	shalt  }
0x4a: {  	_ =	shalt  }
0x4b: {  	_ =	shalt  }
0x4c: {  	_ =	shalt  }
0x4d: {  	_ =	shalt  }
0x4e: {  	_ =	shalt  }
0x4f: {  	_ =	shalt  }
0x50: {  	_ =	shalt  }
0x51: {  	_ =	shalt  }
0x52: {  	_ =	shalt  }
0x53: {  	_ =	shalt  }
0x54: {  	_ =	shalt  }
0x55: {  	_ =	shalt  }
0x56: {  	_ =	shalt  }
0x57: {  	_ =	shalt  }
0x58: {  	_ =	shalt  }
0x59: {  	_ =	shalt  }
0x5a: {  	_ =	shalt  }
0x5b: {  	_ =	shalt  }
0x5c: {  	_ =	shalt  }
0x5d: {  	_ =	shalt  }
0x5e: {  	_ =	shalt  }
0x5f: {  	_ =	shalt  }
0x60: {  	_ =	shalt  }
0x61: {  	_ =	shalt  }
0x62: {  	_ =	shalt  }
0x63: {  	_ =	shalt  }
0x64: {  	_ =	shalt  }
0x65: {  	_ =	shalt  }
0x66: {  	_ =	shalt  }
0x67: {  	_ =	shalt  }
0x68: {  	_ =	shalt  }
0x69: {  	_ =	shalt  }
0x6a: {  	_ =	shalt  }
0x6b: {  	_ =	shalt  }
0x6c: {  	_ =	shalt  }
0x6d: {  	_ =	shalt  }
0x6e: {  	_ =	shalt  }
0x6f: {  	_ =	shalt  }
0x70: {  	_ =	shalt  }
0x71: {  	_ =	shalt  }
0x72: {  	_ =	shalt  }
0x73: {  	_ =	shalt  }
0x74: {  	_ =	shalt  }
0x75: {  	_ =	shalt  }
0x76: {  	_ =	shalt  }
0x77: {  	_ =	shalt  }
0x78: {  	_ =	shalt  }
0x79: {  	_ =	shalt  }
0x7a: {  	_ =	shalt  }
0x7b: {  	_ =	shalt  }
0x7c: {  	_ =	shalt  }
0x7d: {  	_ =	shalt  }
0x7e: {  	_ =	shalt  }
0x7f: {  	_ =	shalt  }
0x80: {  	_ =	shalt  }
0x81: {  	_ =	shalt  }
0x82: {  	_ =	shalt  }
0x83: {  	_ =	shalt  }
0x84: {  	_ =	shalt  }
0x85: {  	_ =	shalt  }
0x86: {  	_ =	shalt  }
0x87: {  	_ =	shalt  }
.Lfunc_end0:
.L_simem_size_0:
called_computation.2_lowered:
.L_overlay_start_0:
0x88: {  	s2 =	sld [smem:$0x3FD9]  }
0x89: {  	s3 =	sld [smem:$0x3FFE];
	_ =	sdelay $0x1  }
0x8a: {  	s1 =	srdreg.scid  }
0x8b: {  	s0 =	sand.u32 $0x1, s1  }
0x8c: {  	s14 =	sshll.u32 s0, $0xA;
	s2 =	sadd.s32 s3, s2  }
0x8d: {  	s2 =	sadd.s32 s2, s14  }
0x8e: {  	[smem:$0x3FC0] =	sst s2  }
0x8f: {  	_ = 	snop  }
0x90: {  	s2 =	sld [smem:$0x3FD0];
	_ =	sdelay $0x2  }
0x91: {  	s15 =	simm.s32 $0xA;
	s4 =	simm.s32 $0x10  }
0x92: {  	[smem:s4], [sflag:s15] =	dma.local [hbm:s2], $0x1  }
0x93: {  	_ =	swait.eq [sflag:s15], $0x1  }
0x94: {  	[sflag:s15] =	ssyncset.done $0x0  }
0x95: {  	s16 =	sld [smem:$0x10];
	[sflag:s15] =	ssyncadd.s32 $0xFFFFFFFF  }
0x96: {  	s17 =	sld [smem:$0x11];
	(tm) =	ssettm $0x1  }
0x97: {  	s18 =	sld [smem:$0x3FFB];
	_ =	sdelay $0x3  }
0x98: {  	_ =	strace s18  }
0x99: {  	s4 =	sld [smem:$0x3FFC];
	_ =	sdelay $0x3  }
0x9a: {  	_ =	strace s4  }
0x9b: {  	s4 =	sld [smem:$0x3FFD];
	_ =	sdelay $0x3  }
0x9c: {  	_ =	strace s4  }
0x9d: {  	_ =	strace $0x8FFFFFFF  }
0x9e: {  	s19 =	sld [smem:$0x3FDB];
	_ =	sdelay $0x1  }
0x9f: {  	s5 =	simm.s32 $_scs_section_size  }
0xa0: {  	s6 =	simm.s32 $_size__tile_overlayer_lowered;
	s7 =	simm.s32 $_tile_overlayer_lowered  }
0xa1: {  	s22 =	simm.s32 $0x1BFF;
	s21 =	sshll.u32 s7, $0x1;
	s4 =	sadd.s32 s5, s19  }
0xa2: {  	s8 =	simm.s32 $0x0;
	s20 =	sshll.u32 s6, $0x1;
	s6 =	sadd.s32 s21, s4  }
0xa3: {  	[timem:s8], [sflag:s22] =	dma.local [hbm:s6], s20  }
0xa4: {  	_ =	swait.ge [sflag:s22], s20  }
0xa5: {  	s5 =	ssub.s32 $0x0, s20;
	[sflag:s22] =	ssyncset.done $0x0  }
0xa6: {  	[sflag:s22] =	ssyncadd.s32 s5;
	_ =	sdelay $0x1  }
0xa7: {  	s23 =	simm.s32 $0x1B8B  }
0xa8: {  	_ =	swait.ge [sflag:s23], $0x1  }
0xa9: {  	[sflag:s23] =	ssyncset.done $0x0  }
0xaa: {  	s25 =	simm.s32 $0x1B8E;
	s24 =	sld [smem:$0x3FFE];
	[sflag:s23] =	ssyncadd.s32 $0xFFFFFFFF  }
0xab: {  	s26 =	simm.s32 $execute0_lowered;
	[smem:$0x3FD2] =	sst s25  }
0xac: {  	s6 =	sshll.u32 s26, $0x1;
	_ =	strace $0x8000004C;
	[dreg:$0x1] =	wrdreg $0xFFFFFFFF  }
0xad: {  	s28 =	simm.s32 $_size_execute0_lowered;
	s4 =	sadd.s32 s4, s6;
	[dreg:$0x0] =	wrdreg $0x0  }
0xae: {  	s6 =	sshll.u32 s28, $0x1;
	[dreg:$0x2] =	wrdreg s4  }
0xaf: {  	[dreg:$0x3] =	wrdreg s6  }
0xb0: {  	[dreg:$0x4] =	wrdreg $0xC0  }
0xb1: {  	_ =	task [dreg:s8], $0x5FFFF  }
0xb2: {  	[dreg:$0x1] =	wrdreg $0xFFFFFFFF  }
0xb3: {  	[dreg:$0x0] =	wrdreg $0x60  }
0xb4: {  	[dreg:$0x2] =	wrdreg s17  }
0xb5: {  	[dreg:$0x3] =	wrdreg s16  }
0xb6: {  	[dreg:$0x4] =	wrdreg s24  }
0xb7: {  	[dreg:$0x5] =	wrdreg $0x41000  }
0xb8: {  	[dreg:$0x6] =	wrdreg $0x9  }
0xb9: {  	_ =	task.clear_ibuf [dreg:s8], $0x7FFFF;
	_ =	strace $0x9000004C  }
0xba: {  	s29 =	simm.s32 $0x9;
	_ =	strace $0x8000004E  }
0xbb: {  	_ =	swait.ge [sflag:s29], $0x1  }
0xbc: {  	[sflag:s29] =	ssyncadd.s32 $0xFFFFFFFF  }
0xbd: {  	_ =	strace $0x9000004E  }
0xbe: {  	_ =	sfence  }
0xbf: {  	s30 =	sld [smem:$0x0];
	_ =	sdelay $0x2  }
0xc0: {  	s31 =	sshll.u32 s1, $0xD;
	s1 =	sshrl.u32 s1, $0x2  }
0xc1: {  	s3 =	sand.u32 $0x4000, s31;
	s1 =	sadd.s32 s1, s30  }
0xc2: {  	s0 =	sor.u32 s3, s0;
	s1 =	sshll.u32 s1, $0x11  }
0xc3: {  	s0 =	sor.u32 s1, s0  }
0xc4: {  	s0 =	sadd.s32 $0x8F2B, s0  }
0xc5: {  	[sflag:s0] =	ssyncadd.remote.s32 $0x1  }
0xc6: {  	_ =	sfence.sel $0xFFFF  }
0xc7: {  	[dreg:$0x0] =	wrdreg $0xFFFFFFFF;
	(pc) =	sbr.abs _section_cstart, $3  }
0xc8: {  	[dreg:$0x1] =	wrdreg $0xFFFFFFFF  }
0xc9: {  	_ =	task.clear_ibuf [dreg:s8], $0x2FFFF;
	_ =	strace $0x9FFFFFFF  }
0xca: {  	(tm) =	ssettm $0x7FFFFFFF  }
0xcb: {  	_ =	shalt  }
tec
execute0_lowered:
.L_overlay_start_1:
0x0: {  	(tag) =	ssettag $0x1  }
0x1: {  	s22 =	rddreg [dreg:$0x0]  }
0x2: {  	s20 =	rddreg [dreg:$0x1]  }
0x3: {  	s5 =	rddreg [dreg:$0x2];
	s0 =	stileid.u32  }
0x4: {  	s2 =	rddreg [dreg:$0x3];
	s3 =	simm.s32 $0x0;
	s12 =	smul.u32 $0x278, s0  }
0x5: {  	s4 =	srdreg.scid;
	s28 =	simm.s32 $0x0;
	s15 =	smul.u32 $0x13C00, s0  }
0x6: {  	[smem:$0x7FF] =	sst s3;
	s18 =	sand.u32 $0x1, s4;
	s8 =	smul.u32 $0x4F000, s0  }
0x7: {  	s4 =	sadd.s32 $0x1E00, s5;
	s19 =	sadd.s32 $0x29600, s5;
	s25 =	smul.u32 $0x13C000, s18  }
0x8: {  	_ =	strace $0x8000004D;
	s6 =	ssub.s32 $0x2, s18;
	s1 =	smul.u32 $0x5000, s18  }
0x9: {  	s7 =	sshrl.u32 s6, $0x1;
	s26 =	sshrl.u32 s15, $0x3;
	s29 =	sshrl.u32 s8, $0x2  }
0xa: {  	s30 =	sadd.s32 $0x80, s12;
	s9 =	sadd.s32 $0x100, s12;
	s11 =	sadd.s32 $0x180, s12  }
0xb: {  	s12 =	sadd.s32 $0x200, s12;
	s21 =	ssub.s32 s6, s7;
	s5 =	sadd.s32 s4, s26  }
0xc: {  	s6 =	sadd.s32 s29, s2;
	s16 =	sshll.u32 s30, $0x7;
	s7 =	sshll.u32 s30, $0x4  }
0xd: {  	s17 =	sshll.u32 s9, $0x7;
	s9 =	sshll.u32 s9, $0x4;
	s13 =	sshll.u32 s11, $0x4  }
0xe: {  	s23 =	sshll.u32 s11, $0x7;
	s24 =	sshll.u32 s12, $0x7;
	s31 =	sshll.u32 s12, $0x4  }
0xf: {  	s15 =	sadd.s32 s15, s25;
	s30 =	smul.u32 $0x500, s0;
	s22 =	sadd.s32 s1, s22  }
0x10: {  	s7 =	sadd.s32 s4, s7;
	s8 =	sadd.s32 s16, s2;
	s9 =	sadd.s32 s4, s9  }
0x11: {  	s10 =	sadd.s32 s17, s2;
	s11 =	sadd.s32 s4, s13;
	s12 =	sadd.s32 s23, s2  }
0x12: {  	s13 =	sadd.s32 s4, s31;
	s14 =	sadd.s32 s24, s2;
	s16 =	sadd.s32 s25, s16  }
0x13: {  	s17 =	sadd.s32 s25, s17;
	s15 =	sshrl.u32 s15, $0x3;
	s23 =	sadd.s32 s25, s23  }
0x14: {  	s24 =	sadd.s32 s25, s24;
	s31 =	sadd.s32 s1, s20;
	s20 =	smax.u32 s21, $0x1  }
0x15: {  	s25 =	simm.s32 $0x80;
	s16 =	sshrl.u32 s16, $0x3;
	s17 =	sshrl.u32 s17, $0x3  }
0x16: {  	s15 =	sadd.s32 s19, s15;
	s26 =	sshrl.u32 s23, $0x3;
	s29 =	sshrl.u32 s24, $0x3  }
0x17: {  	s21 =	sadd.s32 s30, s31;
	s22 =	sadd.s32 s30, s22;
	s23 =	simm.s32 $0x100  }
0x18: {  	s24 =	simm.s32 $0x2;
	s16 =	sadd.s32 s19, s16;
	s17 =	sadd.s32 s19, s17  }
0x19: {  	s18 =	sadd.s32 s19, s26;
	s19 =	sadd.s32 s19, s29;
	s26 =	simm.s32 $0x1  }
.LBB2_1:
0x1a: {  	[tilespmem:s23], [sflag:$0x2] =	stream.linear.gather [hbm4b:s5+s3], $0x4000, $0x38;
	[tilespmem:$0x17D00] =	vst v63  }
0x1b: {  	_ =	swait.ge [sflag:s24], $0x4000  }
0x1c: {  	[sflag:s24] =	ssyncset.done $0x0  }
0x1d: {  	[sflag:s24] =	ssyncadd.s32 $0xFFFFC000  }
0x1e: {  	[spmem:s6] =	stream.linear.scatter [tilespmem:s23], [sflag:$0x2], $0x4000, $0x38;
	[tilespmem:$0x17D00] =	vst v63  }
0x1f: {  	_ =	swait.ge [sflag:s24], $0x4000  }
0x20: {  	[sflag:s24] =	ssyncset.done $0x0  }
0x21: {  	[sflag:s24] =	ssyncadd.s32 $0xFFFFC000  }
0x22: {  	[tilespmem:s23], [sflag:$0x2] =	stream.linear.gather [hbm4b:s7+s3], $0x4000, $0x38;
	[tilespmem:$0x17D00] =	vst v63  }
0x23: {  	_ =	swait.ge [sflag:s24], $0x4000  }
0x24: {  	[sflag:s24] =	ssyncset.done $0x0  }
0x25: {  	[sflag:s24] =	ssyncadd.s32 $0xFFFFC000  }
0x26: {  	[spmem:s8] =	stream.linear.scatter [tilespmem:s23], [sflag:$0x2], $0x4000, $0x38;
	[tilespmem:$0x17D00] =	vst v63  }
0x27: {  	_ =	swait.ge [sflag:s24], $0x4000  }
0x28: {  	[sflag:s24] =	ssyncset.done $0x0  }
0x29: {  	[sflag:s24] =	ssyncadd.s32 $0xFFFFC000  }
0x2a: {  	[tilespmem:s23], [sflag:$0x2] =	stream.linear.gather [hbm4b:s9+s3], $0x4000, $0x38;
	[tilespmem:$0x17D00] =	vst v63  }
0x2b: {  	_ =	swait.ge [sflag:s24], $0x4000  }
0x2c: {  	[sflag:s24] =	ssyncset.done $0x0  }
0x2d: {  	[sflag:s24] =	ssyncadd.s32 $0xFFFFC000  }
0x2e: {  	[spmem:s10] =	stream.linear.scatter [tilespmem:s23], [sflag:$0x2], $0x4000, $0x38;
	[tilespmem:$0x17D00] =	vst v63  }
0x2f: {  	_ =	swait.ge [sflag:s24], $0x4000  }
0x30: {  	[sflag:s24] =	ssyncset.done $0x0  }
0x31: {  	[sflag:s24] =	ssyncadd.s32 $0xFFFFC000  }
0x32: {  	[tilespmem:s23], [sflag:$0x2] =	stream.linear.gather [hbm4b:s11+s3], $0x4000, $0x38;
	[tilespmem:$0x17D00] =	vst v63  }
0x33: {  	_ =	swait.ge [sflag:s24], $0x4000  }
0x34: {  	[sflag:s24] =	ssyncset.done $0x0  }
0x35: {  	[sflag:s24] =	ssyncadd.s32 $0xFFFFC000  }
0x36: {  	[spmem:s12] =	stream.linear.scatter [tilespmem:s23], [sflag:$0x2], $0x4000, $0x38;
	[tilespmem:$0x17D00] =	vst v63  }
0x37: {  	_ =	swait.ge [sflag:s24], $0x4000  }
0x38: {  	[sflag:s24] =	ssyncset.done $0x0  }
0x39: {  	[sflag:s24] =	ssyncadd.s32 $0xFFFFC000  }
0x3a: {  	[tilespmem:s23], [sflag:$0x2] =	stream.linear.gather [hbm4b:s13+s3], $0x3C00, $0x38;
	[tilespmem:$0x17D00] =	vst v63  }
0x3b: {  	_ =	swait.ge [sflag:s24], $0x3C00  }
0x3c: {  	[sflag:s24] =	ssyncset.done $0x0  }
0x3d: {  	[sflag:s24] =	ssyncadd.s32 $0xFFFFC400  }
0x3e: {  	[spmem:s14] =	stream.linear.scatter [tilespmem:s23], [sflag:$0x2], $0x3C00, $0x38;
	[tilespmem:$0x17D00] =	vst v63  }
0x3f: {  	_ =	swait.ge [sflag:s24], $0x3C00  }
0x40: {  	[sflag:s24] =	ssyncset.done $0x0  }
0x41: {  	[sflag:s24] =	ssyncadd.s32 $0xFFFFC400  }
0x42: {  	s29 =	sadd.s32 $0x0, s22;
	[bflag:$0x0] =	sbarrier.arrive $0xFFFF  }
0x43: {  	[tilespmem:s3], [sflag:$0x2] =	stream.linear.gather [hbm4b:s29+s3], $0x80, $0x38;
	[tilespmem:$0x17D00] =	vst v63  }
0x44: {  	_ =	swait.ge [sflag:s24], $0x80  }
0x45: {  	[sflag:s24] =	ssyncset.done $0x0  }
0x46: {  	s29 =	sadd.s32 $0x0, s21;
	[sflag:s24] =	ssyncadd.s32 $0xFFFFFF80  }
0x47: {  	[tilespmem:s25], [sflag:$0x2] =	stream.linear.gather [hbm4b:s29+s3], $0x80, $0x38;
	[tilespmem:$0x17D00] =	vst v63  }
0x48: {  	_ =	swait.ge [sflag:s24], $0x80  }
0x49: {  	[sflag:s24] =	ssyncset.done $0x0  }
0x4a: {  	[sflag:s24] =	ssyncadd.s32 $0xFFFFFF80  }
0x4b: {  	[tilespmem:s23], [sflag:$0x1] =	stream.indirect.gather [hbm4b:s4+s25], $0x80, s3, s25, $0xb8;
	[tilespmem:$0x17D00] =	vst v63  }
0x4c: {  	_ =	swait.ge [sflag:s26], $0x4000  }
0x4d: {  	[sflag:s26] =	ssyncset.done $0x0  }
0x4e: {  	[sflag:s26] =	ssyncadd.s32 $0xFFFFC000  }
0x4f: {  	[spmem:s2] =	stream.indirect.scatter.add.f32 [tilespmem:s23], [sflag:$0x2], $0x80, s25, s25, $0xb8;
	[tilespmem:$0x17D00] =	vst v63  }
0x50: {  	_ =	swait.ge [sflag:s24], $0x4000  }
0x51: {  	s30 =	simm.s32 $0x20;
	s29 =	simm.s32 $0x10;
	[sflag:s24] =	ssyncset.done $0x0  }
.LBB2_2:
0x52: {  	s31 =	sadd.s32 s29, s22  }
0x53: {  	[sflag:s24] =	ssyncadd.s32 $0xFFFFC000;
	s0 =	smov.u32 s30;
	s1 =	sadd.s32 $0x10, s30  }
0x54: {  	[tilespmem:s3], [sflag:$0x2] =	stream.linear.gather [hbm4b:s31+s3], $0x80, $0x38;
	[tilespmem:$0x17D00] =	vst v63  }
0x55: {  	p0 =	sne.s32 s30, $0x4F0;
	_ =	swait.ge [sflag:s24], $0x80  }
0x56: {  	[sflag:s24] =	ssyncset.done $0x0  }
0x57: {  	s30 =	sadd.s32 s29, s21;
	s29 =	smov.u32 s0;
	[sflag:s24] =	ssyncadd.s32 $0xFFFFFF80  }
0x58: {  	[tilespmem:s25], [sflag:$0x2] =	stream.linear.gather [hbm4b:s30+s3], $0x80, $0x38;
	[tilespmem:$0x17D00] =	vst v63  }
0x59: {  	_ =	swait.ge [sflag:s24], $0x80  }
0x5a: {  	[sflag:s24] =	ssyncset.done $0x0  }
0x5b: {  	[sflag:s24] =	ssyncadd.s32 $0xFFFFFF80  }
0x5c: {  	[tilespmem:s23], [sflag:$0x1] =	stream.indirect.gather [hbm4b:s4+s25], $0x80, s3, s25, $0xb8;
	[tilespmem:$0x17D00] =	vst v63  }
0x5d: {  	_ =	swait.ge [sflag:s26], $0x4000  }
.Ltmp0:
0x5e: {  	[sflag:s26] =	ssyncset.done $0x0;
	(pc) =	sbr.rel @p0 .LBB2_2-.Ltmp0, $4  }
0x5f: {  	[sflag:s26] =	ssyncadd.s32 $0xFFFFC000  }
0x60: {  	[spmem:s2] =	stream.indirect.scatter.add.f32 [tilespmem:s23], [sflag:$0x2], $0x80, s25, s25, $0xb8;
	[tilespmem:$0x17D00] =	vst v63  }
0x61: {  	_ =	swait.ge [sflag:s24], $0x4000  }
0x62: {  	s30 =	smov.u32 s1;
	[sflag:s24] =	ssyncset.done $0x0  }
0x63: {  	s0 =	sadd.s32 s29, s22;
	[sflag:s24] =	ssyncadd.s32 $0xFFFFC000  }
0x64: {  	[tilespmem:s3], [sflag:$0x2] =	stream.linear.gather [hbm4b:s0+s3], $0x80, $0x38;
	[tilespmem:$0x17D00] =	vst v63  }
0x65: {  	_ =	swait.ge [sflag:s24], $0x80  }
0x66: {  	[sflag:s24] =	ssyncset.done $0x0  }
0x67: {  	s31 =	sadd.s32 s29, s21;
	[sflag:s24] =	ssyncadd.s32 $0xFFFFFF80  }
0x68: {  	[tilespmem:s25], [sflag:$0x2] =	stream.linear.gather [hbm4b:s31+s3], $0x80, $0x38;
	[tilespmem:$0x17D00] =	vst v63  }
0x69: {  	_ =	swait.ge [sflag:s24], $0x80  }
0x6a: {  	[sflag:s24] =	ssyncset.done $0x0  }
0x6b: {  	[sflag:s24] =	ssyncadd.s32 $0xFFFFFF80  }
0x6c: {  	[tilespmem:s23], [sflag:$0x1] =	stream.indirect.gather [hbm4b:s4+s25], $0x80, s3, s25, $0xb8;
	[tilespmem:$0x17D00] =	vst v63  }
0x6d: {  	_ =	swait.ge [sflag:s26], $0x4000  }
0x6e: {  	[sflag:s26] =	ssyncset.done $0x0  }
0x6f: {  	[sflag:s26] =	ssyncadd.s32 $0xFFFFC000  }
0x70: {  	[spmem:s2] =	stream.indirect.scatter.add.f32 [tilespmem:s23], [sflag:$0x2], $0x80, s25, s25, $0xb8;
	[tilespmem:$0x17D00] =	vst v63  }
0x71: {  	_ =	swait.ge [sflag:s24], $0x4000  }
0x72: {  	[sflag:s24] =	ssyncset.done $0x0  }
0x73: {  	[sflag:s24] =	ssyncadd.s32 $0xFFFFC000  }
0x74: {  	[bflag:$0x0] =	sbarrier.arrive $0xFFFF  }
0x75: {  	[tilespmem:s23], [sflag:$0x2] =	stream.linear.gather [spmem:s6], $0x4000, $0x38;
	[tilespmem:$0x17D00] =	vst v63  }
0x76: {  	_ =	swait.ge [sflag:s24], $0x4000  }
0x77: {  	[sflag:s24] =	ssyncset.done $0x0  }
0x78: {  	[sflag:s24] =	ssyncadd.s32 $0xFFFFC000  }
0x79: {  	[hbm4b:s15+s3] =	stream.linear.scatter [tilespmem:s23], [sflag:$0x2], $0x4000, $0x38;
	[tilespmem:$0x17D00] =	vst v63  }
0x7a: {  	_ =	swait.ge [sflag:s24], $0x4000  }
0x7b: {  	[sflag:s24] =	ssyncset.done $0x0  }
0x7c: {  	[sflag:s24] =	ssyncadd.s32 $0xFFFFC000  }
0x7d: {  	[tilespmem:s23], [sflag:$0x2] =	stream.linear.gather [spmem:s8], $0x4000, $0x38;
	[tilespmem:$0x17D00] =	vst v63  }
0x7e: {  	_ =	swait.ge [sflag:s24], $0x4000  }
0x7f: {  	[sflag:s24] =	ssyncset.done $0x0  }
0x80: {  	[sflag:s24] =	ssyncadd.s32 $0xFFFFC000  }
0x81: {  	[hbm4b:s16+s3] =	stream.linear.scatter [tilespmem:s23], [sflag:$0x2], $0x4000, $0x38;
	[tilespmem:$0x17D00] =	vst v63  }
0x82: {  	_ =	swait.ge [sflag:s24], $0x4000  }
0x83: {  	[sflag:s24] =	ssyncset.done $0x0  }
0x84: {  	[sflag:s24] =	ssyncadd.s32 $0xFFFFC000  }
0x85: {  	[tilespmem:s23], [sflag:$0x2] =	stream.linear.gather [spmem:s10], $0x4000, $0x38;
	[tilespmem:$0x17D00] =	vst v63  }
0x86: {  	_ =	swait.ge [sflag:s24], $0x4000  }
0x87: {  	[sflag:s24] =	ssyncset.done $0x0  }
0x88: {  	[sflag:s24] =	ssyncadd.s32 $0xFFFFC000  }
0x89: {  	[hbm4b:s17+s3] =	stream.linear.scatter [tilespmem:s23], [sflag:$0x2], $0x4000, $0x38;
	[tilespmem:$0x17D00] =	vst v63  }
0x8a: {  	_ =	swait.ge [sflag:s24], $0x4000  }
0x8b: {  	[sflag:s24] =	ssyncset.done $0x0  }
0x8c: {  	[sflag:s24] =	ssyncadd.s32 $0xFFFFC000  }
0x8d: {  	[tilespmem:s23], [sflag:$0x2] =	stream.linear.gather [spmem:s12], $0x4000, $0x38;
	[tilespmem:$0x17D00] =	vst v63  }
0x8e: {  	_ =	swait.ge [sflag:s24], $0x4000  }
0x8f: {  	[sflag:s24] =	ssyncset.done $0x0  }
0x90: {  	[sflag:s24] =	ssyncadd.s32 $0xFFFFC000  }
0x91: {  	[hbm4b:s18+s3] =	stream.linear.scatter [tilespmem:s23], [sflag:$0x2], $0x4000, $0x38;
	[tilespmem:$0x17D00] =	vst v63  }
0x92: {  	_ =	swait.ge [sflag:s24], $0x4000  }
0x93: {  	[sflag:s24] =	ssyncset.done $0x0  }
0x94: {  	[sflag:s24] =	ssyncadd.s32 $0xFFFFC000  }
0x95: {  	[tilespmem:s23], [sflag:$0x2] =	stream.linear.gather [spmem:s14], $0x3C00, $0x38;
	[tilespmem:$0x17D00] =	vst v63  }
0x96: {  	s28 =	sadd.s32 $0x1, s28;
	_ =	swait.ge [sflag:s24], $0x3C00  }
0x97: {  	p0 =	sne.s32 s28, s20;
	[sflag:s24] =	ssyncset.done $0x0  }
.Ltmp1:
0x98: {  	[sflag:s24] =	ssyncadd.s32 $0xFFFFC400;
	(pc) =	sbr.rel @p0 .LBB2_1-.Ltmp1, $4  }
0x99: {  	[hbm4b:s19+s3] =	stream.linear.scatter [tilespmem:s23], [sflag:$0x2], $0x3C00, $0x38;
	[tilespmem:$0x17D00] =	vst v63  }
0x9a: {  	_ =	swait.ge [sflag:s24], $0x3C00  }
0x9b: {  	[sflag:s24] =	ssyncset.done $0x0  }
0x9c: {  	[sflag:s24] =	ssyncadd.s32 $0xFFFFC400  }
0x9d: {  	_ =	sfence.sel $0x180000  }
0x9e: {  	[bflag:$0x0] =	sbarrier.arrive $0xFFFF  }
0x9f: {  	_ =	strace $0x9000004D  }
0xa0: {  	s0 =	stileid.u32;
	[bflag:$0x2] =	sbarrier.arrive $0xFFFF  }
0xa1: {  	p0 =	sne.s32 s0, $0x0;
	s0 =	rddreg [dreg:$0x4]  }
0xa2: {  	s0 =	sadd.s32 @!p0 $0x100000, s0  }
0xa3: {  	[sflag:s0] =	ssyncadd.tile.s32 @!p0 $0x1;
	_ =	shalt  }
.Lfunc_end2:
_tile_overlayer_lowered:
.L_overlay_start_2:
0xa4: {  	(tag) =	ssettag $0x2  }
0xa5: {  	s0 =	rddreg [dreg:$0x0];
	s2 =	stileid.u32  }
0xa6: {  	s1 =	rddreg [dreg:$0x1];
	p0 =	sne.s32 s2, $0x0  }
0xa7: {  	s3 =	rddreg [dreg:$0x2];
	[bflag:$0x3] =	sbarrier.arrive $0xFFFF;
	s2 =	simm.s32 @!p0 $0x1C02  }
0xa8: {  	[timem:s3], [sflag:s2] =	dma.local @!p0 [hbm:s0], s1  }
0xa9: {  	s0 =	simm.s32 @!p0 $0x2  }
0xaa: {  	_ =	swait.ge @!p0 [sflag:s0], s1  }
0xab: {  	s1 =	ssub.s32 @!p0 $0x0, s1;
	[sflag:s0] =	ssyncset.done @!p0 $0x0  }
0xac: {  	[sflag:s0] =	ssyncadd.s32 @!p0 s1  }
0xad: {  	[bflag:$0x3] =	sbarrier.arrive $0xFFFF  }
0xae: {  	_ =	shalt  }

// kernel: kernel.8.cloned.1.call-start
scs
__scs_entry_jumppad:
0x0: {  	(pc) =	sbr.rel $0x88, $3  }
0x1: {  	(tag) =	ssettag $0x0;
	lr =	simm.s32 $0x1  }
0x2: {  	[smem:$0x3F99] =	sst lr;
	_ =	strace $0xD0000000  }
0x3: {  	_ = 	snop  }
0x4: {  	_ = 	snop  }
0x5: {  	_ = 	snop  }
0x6: {  	_ = 	snop  }
0x7: {  	_ = 	snop  }
__scs_overlays_trampoline_lowered:
0x8: {  	[smem:$0x3FA8] =	sst s0  }
0x9: {  	[smem:$0x3FA9] =	sst s1  }
0xa: {  	[smem:$0x3FAA] =	sst s2  }
0xb: {  	[smem:$0x3FAB] =	sst s3  }
0xc: {  	[smem:$0x3FAC] =	sst s4  }
0xd: {  	[smem:$0x3FAD] =	sst s5  }
0xe: {  	[smem:$0x3FAE] =	sst s6  }
0xf: {  	[smem:$0x3FAF] =	sst s7  }
0x10: {  	[smem:$0x3FB0] =	sst s8  }
0x11: {  	[smem:$0x3FB1] =	sst s9;
	s0 =	simm.s32 @!p0 $0x0  }
0x12: {  	s1 =	sld [smem:$0x3F97];
	s0 =	simm.s32 @p0 $0x1  }
0x13: {  	[smem:$0x3FB2] =	sst s0;
	s0 =	simm.s32 @!p1 $0x0  }
0x14: {  	s2 =	sld [smem:$0x3F96];
	s0 =	simm.s32 @p1 $0x1  }
0x15: {  	[smem:$0x3FB3] =	sst s0;
	s0 =	simm.s32 @!p2 $0x0  }
0x16: {  	s3 =	sld [smem:$0x3FDB];
	s0 =	simm.s32 @p2 $0x1  }
0x17: {  	s4 =	simm.s32 $0x1BF5;
	[smem:$0x3FB5] =	sst s0  }
0x18: {  	s0 =	sld [smem:$0x3F98];
	_ =	swait.ge [sflag:s4], $0x0  }
0x19: {  	s7 =	sld [smem:$0x3F99]  }
0x1a: {  	s8 =	sadd.s32 $0xFFFFE003, lr  }
0x1b: {  	s9 =	sadd.s32 $0xFFFFFEF7, lr;
	s5 =	simm.s32 $0xFFFFFFFF;
	p2 =	slt.u32 s8, $0xFFFFF086  }
0x1c: {  	p1 =	slt.u32 s9, $0xF7A;
	s5 =	simm.s32 @!p2 $0x0  }
0x1d: {  	s5 =	simm.s32 @p1 $0x1;
	p0 =	seq.s32 s7, s2  }
0x1e: {  	s7 =	smul.u32 @!p0 $0xF7A, s2;
	p2 =	seq.s32 @!p0 s5, $0x0  }
0x1f: {  	s9 =	smul.u32 $0xF7A, s1;
	s8 =	simm.s32 @!p0 $0x1BF5;
	p2 =	por !p2, p0  }
0x20: {  	[sflag:s8] =	ssyncset.s32 @!p0 $0xFFFFF086;
	s6 =	sadd.s32 @!p0 s3, s7;
	s7 =	simm.s32 @!p0 $0x108  }
0x21: {  	s3 =	sadd.s32 s3, s9;
	s6 =	sadd.s32 @!p0 $0x88, s6;
	s7 =	simm.s32 @p2 $0x1082  }
0x22: {  	[simem:s7], [sflag:s8] =	dma.local @!p0 [hbm:s6], $0xF7A  }
0x23: {  	s9 =	sor.u32 $0xD0000000, s2;
	s6 =	simm.s32 $0x108;
	_ =	swait.ge @!p0 [sflag:s8], $0x0  }
0x24: {  	s3 =	sadd.s32 $0x88, s3;
	s6 =	simm.s32 @!p1 $0x1082;
	[sflag:s4] =	ssyncset.s32 $0xFFFFF086  }
0x25: {  	[simem:s6], [sflag:s4] =	dma.local [hbm:s3], $0xF7A  }
0x26: {  	[smem:$0x3F99] =	sst s1;
	(tag) =	ssettag s2;
	_ =	strace s9  }
0x27: {  	s1 =	sld [smem:$0x3FA9]  }
0x28: {  	s2 =	sld [smem:$0x3FAA]  }
0x29: {  	s4 =	sld [smem:$0x3FAC]  }
0x2a: {  	p0 =	seq.s32 s5, $0x0;
	s5 =	sld [smem:$0x3FAD]  }
0x2b: {  	s6 =	sld [smem:$0x3FAE]  }
0x2c: {  	s7 =	sld [smem:$0x3FAF]  }
0x2d: {  	s3 =	simm.s32 $0x108;
	s8 =	sld [smem:$0x3FB0]  }
0x2e: {  	s3 =	simm.s32 @!p0 $0x1082;
	s9 =	sld [smem:$0x3FB1]  }
0x2f: {  	lr =	sadd.s32 s0, s3;
	s0 =	sld [smem:$0x3FA8]  }
0x30: {  	s3 =	sld [smem:$0x3FAB]  }
0x31: {  	[smem:$0x3FB4] =	sst s10  }
0x32: {  	s10 =	sld [smem:$0x3FB2];
	_ =	sdelay $0x3  }
0x33: {  	p0 =	seq.s32 s10, $0x1;
	s10 =	sld [smem:$0x3FB4];
	_ =	sdelay $0x3  }
0x34: {  	[smem:$0x3FB4] =	sst s10  }
0x35: {  	s10 =	sld [smem:$0x3FB3];
	_ =	sdelay $0x3  }
0x36: {  	p1 =	seq.s32 s10, $0x1;
	s10 =	sld [smem:$0x3FB4];
	_ =	sdelay $0x3  }
0x37: {  	[smem:$0x3FB4] =	sst s10  }
0x38: {  	s10 =	sld [smem:$0x3FB5]  }
0x39: {  	_ = 	snop;
	(pc) =	sbr.ind lr, $3  }
0x3a: {  	_ = 	snop  }
0x3b: {  	_ = 	snop  }
0x3c: {  	p2 =	seq.s32 s10, $0x1;
	s10 =	sld [smem:$0x3FB4]  }
0x3d: {  	_ =	shalt  }
0x3e: {  	_ =	shalt  }
0x3f: {  	_ =	shalt  }
0x40: {  	_ =	shalt  }
0x41: {  	_ =	shalt  }
0x42: {  	_ =	shalt  }
0x43: {  	_ =	shalt  }
0x44: {  	_ =	shalt  }
0x45: {  	_ =	shalt  }
0x46: {  	_ =	shalt  }
0x47: {  	_ =	shalt  }
0x48: {  	_ =	shalt  }
0x49: {  	_ =	shalt  }
0x4a: {  	_ =	shalt  }
0x4b: {  	_ =	shalt  }
0x4c: {  	_ =	shalt  }
0x4d: {  	_ =	shalt  }
0x4e: {  	_ =	shalt  }
0x4f: {  	_ =	shalt  }
0x50: {  	_ =	shalt  }
0x51: {  	_ =	shalt  }
0x52: {  	_ =	shalt  }
0x53: {  	_ =	shalt  }
0x54: {  	_ =	shalt  }
0x55: {  	_ =	shalt  }
0x56: {  	_ =	shalt  }
0x57: {  	_ =	shalt  }
0x58: {  	_ =	shalt  }
0x59: {  	_ =	shalt  }
0x5a: {  	_ =	shalt  }
0x5b: {  	_ =	shalt  }
0x5c: {  	_ =	shalt  }
0x5d: {  	_ =	shalt  }
0x5e: {  	_ =	shalt  }
0x5f: {  	_ =	shalt  }
0x60: {  	_ =	shalt  }
0x61: {  	_ =	shalt  }
0x62: {  	_ =	shalt  }
0x63: {  	_ =	shalt  }
0x64: {  	_ =	shalt  }
0x65: {  	_ =	shalt  }
0x66: {  	_ =	shalt  }
0x67: {  	_ =	shalt  }
0x68: {  	_ =	shalt  }
0x69: {  	_ =	shalt  }
0x6a: {  	_ =	shalt  }
0x6b: {  	_ =	shalt  }
0x6c: {  	_ =	shalt  }
0x6d: {  	_ =	shalt  }
0x6e: {  	_ =	shalt  }
0x6f: {  	_ =	shalt  }
0x70: {  	_ =	shalt  }
0x71: {  	_ =	shalt  }
0x72: {  	_ =	shalt  }
0x73: {  	_ =	shalt  }
0x74: {  	_ =	shalt  }
0x75: {  	_ =	shalt  }
0x76: {  	_ =	shalt  }
0x77: {  	_ =	shalt  }
0x78: {  	_ =	shalt  }
0x79: {  	_ =	shalt  }
0x7a: {  	_ =	shalt  }
0x7b: {  	_ =	shalt  }
0x7c: {  	_ =	shalt  }
0x7d: {  	_ =	shalt  }
0x7e: {  	_ =	shalt  }
0x7f: {  	_ =	shalt  }
0x80: {  	_ =	shalt  }
0x81: {  	_ =	shalt  }
0x82: {  	_ =	shalt  }
0x83: {  	_ =	shalt  }
0x84: {  	_ =	shalt  }
0x85: {  	_ =	shalt  }
0x86: {  	_ =	shalt  }
0x87: {  	_ =	shalt  }
.Lfunc_end0:
.L_simem_size_0:
called_computation_lowered:
.L_overlay_start_0:
0x88: {  	s2 =	sld [smem:$0x3FD9]  }
0x89: {  	s3 =	sld [smem:$0x3FFE];
	_ =	sdelay $0x1  }
0x8a: {  	s1 =	srdreg.scid  }
0x8b: {  	s0 =	sand.u32 $0x1, s1  }
0x8c: {  	s14 =	sshll.u32 s0, $0xA;
	s2 =	sadd.s32 s3, s2  }
0x8d: {  	s2 =	sadd.s32 s2, s14  }
0x8e: {  	[smem:$0x3FC0] =	sst s2  }
0x8f: {  	_ = 	snop  }
0x90: {  	s2 =	sld [smem:$0x3FD0];
	_ =	sdelay $0x2  }
0x91: {  	s15 =	simm.s32 $0xA;
	s4 =	simm.s32 $0x10  }
0x92: {  	[smem:s4], [sflag:s15] =	dma.local [hbm:s2], $0x1  }
0x93: {  	_ =	swait.eq [sflag:s15], $0x1  }
0x94: {  	[sflag:s15] =	ssyncset.done $0x0  }
0x95: {  	[sflag:s15] =	ssyncadd.s32 $0xFFFFFFFF  }
0x96: {  	s16 =	sld [smem:$0x10];
	(tm) =	ssettm $0x1  }
0x97: {  	s17 =	sld [smem:$0x3FFB];
	_ =	sdelay $0x3  }
0x98: {  	_ =	strace s17  }
0x99: {  	s3 =	sld [smem:$0x3FFC];
	_ =	sdelay $0x3  }
0x9a: {  	_ =	strace s3  }
0x9b: {  	s3 =	sld [smem:$0x3FFD];
	_ =	sdelay $0x3  }
0x9c: {  	_ =	strace s3  }
0x9d: {  	_ =	strace $0x8FFFFFFF  }
0x9e: {  	s18 =	sld [smem:$0x3FDB];
	_ =	sdelay $0x1  }
0x9f: {  	s19 =	simm.s32 $_scs_section_size  }
0xa0: {  	s5 =	simm.s32 $_size__tile_overlayer_lowered;
	s6 =	simm.s32 $_tile_overlayer_lowered  }
0xa1: {  	s22 =	simm.s32 $0x1BFF;
	s21 =	sshll.u32 s6, $0x1;
	s3 =	sadd.s32 s19, s18  }
0xa2: {  	s7 =	simm.s32 $0x0;
	s20 =	sshll.u32 s5, $0x1;
	s5 =	sadd.s32 s21, s3  }
0xa3: {  	[timem:s7], [sflag:s22] =	dma.local [hbm:s5], s20  }
0xa4: {  	_ =	swait.ge [sflag:s22], s20  }
0xa5: {  	s4 =	ssub.s32 $0x0, s20;
	[sflag:s22] =	ssyncset.done $0x0  }
0xa6: {  	[sflag:s22] =	ssyncadd.s32 s4;
	_ =	sdelay $0x1  }
0xa7: {  	s23 =	simm.s32 $0x1B8B  }
0xa8: {  	_ =	swait.ge [sflag:s23], $0x1  }
0xa9: {  	[sflag:s23] =	ssyncset.done $0x0  }
0xaa: {  	s25 =	simm.s32 $0x1B8E;
	s24 =	sld [smem:$0x3FFE];
	[sflag:s23] =	ssyncadd.s32 $0xFFFFFFFF  }
0xab: {  	s26 =	simm.s32 $execute0_lowered;
	[smem:$0x3FD2] =	sst s25  }
0xac: {  	s5 =	sshll.u32 s26, $0x1;
	_ =	strace $0x80000046;
	[dreg:$0x1] =	wrdreg $0xFFFFFFFF  }
0xad: {  	s28 =	simm.s32 $_size_execute0_lowered;
	s3 =	sadd.s32 s3, s5;
	[dreg:$0x0] =	wrdreg $0x0  }
0xae: {  	s5 =	sshll.u32 s28, $0x1;
	[dreg:$0x2] =	wrdreg s3  }
0xaf: {  	[dreg:$0x3] =	wrdreg s5  }
0xb0: {  	[dreg:$0x4] =	wrdreg $0xC0  }
0xb1: {  	_ =	task [dreg:s7], $0x5FFFF  }
0xb2: {  	[dreg:$0x1] =	wrdreg $0xFFFFFFFF  }
0xb3: {  	[dreg:$0x0] =	wrdreg $0x60  }
0xb4: {  	[dreg:$0x2] =	wrdreg s16  }
0xb5: {  	[dreg:$0x3] =	wrdreg s24  }
0xb6: {  	[dreg:$0x4] =	wrdreg $0x2B000  }
0xb7: {  	[dreg:$0x5] =	wrdreg $0x9  }
0xb8: {  	_ =	task.clear_ibuf [dreg:s7], $0x6FFFF;
	_ =	strace $0x90000046  }
0xb9: {  	s29 =	simm.s32 $0x9;
	_ =	strace $0x80000048  }
0xba: {  	_ =	swait.ge [sflag:s29], $0x1  }
0xbb: {  	[sflag:s29] =	ssyncadd.s32 $0xFFFFFFFF  }
0xbc: {  	_ =	strace $0x90000048  }
0xbd: {  	_ =	sfence  }
0xbe: {  	s30 =	sld [smem:$0x0];
	_ =	sdelay $0x2  }
0xbf: {  	s31 =	sshll.u32 s1, $0xD;
	s1 =	sshrl.u32 s1, $0x2  }
0xc0: {  	s3 =	sand.u32 $0x4000, s31;
	s1 =	sadd.s32 s1, s30  }
0xc1: {  	s0 =	sor.u32 s3, s0;
	s1 =	sshll.u32 s1, $0x11  }
0xc2: {  	s0 =	sor.u32 s1, s0  }
0xc3: {  	s0 =	sadd.s32 $0x8F2B, s0  }
0xc4: {  	[sflag:s0] =	ssyncadd.remote.s32 $0x1  }
0xc5: {  	_ =	sfence.sel $0xFFFF  }
0xc6: {  	[dreg:$0x0] =	wrdreg $0xFFFFFFFF;
	(pc) =	sbr.abs _section_cstart, $3  }
0xc7: {  	[dreg:$0x1] =	wrdreg $0xFFFFFFFF  }
0xc8: {  	_ =	task.clear_ibuf [dreg:s7], $0x2FFFF;
	_ =	strace $0x9FFFFFFF  }
0xc9: {  	(tm) =	ssettm $0x7FFFFFFF  }
tec
execute0_lowered:
.L_overlay_start_1:
0x0: {  	(tag) =	ssettag $0x1  }
0x1: {  	s4 =	rddreg [dreg:$0x0]  }
0x2: {  	s1 =	srdreg.scid;
	s5 =	rddreg [dreg:$0x1]  }
0x3: {  	s0 =	stileid.u32;
	s2 =	rddreg [dreg:$0x2]  }
0x4: {  	s3 =	simm.s32 $0x0;
	s11 =	simm.s32 $0x80;
	s12 =	simm.s32 $0x2800  }
0x5: {  	s13 =	simm.s32 $0x2;
	s6 =	sand.u32 $0x1, s1;
	s7 =	smul.u32 $0x278, s0  }
0x6: {  	s1 =	rddreg [dreg:$0x3];
	s8 =	smul.u32 $0x2780, s6;
	s9 =	sshll.u32 s6, $0x4  }
0x7: {  	s14 =	simm.s32 $0x0;
	[smem:$0x7FF] =	sst s3;
	s9 =	sor.u32 s0, s9  }
0x8: {  	s6 =	ssub.s32 $0x2, s6;
	s8 =	sadd.s32 s7, s8;
	s9 =	smul.u32 $0x500, s9  }
0x9: {  	_ =	strace $0x80000047;
	s31 =	sshrl.u32 s6, $0x1;
	s8 =	sshrl.u32 s8, $0x3  }
0xa: {  	s10 =	ssub.s32 s6, s31;
	s8 =	sadd.s32 s8, s5;
	s4 =	sadd.s32 s4, s9  }
0xb: {  	s5 =	sadd.s32 s7, s2;
	s7 =	smax.u32 s10, $0x1;
	s9 =	simm.s32 $0x3  }
0xc: {  	v0 =	vimm.f32 $1.000000000e+00;
	v1 =	vimm.f32 $0.0e+00;
	s10 =	simm.s32 $0x1;
	s6 =	sadd.s32 $0x1E00, s8;
	s8 =	simm.s32 $0x2880  }
.LBB2_1:
0xd: {  	[tilespmem:s3], [sflag:$0x1] =	stream.linear.gather [hbm4b:s4+s3], $0x2800, $0x38;
	[tilespmem:$0x2D78] =	vst v63  }
0xe: {  	[tilespmem:$0x2800] =	vst v0  }
0xf: {  	[tilespmem:$0x2810] =	vst v0  }
0x10: {  	[tilespmem:$0x2820] =	vst v0  }
0x11: {  	[tilespmem:$0x2830] =	vst v0  }
0x12: {  	[tilespmem:$0x2840] =	vst v0  }
0x13: {  	[tilespmem:$0x2850] =	vst v0  }
0x14: {  	[tilespmem:$0x2860] =	vst v0  }
0x15: {  	[tilespmem:$0x2870] =	vst v0  }
0x16: {  	[tilespmem:$0x2880] =	vst v1  }
0x17: {  	[tilespmem:$0x2890] =	vst v1  }
0x18: {  	[tilespmem:$0x28A0] =	vst v1  }
0x19: {  	[tilespmem:$0x28B0] =	vst v1  }
0x1a: {  	[tilespmem:$0x28C0] =	vst v1  }
0x1b: {  	[tilespmem:$0x28D0] =	vst v1  }
0x1c: {  	[tilespmem:$0x28E0] =	vst v1  }
0x1d: {  	[tilespmem:$0x28F0] =	vst v1  }
0x1e: {  	[tilespmem:$0x2900] =	vst v1  }
0x1f: {  	[tilespmem:$0x2910] =	vst v1  }
0x20: {  	[tilespmem:$0x2920] =	vst v1  }
0x21: {  	[tilespmem:$0x2930] =	vst v1  }
0x22: {  	[tilespmem:$0x2940] =	vst v1  }
0x23: {  	[tilespmem:$0x2950] =	vst v1  }
0x24: {  	[tilespmem:$0x2960] =	vst v1  }
0x25: {  	[tilespmem:$0x2970] =	vst v1  }
0x26: {  	[tilespmem:$0x2980] =	vst v1  }
0x27: {  	[tilespmem:$0x2990] =	vst v1  }
0x28: {  	[tilespmem:$0x29A0] =	vst v1  }
0x29: {  	[tilespmem:$0x29B0] =	vst v1  }
0x2a: {  	[tilespmem:$0x29C0] =	vst v1  }
0x2b: {  	[tilespmem:$0x29D0] =	vst v1  }
0x2c: {  	[tilespmem:$0x29E0] =	vst v1  }
0x2d: {  	[tilespmem:$0x29F0] =	vst v1  }
0x2e: {  	[tilespmem:$0x2A00] =	vst v1  }
0x2f: {  	[tilespmem:$0x2A10] =	vst v1  }
0x30: {  	[tilespmem:$0x2A20] =	vst v1  }
0x31: {  	[tilespmem:$0x2A30] =	vst v1  }
0x32: {  	[tilespmem:$0x2A40] =	vst v1  }
0x33: {  	[tilespmem:$0x2A50] =	vst v1  }
0x34: {  	[tilespmem:$0x2A60] =	vst v1  }
0x35: {  	[tilespmem:$0x2A70] =	vst v1  }
0x36: {  	[tilespmem:$0x2A80] =	vst v1  }
0x37: {  	[tilespmem:$0x2A90] =	vst v1  }
0x38: {  	[tilespmem:$0x2AA0] =	vst v1  }
0x39: {  	[tilespmem:$0x2AB0] =	vst v1  }
0x3a: {  	[tilespmem:$0x2AC0] =	vst v1  }
0x3b: {  	[tilespmem:$0x2AD0] =	vst v1  }
0x3c: {  	[tilespmem:$0x2AE0] =	vst v1  }
0x3d: {  	[tilespmem:$0x2AF0] =	vst v1  }
0x3e: {  	[spmem:s5] =	stream.linear.scatter [tilespmem:s8], [sflag:$0x3], $0x278, $0x38;
	[tilespmem:$0x2D78] =	vst v63  }
0x3f: {  	_ =	swait.ge [sflag:s9], $0x278  }
0x40: {  	[sflag:s9] =	ssyncset.done $0x0  }
0x41: {  	[sflag:s9] =	ssyncadd.s32 $0xFFFFFD88  }
0x42: {  	_ =	swait.ge [sflag:s10], $0x2800  }
0x43: {  	[sflag:s10] =	ssyncset.done $0x0  }
0x44: {  	[sflag:s10] =	ssyncadd.s32 $0xFFFFD800  }
0x45: {  	s15 =	simm.s32 $0x0;
	[bflag:$0x0] =	sbarrier.arrive $0xFFFF  }
.LBB2_2:
0x46: {  	p0 =	sne.s32 s15, $0x9E00  }
.Ltmp0:
0x47: {  	_ = 	snop;
	(pc) =	sbr.rel @p0 .LBB2_2-.Ltmp0, $3  }
0x48: {  	_ =	sdelay $0x1  }
0x49: {  	s16 =	sshra.s32 s15, $0x2;
	s15 =	sadd.s32 $0x200, s15  }
0x4a: {  	[spmem:s2] =	stream.indirect.scatter.add.f32 [tilespmem:s12], [sflag:$0x2], $0x1, s16, s11, $0xb8;
	[tilespmem:$0x2D78] =	vst v63  }
0x4b: {  	_ =	swait.ge [sflag:s13], $0x80  }
0x4c: {  	s15 =	simm.s32 $0x4F;
	[sflag:s13] =	ssyncset.done $0x0  }
.LBB2_4:
0x4d: {  	p0 =	sne.s32 s15, $0x1;
	s15 =	sadd.s32 $0xFFFFFFFF, s15;
	[sflag:s13] =	ssyncadd.s32 $0xFFFFFF80  }
.Ltmp1:
0x4e: {  	(pc) =	sbr.rel @p0 .LBB2_4-.Ltmp1, $3  }
0x4f: {  	_ =	sdelay $0x1  }
0x50: {  	_ =	swait.ge [sflag:s13], $0x80  }
0x51: {  	[sflag:s13] =	ssyncset.done $0x0  }
0x52: {  	[sflag:s13] =	ssyncadd.s32 $0xFFFFFF80  }
0x53: {  	[bflag:$0x0] =	sbarrier.arrive $0xFFFF  }
0x54: {  	[tilespmem:s8], [sflag:$0x3] =	stream.linear.gather [spmem:s5], $0x278, $0x38;
	[tilespmem:$0x2D78] =	vst v63  }
0x55: {  	s14 =	sadd.s32 $0x1, s14;
	_ =	swait.ge [sflag:s9], $0x278  }
0x56: {  	p0 =	sne.s32 s14, s7;
	[sflag:s9] =	ssyncset.done $0x0  }
.Ltmp2:
0x57: {  	[sflag:s9] =	ssyncadd.s32 $0xFFFFFD88;
	(pc) =	sbr.rel @p0 .LBB2_1-.Ltmp2, $4  }
0x58: {  	[hbm4b:s6+s3] =	stream.linear.scatter [tilespmem:s8], [sflag:$0x3], $0x278, $0x38;
	[tilespmem:$0x2D78] =	vst v63  }
0x59: {  	_ =	swait.ge [sflag:s9], $0x278  }
0x5a: {  	[sflag:s9] =	ssyncset.done $0x0  }
0x5b: {  	[sflag:s9] =	ssyncadd.s32 $0xFFFFFD88  }
0x5c: {  	_ =	sfence.sel $0x180000  }
0x5d: {  	[bflag:$0x0] =	sbarrier.arrive $0xFFFF  }
0x5e: {  	p0 =	sne.s32 s0, $0x0;
	_ =	strace $0x90000047  }
0x5f: {  	s0 =	sadd.s32 @!p0 $0x100000, s1;
	[bflag:$0x2] =	sbarrier.arrive $0xFFFF  }
0x60: {  	[sflag:s0] =	ssyncadd.tile.s32 @!p0 $0x1;
	_ =	shalt  }
.Lfunc_end2:
_tile_overlayer_lowered:
.L_overlay_start_2:
0x61: {  	(tag) =	ssettag $0x2  }
0x62: {  	s0 =	rddreg [dreg:$0x0];
	s2 =	stileid.u32  }
0x63: {  	s1 =	rddreg [dreg:$0x1];
	p0 =	sne.s32 s2, $0x0  }
0x64: {  	s3 =	rddreg [dreg:$0x2];
	[bflag:$0x3] =	sbarrier.arrive $0xFFFF;
	s2 =	simm.s32 @!p0 $0x1C03  }
0x65: {  	[timem:s3], [sflag:s2] =	dma.local @!p0 [hbm:s0], s1  }
0x66: {  	s0 =	simm.s32 @!p0 $0x3  }
0x67: {  	_ =	swait.ge @!p0 [sflag:s0], s1  }
0x68: {  	s1 =	ssub.s32 @!p0 $0x0, s1;
	[sflag:s0] =	ssyncset.done @!p0 $0x0  }
0x69: {  	[sflag:s0] =	ssyncadd.s32 @!p0 s1  }
0x6a: {  	[bflag:$0x3] =	sbarrier.arrive $0xFFFF  }
0x6b: {  	_ =	shalt  }

</sc_bundles>
